<compile_context>
chip_gen: v7x
topology: tpu7x:2x2x1
jax: 0.10.2.dev20260603
libtpu: 0.0.44.dev20260713+nightly
codegen_flags: <defaults>
</compile_context>

<pallas_src>
import jax
import jax.numpy as jnp
from jax import lax
from jax.experimental import pallas as pl
from jax.experimental.pallas import tpu as pltpu
from jax.experimental.pallas import tpu_sc as plsc

B = 4096
S = 200
D = 64
C = 4
V = 1000000
INV_S = 1.0 / S

NC = 2
NS = 16
LANES = 16
BPT = B // NS
NG = BPT // LANES
GIDX = LANES * S

BK = 32768


def _proj_body(w_ref, b_ref, x_ref, o0_ref, o1_ref):
    p = lax.dot_general(w_ref[...], x_ref[...], (((0,), (0,)), ((), ())),
                        preferred_element_type=jnp.float32)
    q = (p + b_ref[...]) * INV_S
    u = lax.bitcast_convert_type(q.astype(jnp.bfloat16), jnp.uint16)
    lo = u[0:2].astype(jnp.uint32)
    hi = u[2:4].astype(jnp.uint32)
    w = lax.bitcast_convert_type((hi << 16) | lo, jnp.int32)
    o0_ref[...] = w[0]
    o1_ref[...] = w[1]


def _project(tableT, Wp, bp):
    nblk = (V + BK - 1) // BK
    return pl.pallas_call(
        _proj_body,
        grid=(nblk,),
        in_specs=[
            pl.BlockSpec((D, C), lambda i: (0, 0)),
            pl.BlockSpec((C, 1), lambda i: (0, 0)),
            pl.BlockSpec((D, BK), lambda i: (0, i)),
        ],
        out_specs=[
            pl.BlockSpec((BK,), lambda i: (i,)),
            pl.BlockSpec((BK,), lambda i: (i,)),
        ],
        out_shape=[
            jax.ShapeDtypeStruct((V,), jnp.int32),
            jax.ShapeDtypeStruct((V,), jnp.int32),
        ],
    )(Wp, bp, tableT)


def _pool_body(ids4_hbm, qp0_hbm, qp1_hbm, out_hbm,
               idx_v, idxt0, idxt1, d0, d1, outlo, outhi, plane, s0, s1):
    c = lax.axis_index("c")
    sid = lax.axis_index("s")
    base = sid * BPT

    idxts = (idxt0, idxt1)
    dests = (d0, d1)
    sems = (s0, s1)

    pltpu.sync_copy(ids4_hbm.at[:, pl.ds(2 * sid, 2)], idx_v)

    @pl.when(jnp.logical_and(sid == 0, c == 0))
    def _():
        pltpu.sync_copy(qp0_hbm, plane)

    @pl.when(jnp.logical_and(sid == 0, c == 1))
    def _():
        pltpu.sync_copy(qp1_hbm, plane)

    plsc.subcore_barrier()

    def build(buf, g):
        bt = g // 8
        lane_off = (g % 8) * LANES

        def bs(s, _):
            v = idx_v[s // 8, bt, s % 8, pl.ds(lane_off, LANES)]
            idxts[buf][pl.ds(s * LANES, LANES)] = v
            return 0

        lax.fori_loop(0, S, bs, 0)


    def fire(buf):
        pltpu.async_copy(plane.at[idxts[buf]], dests[buf], sems[buf])

    def drain(buf):
        pltpu.make_async_copy(plane.at[idxts[buf]], dests[buf],
                              sems[buf]).wait()

    mask_hi = jnp.full((LANES,), -65536, jnp.int32)

    def consume(g, buf):
        def sb(s, acc):
            alo, ahi = acc
            w = dests[buf][pl.ds(s * LANES, LANES)]
            flo = plsc.bitcast(lax.shift_left(w, 16), jnp.float32)
            fhi = plsc.bitcast(lax.bitwise_and(w, mask_hi), jnp.float32)
            return (alo + flo, ahi + fhi)

        zero = jnp.zeros((LANES,), jnp.float32)
        alo, ahi = lax.fori_loop(0, S, sb, (zero, zero), unroll=4)
        outlo[pl.ds(g * LANES, LANES)] = alo
        outhi[pl.ds(g * LANES, LANES)] = ahi

    build(0, 0)
    fire(0)
    for g in range(NG):
        buf = g & 1
        if g + 1 < NG:
            build(1 - buf, g + 1)
            fire(1 - buf)
        drain(buf)
        consume(g, buf)

    pltpu.sync_copy(outlo, out_hbm.at[2 * c, pl.ds(base, BPT)])
    pltpu.sync_copy(outhi, out_hbm.at[2 * c + 1, pl.ds(base, BPT)])


@jax.jit
def _sc_pool(ids, qp0, qp1):
    mesh = plsc.VectorSubcoreMesh(core_axis_name="c", subcore_axis_name="s",
                                  num_cores=NC, num_subcores=NS)
    return pl.kernel(
        _pool_body,
        out_type=jax.ShapeDtypeStruct((C, B), jnp.float32),
        mesh=mesh,
        compiler_params=pltpu.CompilerParams(use_tc_tiling_on_sc=False,
                                             needs_layout_passes=False),
        scratch_types=[
            pltpu.VMEM((S // 8, 2, 8, 128), jnp.int32),
            pltpu.VMEM((GIDX,), jnp.int32),
            pltpu.VMEM((GIDX,), jnp.int32),
            pltpu.VMEM((GIDX,), jnp.int32),
            pltpu.VMEM((GIDX,), jnp.int32),
            pltpu.VMEM((BPT,), jnp.float32),
            pltpu.VMEM((BPT,), jnp.float32),
            pltpu.VMEM_SHARED((V,), jnp.int32),
            pltpu.SemaphoreType.DMA,
            pltpu.SemaphoreType.DMA,
        ],
    )(ids, qp0, qp1)


def kernel(input_ids, table, W, b):
    perm = jnp.array([0, 2, 1, 3], dtype=jnp.int32)
    qp0, qp1 = _project(table.T, W[:, perm], b[perm].reshape(C, 1))
    ids4 = jnp.transpose(input_ids.reshape(32, 128, S // 8, 8), (2, 0, 3, 1))
    out = _sc_pool(ids4, qp0, qp1)
    return out.T

# --- scband reference (transcript-rebuilt; emitter-appended) ---
"""Pipeline reference for scband-text-cls-model-70248485094108 (READ-ONLY COPY).

The authoritative reference and input builder live on the scoring server;
editing this copy changes nothing except your own understanding.
"""

import jax, jax.numpy as jnp
import numpy as np

VOCAB = 1000000
D_MODEL = 64
NUM_CLASSES = 4
BATCH = 4096
SEQ = 200


def setup_inputs(seed: int = 0) -> dict:
    key = jax.random.key(seed)
    k1, k2, k3 = jax.random.split(key, 3)
    input_ids = jax.random.randint(k1, (BATCH, SEQ), 0, VOCAB, dtype=jnp.int32)
    table = jax.random.normal(k2, (VOCAB, D_MODEL), dtype=jnp.float32) * 0.02
    table = table.at[0].set(0.0)  # padding_idx=0 row is zero
    W = jax.random.normal(k3, (D_MODEL, NUM_CLASSES), dtype=jnp.float32) * 0.05
    b = jnp.zeros((NUM_CLASSES,), dtype=jnp.float32)
    return {"input_ids": input_ids, "table": table, "W": W, "b": b}


def reference(input_ids, table, W, b):
    # embedding lookup (padding_idx row already zeroed in table)
    x = jnp.take(table, input_ids, axis=0)          # [B, S, d_model]
    # backbone is identity (see notes)
    # _pool with mask=None -> mean over sequence dim
    pooled = x.mean(axis=1)                          # [B, d_model]
    logits = pooled @ W + b                          # [B, num_classes]
    return logits

if __name__ == "__main__":
    import jax
    _d = setup_inputs()
    print(jax.jit(kernel)(*tuple(_d.values())))

</pallas_src>

<mosaic_0001>
#map = affine_map<(d0, d1) -> (0, 0, 0, 0)>
#map1 = affine_map<(d0, d1) -> (0)>
#map2 = affine_map<(d0, d1) -> (0, 0)>
module attributes {stable_mosaic.version = 14 : i64} {
  func.func @_pool_body(%arg0: i32, %arg1: i32, %arg2: memref<25x32x8x128xi32, #tpu.memory_space<hbm>>, %arg3: memref<1000000xi32, #tpu.memory_space<hbm>>, %arg4: memref<1000000xi32, #tpu.memory_space<hbm>>, %arg5: memref<4x4096xf32, #tpu.memory_space<hbm>>, %arg6: memref<25x2x8x128xi32, #tpu.memory_space<vmem>>, %arg7: memref<3200xi32, #tpu.memory_space<vmem>>, %arg8: memref<3200xi32, #tpu.memory_space<vmem>>, %arg9: memref<3200xi32, #tpu.memory_space<vmem>>, %arg10: memref<3200xi32, #tpu.memory_space<vmem>>, %arg11: memref<256xf32, #tpu.memory_space<vmem>>, %arg12: memref<256xf32, #tpu.memory_space<vmem>>, %arg13: memref<1000000xi32, #tpu.memory_space<vmem_shared>>, %arg14: memref<!tpu.dma_semaphore, #tpu.memory_space<semaphore_mem>>, %arg15: memref<!tpu.dma_semaphore, #tpu.memory_space<semaphore_mem>>) attributes {dimension_semantics = [#tpu.dimension_semantics<core_parallel>, #tpu.dimension_semantics<subcore_parallel>], iteration_bounds = array<i64: 2, 16>, scalar_prefetch = 0 : i64, scratch_operands = 10 : i64, tpu.core_type = #tpu.core_type<sc_vector_subcore>, window_params = [{transform_indices = #map}, {transform_indices = #map1}, {transform_indices = #map1}, {transform_indices = #map2}]} {
    %mul3A = arith.constant 256 : i32
    %mul3A_0 = arith.muli %arg1, %mul3A : i32
    %mul3A_1 = arith.constant 2 : i32
    %mul3A_2 = arith.muli %mul3A_1, %arg1 : i32
    "tpu.region"() ({
      %run_scoped3A = tpu.sem_alloc : memref<!tpu.dma_semaphore, #tpu.memory_space<semaphore_mem>>
      %dma_start3A_385 = arith.constant 0 : i32
      %dma_start3A_386 = arith.constant 0 : i32
      %dma_start3A_387 = arith.constant 0 : i32
      %dma_start3A_388 = tpu.memref_slice %arg2[%dma_start3A_385, %mul3A_2, %dma_start3A_386, %dma_start3A_387] : memref<25x32x8x128xi32, #tpu.memory_space<hbm>> -> memref<25x2x8x128xi32, #tpu.memory_space<hbm>>
      %dma_start3A_389 = arith.constant 0 : i32
      %dma_start3A_390 = arith.constant 0 : i32
      %dma_start3A_391 = arith.constant 0 : i32
      %dma_start3A_392 = tpu.memref_slice %arg2[%dma_start3A_389, %mul3A_2, %dma_start3A_390, %dma_start3A_391] : memref<25x32x8x128xi32, #tpu.memory_space<hbm>> -> memref<25x2x8x128xi32, #tpu.memory_space<hbm>>
      tpu.enqueue_dma source(%dma_start3A_392 : memref<25x2x8x128xi32, #tpu.memory_space<hbm>>) target(%arg6 : memref<25x2x8x128xi32, #tpu.memory_space<vmem>>) target_semaphore(%run_scoped3A : memref<!tpu.dma_semaphore, #tpu.memory_space<semaphore_mem>>)
      %dma_wait3A_393 = arith.constant 0 : i32
      %dma_wait3A_394 = arith.constant 0 : i32
      %dma_wait3A_395 = arith.constant 0 : i32
      %dma_wait3A_396 = tpu.memref_slice %arg2[%dma_wait3A_393, %mul3A_2, %dma_wait3A_394, %dma_wait3A_395] : memref<25x32x8x128xi32, #tpu.memory_space<hbm>> -> memref<25x2x8x128xi32, #tpu.memory_space<hbm>>
      %dma_wait3A_397 = arith.constant 0 : i32
      %dma_wait3A_398 = arith.constant 0 : i32
      %dma_wait3A_399 = arith.constant 0 : i32
      %dma_wait3A_400 = tpu.memref_slice %arg2[%dma_wait3A_397, %mul3A_2, %dma_wait3A_398, %dma_wait3A_399] : memref<25x32x8x128xi32, #tpu.memory_space<hbm>> -> memref<25x2x8x128xi32, #tpu.memory_space<hbm>>
      tpu.wait_dma2 semaphore(%run_scoped3A : memref<!tpu.dma_semaphore, #tpu.memory_space<semaphore_mem>>) src(%dma_wait3A_400 : memref<25x2x8x128xi32, #tpu.memory_space<hbm>>) dst(%arg6 : memref<25x2x8x128xi32, #tpu.memory_space<vmem>>)
      tpu.yield
    }) : () -> ()
    %eq3A = arith.constant 0 : i32
    %eq3A_3 = arith.cmpi eq, %arg1, %eq3A : i32
    %eq3A_4 = arith.constant 0 : i32
    %eq3A_5 = arith.cmpi eq, %arg0, %eq3A_4 : i32
    %and3A = arith.andi %eq3A_3, %eq3A_5 : i1
    %convert_element_type3A = arith.extui %and3A : i1 to i32
    %cond3A = arith.constant 0 : i32
    %cond3A_6 = arith.cmpi ne, %convert_element_type3A, %cond3A : i32
    scf.if %cond3A_6 {
      "tpu.region"() ({
        %run_scoped3A = tpu.sem_alloc : memref<!tpu.dma_semaphore, #tpu.memory_space<semaphore_mem>>
        tpu.enqueue_dma source(%arg3 : memref<1000000xi32, #tpu.memory_space<hbm>>) target(%arg13 : memref<1000000xi32, #tpu.memory_space<vmem_shared>>) target_semaphore(%run_scoped3A : memref<!tpu.dma_semaphore, #tpu.memory_space<semaphore_mem>>)
        tpu.wait_dma2 semaphore(%run_scoped3A : memref<!tpu.dma_semaphore, #tpu.memory_space<semaphore_mem>>) src(%arg3 : memref<1000000xi32, #tpu.memory_space<hbm>>) dst(%arg13 : memref<1000000xi32, #tpu.memory_space<vmem_shared>>)
        tpu.yield
      }) : () -> ()
    } else {
    }
    %eq3A_7 = arith.constant 0 : i32
    %eq3A_8 = arith.cmpi eq, %arg1, %eq3A_7 : i32
    %eq3A_9 = arith.constant 1 : i32
    %eq3A_10 = arith.cmpi eq, %arg0, %eq3A_9 : i32
    %and3A_11 = arith.andi %eq3A_8, %eq3A_10 : i1
    %convert_element_type3A_12 = arith.extui %and3A_11 : i1 to i32
    %cond3A_13 = arith.constant 0 : i32
    %cond3A_14 = arith.cmpi ne, %convert_element_type3A_12, %cond3A_13 : i32
    scf.if %cond3A_14 {
      "tpu.region"() ({
        %run_scoped3A = tpu.sem_alloc : memref<!tpu.dma_semaphore, #tpu.memory_space<semaphore_mem>>
        tpu.enqueue_dma source(%arg4 : memref<1000000xi32, #tpu.memory_space<hbm>>) target(%arg13 : memref<1000000xi32, #tpu.memory_space<vmem_shared>>) target_semaphore(%run_scoped3A : memref<!tpu.dma_semaphore, #tpu.memory_space<semaphore_mem>>)
        tpu.wait_dma2 semaphore(%run_scoped3A : memref<!tpu.dma_semaphore, #tpu.memory_space<semaphore_mem>>) src(%arg4 : memref<1000000xi32, #tpu.memory_space<hbm>>) dst(%arg13 : memref<1000000xi32, #tpu.memory_space<vmem_shared>>)
        tpu.yield
      }) : () -> ()
    } else {
    }
    %barrier3A = arith.constant 0 : index
    tpu.barrier barrier_id(%barrier3A)
    %broadcast_in_dim3A = arith.constant -65536 : i32
    %broadcast_in_dim3A_15 = vector.broadcast %broadcast_in_dim3A : i32 to vector<16xi32>
    %scan3A = arith.constant 0 : i32
    %scan3A_16 = arith.constant 0 : i32
    %scan3A_17 = arith.constant 200 : i32
    %scan3A_18 = arith.addi %scan3A_16, %scan3A_17 : i32
    %scan3A_19 = arith.constant 1 : i32
    %scan3A_20 = scf.for %scan3A_385 = %scan3A_16 to %scan3A_18 step %scan3A_19 iter_args(%scan3A_386 = %scan3A) -> (i32)  : i32 {
      %jit3A = arith.constant 8 : i32
      %div3A = arith.divsi %scan3A_385, %jit3A : i32
      %sign3A = arith.constant 0 : i32
      %sign3A_387 = arith.cmpi sgt, %scan3A_385, %sign3A : i32
      %sign3A_388 = arith.extui %sign3A_387 : i1 to i32
      %sign3A_389 = arith.constant 0 : i32
      %sign3A_390 = arith.cmpi slt, %scan3A_385, %sign3A_389 : i32
      %sign3A_391 = arith.extui %sign3A_390 : i1 to i32
      %sign3A_392 = arith.subi %sign3A_388, %sign3A_391 : i32
      %sign3A_393 = arith.constant 0 : i32
      %sign3A_394 = arith.cmpi sgt, %jit3A, %sign3A_393 : i32
      %sign3A_395 = arith.extui %sign3A_394 : i1 to i32
      %sign3A_396 = arith.constant 0 : i32
      %sign3A_397 = arith.cmpi slt, %jit3A, %sign3A_396 : i32
      %sign3A_398 = arith.extui %sign3A_397 : i1 to i32
      %sign3A_399 = arith.subi %sign3A_395, %sign3A_398 : i32
      %ne3A = arith.cmpi ne, %sign3A_392, %sign3A_399 : i32
      %rem3A = arith.remsi %scan3A_385, %jit3A : i32
      %ne3A_400 = arith.constant 0 : i32
      %ne3A_401 = arith.cmpi ne, %rem3A, %ne3A_400 : i32
      %and3A_402 = arith.andi %ne3A, %ne3A_401 : i1
      %sub3A = arith.constant 1 : i32
      %sub3A_403 = arith.subi %div3A, %sub3A : i32
      %select_n3A = arith.select %and3A_402, %sub3A_403, %div3A : i32
      %jit3A_404 = arith.constant 8 : i32
      %eq3A_405 = arith.constant 0 : i32
      %eq3A_406 = arith.cmpi eq, %jit3A_404, %eq3A_405 : i32
      %jit3A_407 = arith.constant 1 : i32
      %select_n3A_408 = arith.select %eq3A_406, %jit3A_407, %jit3A_404 : i32
      %rem3A_409 = arith.remsi %scan3A_385, %select_n3A_408 : i32
      %ne3A_410 = arith.constant 0 : i32
      %ne3A_411 = arith.cmpi ne, %rem3A_409, %ne3A_410 : i32
      %lt3A = arith.constant 0 : i32
      %lt3A_412 = arith.cmpi slt, %rem3A_409, %lt3A : i32
      %lt3A_413 = arith.constant 0 : i32
      %lt3A_414 = arith.cmpi slt, %select_n3A_408, %lt3A_413 : i32
      %ne3A_415 = arith.xori %lt3A_412, %lt3A_414 : i1
      %and3A_416 = arith.andi %ne3A_415, %ne3A_411 : i1
      %add3A_417 = arith.addi %rem3A_409, %select_n3A_408 : i32
      %select_n3A_418 = arith.select %and3A_416, %add3A_417, %rem3A_409 : i32
      %get3A = arith.constant 0 : i32
      %get3A_419 = arith.index_cast %select_n3A : i32 to index
      %get3A_420 = arith.index_cast %get3A : i32 to index
      %get3A_421 = arith.index_cast %select_n3A_418 : i32 to index
      %get3A_422 = arith.constant 0 : index
      %get3A_423 = tpu.vector_load %arg6[%get3A_419, %get3A_420, %get3A_421, %get3A_422] {strides = array<i32>} : memref<25x2x8x128xi32, #tpu.memory_space<vmem>>, vector<16xi32>,
      %mul3A_424 = arith.constant 16 : i32
      %mul3A_425 = arith.muli %scan3A_385, %mul3A_424 : i32
      %swap3A_426 = arith.index_cast %mul3A_425 : i32 to index
      %swap3A_427 = tpu.vector_load %arg7[%swap3A_426] {strides = array<i32>} : memref<3200xi32, #tpu.memory_space<vmem>>, vector<16xi32>,
      tpu.vector_store %arg7[%swap3A_426], %get3A_423 {strides = array<i32>} : memref<3200xi32, #tpu.memory_space<vmem>>, vector<16xi32>,
      %scan3A_428 = arith.constant 0 : i32
      scf.yield %scan3A_428 : i32
    }
    %scan3A_21 = arith.constant 200 : i32
    %dma_start3A = arith.constant 0 : i32
    %dma_start3A_22 = tpu.memref_slice %arg13[%dma_start3A] : memref<1000000xi32, #tpu.memory_space<vmem_shared>> -> memref<1000000xi32, #tpu.memory_space<vmem_shared>>
    tpu.enqueue_indirect_dma source(%dma_start3A_22 : memref<1000000xi32, #tpu.memory_space<vmem_shared>>) target(%arg9 : memref<3200xi32, #tpu.memory_space<vmem>>) offsets(%arg7 : memref<3200xi32, #tpu.memory_space<vmem>>) semaphore(%arg14 : memref<!tpu.dma_semaphore, #tpu.memory_space<semaphore_mem>>)
    %scan3A_23 = arith.constant 0 : i32
    %scan3A_24 = arith.constant 0 : i32
    %scan3A_25 = arith.constant 200 : i32
    %scan3A_26 = arith.addi %scan3A_24, %scan3A_25 : i32
    %scan3A_27 = arith.constant 1 : i32
    %scan3A_28 = scf.for %scan3A_385 = %scan3A_24 to %scan3A_26 step %scan3A_27 iter_args(%scan3A_386 = %scan3A_23) -> (i32)  : i32 {
      %jit3A = arith.constant 8 : i32
      %div3A = arith.divsi %scan3A_385, %jit3A : i32
      %sign3A = arith.constant 0 : i32
      %sign3A_387 = arith.cmpi sgt, %scan3A_385, %sign3A : i32
      %sign3A_388 = arith.extui %sign3A_387 : i1 to i32
      %sign3A_389 = arith.constant 0 : i32
      %sign3A_390 = arith.cmpi slt, %scan3A_385, %sign3A_389 : i32
      %sign3A_391 = arith.extui %sign3A_390 : i1 to i32
      %sign3A_392 = arith.subi %sign3A_388, %sign3A_391 : i32
      %sign3A_393 = arith.constant 0 : i32
      %sign3A_394 = arith.cmpi sgt, %jit3A, %sign3A_393 : i32
      %sign3A_395 = arith.extui %sign3A_394 : i1 to i32
      %sign3A_396 = arith.constant 0 : i32
      %sign3A_397 = arith.cmpi slt, %jit3A, %sign3A_396 : i32
      %sign3A_398 = arith.extui %sign3A_397 : i1 to i32
      %sign3A_399 = arith.subi %sign3A_395, %sign3A_398 : i32
      %ne3A = arith.cmpi ne, %sign3A_392, %sign3A_399 : i32
      %rem3A = arith.remsi %scan3A_385, %jit3A : i32
      %ne3A_400 = arith.constant 0 : i32
      %ne3A_401 = arith.cmpi ne, %rem3A, %ne3A_400 : i32
      %and3A_402 = arith.andi %ne3A, %ne3A_401 : i1
      %sub3A = arith.constant 1 : i32
      %sub3A_403 = arith.subi %div3A, %sub3A : i32
      %select_n3A = arith.select %and3A_402, %sub3A_403, %div3A : i32
      %jit3A_404 = arith.constant 8 : i32
      %eq3A_405 = arith.constant 0 : i32
      %eq3A_406 = arith.cmpi eq, %jit3A_404, %eq3A_405 : i32
      %jit3A_407 = arith.constant 1 : i32
      %select_n3A_408 = arith.select %eq3A_406, %jit3A_407, %jit3A_404 : i32
      %rem3A_409 = arith.remsi %scan3A_385, %select_n3A_408 : i32
      %ne3A_410 = arith.constant 0 : i32
      %ne3A_411 = arith.cmpi ne, %rem3A_409, %ne3A_410 : i32
      %lt3A = arith.constant 0 : i32
      %lt3A_412 = arith.cmpi slt, %rem3A_409, %lt3A : i32
      %lt3A_413 = arith.constant 0 : i32
      %lt3A_414 = arith.cmpi slt, %select_n3A_408, %lt3A_413 : i32
      %ne3A_415 = arith.xori %lt3A_412, %lt3A_414 : i1
      %and3A_416 = arith.andi %ne3A_415, %ne3A_411 : i1
      %add3A_417 = arith.addi %rem3A_409, %select_n3A_408 : i32
      %select_n3A_418 = arith.select %and3A_416, %add3A_417, %rem3A_409 : i32
      %get3A = arith.constant 0 : i32
      %get3A_419 = arith.index_cast %select_n3A : i32 to index
      %get3A_420 = arith.index_cast %get3A : i32 to index
      %get3A_421 = arith.index_cast %select_n3A_418 : i32 to index
      %get3A_422 = arith.constant 16 : index
      %get3A_423 = tpu.vector_load %arg6[%get3A_419, %get3A_420, %get3A_421, %get3A_422] {strides = array<i32>} : memref<25x2x8x128xi32, #tpu.memory_space<vmem>>, vector<16xi32>,
      %mul3A_424 = arith.constant 16 : i32
      %mul3A_425 = arith.muli %scan3A_385, %mul3A_424 : i32
      %swap3A_426 = arith.index_cast %mul3A_425 : i32 to index
      %swap3A_427 = tpu.vector_load %arg8[%swap3A_426] {strides = array<i32>} : memref<3200xi32, #tpu.memory_space<vmem>>, vector<16xi32>,
      tpu.vector_store %arg8[%swap3A_426], %get3A_423 {strides = array<i32>} : memref<3200xi32, #tpu.memory_space<vmem>>, vector<16xi32>,
      %scan3A_428 = arith.constant 0 : i32
      scf.yield %scan3A_428 : i32
    }
    %scan3A_29 = arith.constant 200 : i32
    %dma_start3A_30 = arith.constant 0 : i32
    %dma_start3A_31 = tpu.memref_slice %arg13[%dma_start3A_30] : memref<1000000xi32, #tpu.memory_space<vmem_shared>> -> memref<1000000xi32, #tpu.memory_space<vmem_shared>>
    tpu.enqueue_indirect_dma source(%dma_start3A_31 : memref<1000000xi32, #tpu.memory_space<vmem_shared>>) target(%arg10 : memref<3200xi32, #tpu.memory_space<vmem>>) offsets(%arg8 : memref<3200xi32, #tpu.memory_space<vmem>>) semaphore(%arg15 : memref<!tpu.dma_semaphore, #tpu.memory_space<semaphore_mem>>)
    %dma_wait3A = arith.constant 0 : i32
    %dma_wait3A_32 = tpu.memref_slice %arg13[%dma_wait3A] : memref<1000000xi32, #tpu.memory_space<vmem_shared>> -> memref<1000000xi32, #tpu.memory_space<vmem_shared>>
    tpu.wait_indirect_dma semaphore(%arg14 : memref<!tpu.dma_semaphore, #tpu.memory_space<semaphore_mem>>) src(%dma_wait3A_32 : memref<1000000xi32, #tpu.memory_space<vmem_shared>>) dst(%arg9 : memref<3200xi32, #tpu.memory_space<vmem>>)
    %broadcast_in_dim3A_33 = arith.constant 0.000000e+00 : f32
    %broadcast_in_dim3A_34 = vector.broadcast %broadcast_in_dim3A_33 : f32 to vector<16xf32>
    %scan3A_35 = arith.constant 0 : i32
    %scan3A_36 = arith.constant 200 : i32
    %scan3A_37 = arith.addi %scan3A_35, %scan3A_36 : i32
    %scan3A_38 = arith.constant 4 : i32
    %scan3A_39:2 = scf.for %scan3A_385 = %scan3A_35 to %scan3A_37 step %scan3A_38 iter_args(%scan3A_386 = %broadcast_in_dim3A_34, %scan3A_387 = %broadcast_in_dim3A_34) -> (vector<16xf32>, vector<16xf32>)  : i32 {
      %mul3A_388 = arith.constant 16 : i32
      %mul3A_389 = arith.muli %scan3A_385, %mul3A_388 : i32
      %get3A = arith.index_cast %mul3A_389 : i32 to index
      %get3A_390 = tpu.vector_load %arg9[%get3A] {strides = array<i32>} : memref<3200xi32, #tpu.memory_space<vmem>>, vector<16xi32>,
      %shift_left3A = arith.constant 16 : i32
      %shift_left3A_391 = vector.broadcast %shift_left3A : i32 to vector<16xi32>
      %shift_left3A_392 = arith.shli %get3A_390, %shift_left3A_391 : vector<16xi32>
      %bitcast3A = vector.bitcast %shift_left3A_392 : vector<16xi32> to vector<16xf32>
      %and3A_393 = arith.andi %get3A_390, %broadcast_in_dim3A_15 : vector<16xi32>
      %bitcast3A_394 = vector.bitcast %and3A_393 : vector<16xi32> to vector<16xf32>
      %add3A_395 = arith.addf %scan3A_386, %bitcast3A : vector<16xf32>
      %add3A_396 = arith.addf %scan3A_387, %bitcast3A_394 : vector<16xf32>
      %scan3A_397 = arith.constant 1 : i32
      %scan3A_398 = arith.addi %scan3A_385, %scan3A_397 : i32
      %mul3A_399 = arith.constant 16 : i32
      %mul3A_400 = arith.muli %scan3A_398, %mul3A_399 : i32
      %get3A_401 = arith.index_cast %mul3A_400 : i32 to index
      %get3A_402 = tpu.vector_load %arg9[%get3A_401] {strides = array<i32>} : memref<3200xi32, #tpu.memory_space<vmem>>, vector<16xi32>,
      %shift_left3A_403 = arith.constant 16 : i32
      %shift_left3A_404 = vector.broadcast %shift_left3A_403 : i32 to vector<16xi32>
      %shift_left3A_405 = arith.shli %get3A_402, %shift_left3A_404 : vector<16xi32>
      %bitcast3A_406 = vector.bitcast %shift_left3A_405 : vector<16xi32> to vector<16xf32>
      %and3A_407 = arith.andi %get3A_402, %broadcast_in_dim3A_15 : vector<16xi32>
      %bitcast3A_408 = vector.bitcast %and3A_407 : vector<16xi32> to vector<16xf32>
      %add3A_409 = arith.addf %add3A_395, %bitcast3A_406 : vector<16xf32>
      %add3A_410 = arith.addf %add3A_396, %bitcast3A_408 : vector<16xf32>
      %scan3A_411 = arith.constant 2 : i32
      %scan3A_412 = arith.addi %scan3A_385, %scan3A_411 : i32
      %mul3A_413 = arith.constant 16 : i32
      %mul3A_414 = arith.muli %scan3A_412, %mul3A_413 : i32
      %get3A_415 = arith.index_cast %mul3A_414 : i32 to index
      %get3A_416 = tpu.vector_load %arg9[%get3A_415] {strides = array<i32>} : memref<3200xi32, #tpu.memory_space<vmem>>, vector<16xi32>,
      %shift_left3A_417 = arith.constant 16 : i32
      %shift_left3A_418 = vector.broadcast %shift_left3A_417 : i32 to vector<16xi32>
      %shift_left3A_419 = arith.shli %get3A_416, %shift_left3A_418 : vector<16xi32>
      %bitcast3A_420 = vector.bitcast %shift_left3A_419 : vector<16xi32> to vector<16xf32>
      %and3A_421 = arith.andi %get3A_416, %broadcast_in_dim3A_15 : vector<16xi32>
      %bitcast3A_422 = vector.bitcast %and3A_421 : vector<16xi32> to vector<16xf32>
      %add3A_423 = arith.addf %add3A_409, %bitcast3A_420 : vector<16xf32>
      %add3A_424 = arith.addf %add3A_410, %bitcast3A_422 : vector<16xf32>
      %scan3A_425 = arith.constant 3 : i32
      %scan3A_426 = arith.addi %scan3A_385, %scan3A_425 : i32
      %mul3A_427 = arith.constant 16 : i32
      %mul3A_428 = arith.muli %scan3A_426, %mul3A_427 : i32
      %get3A_429 = arith.index_cast %mul3A_428 : i32 to index
      %get3A_430 = tpu.vector_load %arg9[%get3A_429] {strides = array<i32>} : memref<3200xi32, #tpu.memory_space<vmem>>, vector<16xi32>,
      %shift_left3A_431 = arith.constant 16 : i32
      %shift_left3A_432 = vector.broadcast %shift_left3A_431 : i32 to vector<16xi32>
      %shift_left3A_433 = arith.shli %get3A_430, %shift_left3A_432 : vector<16xi32>
      %bitcast3A_434 = vector.bitcast %shift_left3A_433 : vector<16xi32> to vector<16xf32>
      %and3A_435 = arith.andi %get3A_430, %broadcast_in_dim3A_15 : vector<16xi32>
      %bitcast3A_436 = vector.bitcast %and3A_435 : vector<16xi32> to vector<16xf32>
      %add3A_437 = arith.addf %add3A_423, %bitcast3A_434 : vector<16xf32>
      %add3A_438 = arith.addf %add3A_424, %bitcast3A_436 : vector<16xf32>
      scf.yield %add3A_437, %add3A_438 : vector<16xf32>, vector<16xf32>
    }
    %scan3A_40 = arith.constant 200 : i32
    %swap3A = arith.constant 0 : index
    %swap3A_41 = tpu.vector_load %arg11[%swap3A] {strides = array<i32>} : memref<256xf32, #tpu.memory_space<vmem>>, vector<16xf32>,
    tpu.vector_store %arg11[%swap3A], %scan3A_39#0 {strides = array<i32>} : memref<256xf32, #tpu.memory_space<vmem>>, vector<16xf32>,
    %swap3A_42 = arith.constant 0 : index
    %swap3A_43 = tpu.vector_load %arg12[%swap3A_42] {strides = array<i32>} : memref<256xf32, #tpu.memory_space<vmem>>, vector<16xf32>,
    tpu.vector_store %arg12[%swap3A_42], %scan3A_39#1 {strides = array<i32>} : memref<256xf32, #tpu.memory_space<vmem>>, vector<16xf32>,
    %scan3A_44 = arith.constant 0 : i32
    %scan3A_45 = arith.constant 0 : i32
    %scan3A_46 = arith.constant 200 : i32
    %scan3A_47 = arith.addi %scan3A_45, %scan3A_46 : i32
    %scan3A_48 = arith.constant 1 : i32
    %scan3A_49 = scf.for %scan3A_385 = %scan3A_45 to %scan3A_47 step %scan3A_48 iter_args(%scan3A_386 = %scan3A_44) -> (i32)  : i32 {
      %jit3A = arith.constant 8 : i32
      %div3A = arith.divsi %scan3A_385, %jit3A : i32
      %sign3A = arith.constant 0 : i32
      %sign3A_387 = arith.cmpi sgt, %scan3A_385, %sign3A : i32
      %sign3A_388 = arith.extui %sign3A_387 : i1 to i32
      %sign3A_389 = arith.constant 0 : i32
      %sign3A_390 = arith.cmpi slt, %scan3A_385, %sign3A_389 : i32
      %sign3A_391 = arith.extui %sign3A_390 : i1 to i32
      %sign3A_392 = arith.subi %sign3A_388, %sign3A_391 : i32
      %sign3A_393 = arith.constant 0 : i32
      %sign3A_394 = arith.cmpi sgt, %jit3A, %sign3A_393 : i32
      %sign3A_395 = arith.extui %sign3A_394 : i1 to i32
      %sign3A_396 = arith.constant 0 : i32
      %sign3A_397 = arith.cmpi slt, %jit3A, %sign3A_396 : i32
      %sign3A_398 = arith.extui %sign3A_397 : i1 to i32
      %sign3A_399 = arith.subi %sign3A_395, %sign3A_398 : i32
      %ne3A = arith.cmpi ne, %sign3A_392, %sign3A_399 : i32
      %rem3A = arith.remsi %scan3A_385, %jit3A : i32
      %ne3A_400 = arith.constant 0 : i32
      %ne3A_401 = arith.cmpi ne, %rem3A, %ne3A_400 : i32
      %and3A_402 = arith.andi %ne3A, %ne3A_401 : i1
      %sub3A = arith.constant 1 : i32
      %sub3A_403 = arith.subi %div3A, %sub3A : i32
      %select_n3A = arith.select %and3A_402, %sub3A_403, %div3A : i32
      %jit3A_404 = arith.constant 8 : i32
      %eq3A_405 = arith.constant 0 : i32
      %eq3A_406 = arith.cmpi eq, %jit3A_404, %eq3A_405 : i32
      %jit3A_407 = arith.constant 1 : i32
      %select_n3A_408 = arith.select %eq3A_406, %jit3A_407, %jit3A_404 : i32
      %rem3A_409 = arith.remsi %scan3A_385, %select_n3A_408 : i32
      %ne3A_410 = arith.constant 0 : i32
      %ne3A_411 = arith.cmpi ne, %rem3A_409, %ne3A_410 : i32
      %lt3A = arith.constant 0 : i32
      %lt3A_412 = arith.cmpi slt, %rem3A_409, %lt3A : i32
      %lt3A_413 = arith.constant 0 : i32
      %lt3A_414 = arith.cmpi slt, %select_n3A_408, %lt3A_413 : i32
      %ne3A_415 = arith.xori %lt3A_412, %lt3A_414 : i1
      %and3A_416 = arith.andi %ne3A_415, %ne3A_411 : i1
      %add3A_417 = arith.addi %rem3A_409, %select_n3A_408 : i32
      %select_n3A_418 = arith.select %and3A_416, %add3A_417, %rem3A_409 : i32
      %get3A = arith.constant 0 : i32
      %get3A_419 = arith.index_cast %select_n3A : i32 to index
      %get3A_420 = arith.index_cast %get3A : i32 to index
      %get3A_421 = arith.index_cast %select_n3A_418 : i32 to index
      %get3A_422 = arith.constant 32 : index
      %get3A_423 = tpu.vector_load %arg6[%get3A_419, %get3A_420, %get3A_421, %get3A_422] {strides = array<i32>} : memref<25x2x8x128xi32, #tpu.memory_space<vmem>>, vector<16xi32>,
      %mul3A_424 = arith.constant 16 : i32
      %mul3A_425 = arith.muli %scan3A_385, %mul3A_424 : i32
      %swap3A_426 = arith.index_cast %mul3A_425 : i32 to index
      %swap3A_427 = tpu.vector_load %arg7[%swap3A_426] {strides = array<i32>} : memref<3200xi32, #tpu.memory_space<vmem>>, vector<16xi32>,
      tpu.vector_store %arg7[%swap3A_426], %get3A_423 {strides = array<i32>} : memref<3200xi32, #tpu.memory_space<vmem>>, vector<16xi32>,
      %scan3A_428 = arith.constant 0 : i32
      scf.yield %scan3A_428 : i32
    }
    %scan3A_50 = arith.constant 200 : i32
    %dma_start3A_51 = arith.constant 0 : i32
    %dma_start3A_52 = tpu.memref_slice %arg13[%dma_start3A_51] : memref<1000000xi32, #tpu.memory_space<vmem_shared>> -> memref<1000000xi32, #tpu.memory_space<vmem_shared>>
    tpu.enqueue_indirect_dma source(%dma_start3A_52 : memref<1000000xi32, #tpu.memory_space<vmem_shared>>) target(%arg9 : memref<3200xi32, #tpu.memory_space<vmem>>) offsets(%arg7 : memref<3200xi32, #tpu.memory_space<vmem>>) semaphore(%arg14 : memref<!tpu.dma_semaphore, #tpu.memory_space<semaphore_mem>>)
    %dma_wait3A_53 = arith.constant 0 : i32
    %dma_wait3A_54 = tpu.memref_slice %arg13[%dma_wait3A_53] : memref<1000000xi32, #tpu.memory_space<vmem_shared>> -> memref<1000000xi32, #tpu.memory_space<vmem_shared>>
    tpu.wait_indirect_dma semaphore(%arg15 : memref<!tpu.dma_semaphore, #tpu.memory_space<semaphore_mem>>) src(%dma_wait3A_54 : memref<1000000xi32, #tpu.memory_space<vmem_shared>>) dst(%arg10 : memref<3200xi32, #tpu.memory_space<vmem>>)
    %broadcast_in_dim3A_55 = arith.constant 0.000000e+00 : f32
    %broadcast_in_dim3A_56 = vector.broadcast %broadcast_in_dim3A_55 : f32 to vector<16xf32>
    %scan3A_57 = arith.constant 0 : i32
    %scan3A_58 = arith.constant 200 : i32
    %scan3A_59 = arith.addi %scan3A_57, %scan3A_58 : i32
    %scan3A_60 = arith.constant 4 : i32
    %scan3A_61:2 = scf.for %scan3A_385 = %scan3A_57 to %scan3A_59 step %scan3A_60 iter_args(%scan3A_386 = %broadcast_in_dim3A_56, %scan3A_387 = %broadcast_in_dim3A_56) -> (vector<16xf32>, vector<16xf32>)  : i32 {
      %mul3A_388 = arith.constant 16 : i32
      %mul3A_389 = arith.muli %scan3A_385, %mul3A_388 : i32
      %get3A = arith.index_cast %mul3A_389 : i32 to index
      %get3A_390 = tpu.vector_load %arg10[%get3A] {strides = array<i32>} : memref<3200xi32, #tpu.memory_space<vmem>>, vector<16xi32>,
      %shift_left3A = arith.constant 16 : i32
      %shift_left3A_391 = vector.broadcast %shift_left3A : i32 to vector<16xi32>
      %shift_left3A_392 = arith.shli %get3A_390, %shift_left3A_391 : vector<16xi32>
      %bitcast3A = vector.bitcast %shift_left3A_392 : vector<16xi32> to vector<16xf32>
      %and3A_393 = arith.andi %get3A_390, %broadcast_in_dim3A_15 : vector<16xi32>
      %bitcast3A_394 = vector.bitcast %and3A_393 : vector<16xi32> to vector<16xf32>
      %add3A_395 = arith.addf %scan3A_386, %bitcast3A : vector<16xf32>
      %add3A_396 = arith.addf %scan3A_387, %bitcast3A_394 : vector<16xf32>
      %scan3A_397 = arith.constant 1 : i32
      %scan3A_398 = arith.addi %scan3A_385, %scan3A_397 : i32
      %mul3A_399 = arith.constant 16 : i32
      %mul3A_400 = arith.muli %scan3A_398, %mul3A_399 : i32
      %get3A_401 = arith.index_cast %mul3A_400 : i32 to index
      %get3A_402 = tpu.vector_load %arg10[%get3A_401] {strides = array<i32>} : memref<3200xi32, #tpu.memory_space<vmem>>, vector<16xi32>,
      %shift_left3A_403 = arith.constant 16 : i32
      %shift_left3A_404 = vector.broadcast %shift_left3A_403 : i32 to vector<16xi32>
      %shift_left3A_405 = arith.shli %get3A_402, %shift_left3A_404 : vector<16xi32>
      %bitcast3A_406 = vector.bitcast %shift_left3A_405 : vector<16xi32> to vector<16xf32>
      %and3A_407 = arith.andi %get3A_402, %broadcast_in_dim3A_15 : vector<16xi32>
      %bitcast3A_408 = vector.bitcast %and3A_407 : vector<16xi32> to vector<16xf32>
      %add3A_409 = arith.addf %add3A_395, %bitcast3A_406 : vector<16xf32>
      %add3A_410 = arith.addf %add3A_396, %bitcast3A_408 : vector<16xf32>
      %scan3A_411 = arith.constant 2 : i32
      %scan3A_412 = arith.addi %scan3A_385, %scan3A_411 : i32
      %mul3A_413 = arith.constant 16 : i32
      %mul3A_414 = arith.muli %scan3A_412, %mul3A_413 : i32
      %get3A_415 = arith.index_cast %mul3A_414 : i32 to index
      %get3A_416 = tpu.vector_load %arg10[%get3A_415] {strides = array<i32>} : memref<3200xi32, #tpu.memory_space<vmem>>, vector<16xi32>,
      %shift_left3A_417 = arith.constant 16 : i32
      %shift_left3A_418 = vector.broadcast %shift_left3A_417 : i32 to vector<16xi32>
      %shift_left3A_419 = arith.shli %get3A_416, %shift_left3A_418 : vector<16xi32>
      %bitcast3A_420 = vector.bitcast %shift_left3A_419 : vector<16xi32> to vector<16xf32>
      %and3A_421 = arith.andi %get3A_416, %broadcast_in_dim3A_15 : vector<16xi32>
      %bitcast3A_422 = vector.bitcast %and3A_421 : vector<16xi32> to vector<16xf32>
      %add3A_423 = arith.addf %add3A_409, %bitcast3A_420 : vector<16xf32>
      %add3A_424 = arith.addf %add3A_410, %bitcast3A_422 : vector<16xf32>
      %scan3A_425 = arith.constant 3 : i32
      %scan3A_426 = arith.addi %scan3A_385, %scan3A_425 : i32
      %mul3A_427 = arith.constant 16 : i32
      %mul3A_428 = arith.muli %scan3A_426, %mul3A_427 : i32
      %get3A_429 = arith.index_cast %mul3A_428 : i32 to index
      %get3A_430 = tpu.vector_load %arg10[%get3A_429] {strides = array<i32>} : memref<3200xi32, #tpu.memory_space<vmem>>, vector<16xi32>,
      %shift_left3A_431 = arith.constant 16 : i32
      %shift_left3A_432 = vector.broadcast %shift_left3A_431 : i32 to vector<16xi32>
      %shift_left3A_433 = arith.shli %get3A_430, %shift_left3A_432 : vector<16xi32>
      %bitcast3A_434 = vector.bitcast %shift_left3A_433 : vector<16xi32> to vector<16xf32>
      %and3A_435 = arith.andi %get3A_430, %broadcast_in_dim3A_15 : vector<16xi32>
      %bitcast3A_436 = vector.bitcast %and3A_435 : vector<16xi32> to vector<16xf32>
      %add3A_437 = arith.addf %add3A_423, %bitcast3A_434 : vector<16xf32>
      %add3A_438 = arith.addf %add3A_424, %bitcast3A_436 : vector<16xf32>
      scf.yield %add3A_437, %add3A_438 : vector<16xf32>, vector<16xf32>
    }
    %scan3A_62 = arith.constant 200 : i32
    %swap3A_63 = arith.constant 16 : index
    %swap3A_64 = tpu.vector_load %arg11[%swap3A_63] {strides = array<i32>} : memref<256xf32, #tpu.memory_space<vmem>>, vector<16xf32>,
    tpu.vector_store %arg11[%swap3A_63], %scan3A_61#0 {strides = array<i32>} : memref<256xf32, #tpu.memory_space<vmem>>, vector<16xf32>,
    %swap3A_65 = arith.constant 16 : index
    %swap3A_66 = tpu.vector_load %arg12[%swap3A_65] {strides = array<i32>} : memref<256xf32, #tpu.memory_space<vmem>>, vector<16xf32>,
    tpu.vector_store %arg12[%swap3A_65], %scan3A_61#1 {strides = array<i32>} : memref<256xf32, #tpu.memory_space<vmem>>, vector<16xf32>,
    %scan3A_67 = arith.constant 0 : i32
    %scan3A_68 = arith.constant 0 : i32
    %scan3A_69 = arith.constant 200 : i32
    %scan3A_70 = arith.addi %scan3A_68, %scan3A_69 : i32
    %scan3A_71 = arith.constant 1 : i32
    %scan3A_72 = scf.for %scan3A_385 = %scan3A_68 to %scan3A_70 step %scan3A_71 iter_args(%scan3A_386 = %scan3A_67) -> (i32)  : i32 {
      %jit3A = arith.constant 8 : i32
      %div3A = arith.divsi %scan3A_385, %jit3A : i32
      %sign3A = arith.constant 0 : i32
      %sign3A_387 = arith.cmpi sgt, %scan3A_385, %sign3A : i32
      %sign3A_388 = arith.extui %sign3A_387 : i1 to i32
      %sign3A_389 = arith.constant 0 : i32
      %sign3A_390 = arith.cmpi slt, %scan3A_385, %sign3A_389 : i32
      %sign3A_391 = arith.extui %sign3A_390 : i1 to i32
      %sign3A_392 = arith.subi %sign3A_388, %sign3A_391 : i32
      %sign3A_393 = arith.constant 0 : i32
      %sign3A_394 = arith.cmpi sgt, %jit3A, %sign3A_393 : i32
      %sign3A_395 = arith.extui %sign3A_394 : i1 to i32
      %sign3A_396 = arith.constant 0 : i32
      %sign3A_397 = arith.cmpi slt, %jit3A, %sign3A_396 : i32
      %sign3A_398 = arith.extui %sign3A_397 : i1 to i32
      %sign3A_399 = arith.subi %sign3A_395, %sign3A_398 : i32
      %ne3A = arith.cmpi ne, %sign3A_392, %sign3A_399 : i32
      %rem3A = arith.remsi %scan3A_385, %jit3A : i32
      %ne3A_400 = arith.constant 0 : i32
      %ne3A_401 = arith.cmpi ne, %rem3A, %ne3A_400 : i32
      %and3A_402 = arith.andi %ne3A, %ne3A_401 : i1
      %sub3A = arith.constant 1 : i32
      %sub3A_403 = arith.subi %div3A, %sub3A : i32
      %select_n3A = arith.select %and3A_402, %sub3A_403, %div3A : i32
      %jit3A_404 = arith.constant 8 : i32
      %eq3A_405 = arith.constant 0 : i32
      %eq3A_406 = arith.cmpi eq, %jit3A_404, %eq3A_405 : i32
      %jit3A_407 = arith.constant 1 : i32
      %select_n3A_408 = arith.select %eq3A_406, %jit3A_407, %jit3A_404 : i32
      %rem3A_409 = arith.remsi %scan3A_385, %select_n3A_408 : i32
      %ne3A_410 = arith.constant 0 : i32
      %ne3A_411 = arith.cmpi ne, %rem3A_409, %ne3A_410 : i32
      %lt3A = arith.constant 0 : i32
      %lt3A_412 = arith.cmpi slt, %rem3A_409, %lt3A : i32
      %lt3A_413 = arith.constant 0 : i32
      %lt3A_414 = arith.cmpi slt, %select_n3A_408, %lt3A_413 : i32
      %ne3A_415 = arith.xori %lt3A_412, %lt3A_414 : i1
      %and3A_416 = arith.andi %ne3A_415, %ne3A_411 : i1
      %add3A_417 = arith.addi %rem3A_409, %select_n3A_408 : i32
      %select_n3A_418 = arith.select %and3A_416, %add3A_417, %rem3A_409 : i32
      %get3A = arith.constant 0 : i32
      %get3A_419 = arith.index_cast %select_n3A : i32 to index
      %get3A_420 = arith.index_cast %get3A : i32 to index
      %get3A_421 = arith.index_cast %select_n3A_418 : i32 to index
      %get3A_422 = arith.constant 48 : index
      %get3A_423 = tpu.vector_load %arg6[%get3A_419, %get3A_420, %get3A_421, %get3A_422] {strides = array<i32>} : memref<25x2x8x128xi32, #tpu.memory_space<vmem>>, vector<16xi32>,
      %mul3A_424 = arith.constant 16 : i32
      %mul3A_425 = arith.muli %scan3A_385, %mul3A_424 : i32
      %swap3A_426 = arith.index_cast %mul3A_425 : i32 to index
      %swap3A_427 = tpu.vector_load %arg8[%swap3A_426] {strides = array<i32>} : memref<3200xi32, #tpu.memory_space<vmem>>, vector<16xi32>,
      tpu.vector_store %arg8[%swap3A_426], %get3A_423 {strides = array<i32>} : memref<3200xi32, #tpu.memory_space<vmem>>, vector<16xi32>,
      %scan3A_428 = arith.constant 0 : i32
      scf.yield %scan3A_428 : i32
    }
    %scan3A_73 = arith.constant 200 : i32
    %dma_start3A_74 = arith.constant 0 : i32
    %dma_start3A_75 = tpu.memref_slice %arg13[%dma_start3A_74] : memref<1000000xi32, #tpu.memory_space<vmem_shared>> -> memref<1000000xi32, #tpu.memory_space<vmem_shared>>
    tpu.enqueue_indirect_dma source(%dma_start3A_75 : memref<1000000xi32, #tpu.memory_space<vmem_shared>>) target(%arg10 : memref<3200xi32, #tpu.memory_space<vmem>>) offsets(%arg8 : memref<3200xi32, #tpu.memory_space<vmem>>) semaphore(%arg15 : memref<!tpu.dma_semaphore, #tpu.memory_space<semaphore_mem>>)
    %dma_wait3A_76 = arith.constant 0 : i32
    %dma_wait3A_77 = tpu.memref_slice %arg13[%dma_wait3A_76] : memref<1000000xi32, #tpu.memory_space<vmem_shared>> -> memref<1000000xi32, #tpu.memory_space<vmem_shared>>
    tpu.wait_indirect_dma semaphore(%arg14 : memref<!tpu.dma_semaphore, #tpu.memory_space<semaphore_mem>>) src(%dma_wait3A_77 : memref<1000000xi32, #tpu.memory_space<vmem_shared>>) dst(%arg9 : memref<3200xi32, #tpu.memory_space<vmem>>)
    %broadcast_in_dim3A_78 = arith.constant 0.000000e+00 : f32
    %broadcast_in_dim3A_79 = vector.broadcast %broadcast_in_dim3A_78 : f32 to vector<16xf32>
    %scan3A_80 = arith.constant 0 : i32
    %scan3A_81 = arith.constant 200 : i32
    %scan3A_82 = arith.addi %scan3A_80, %scan3A_81 : i32
    %scan3A_83 = arith.constant 4 : i32
    %scan3A_84:2 = scf.for %scan3A_385 = %scan3A_80 to %scan3A_82 step %scan3A_83 iter_args(%scan3A_386 = %broadcast_in_dim3A_79, %scan3A_387 = %broadcast_in_dim3A_79) -> (vector<16xf32>, vector<16xf32>)  : i32 {
      %mul3A_388 = arith.constant 16 : i32
      %mul3A_389 = arith.muli %scan3A_385, %mul3A_388 : i32
      %get3A = arith.index_cast %mul3A_389 : i32 to index
      %get3A_390 = tpu.vector_load %arg9[%get3A] {strides = array<i32>} : memref<3200xi32, #tpu.memory_space<vmem>>, vector<16xi32>,
      %shift_left3A = arith.constant 16 : i32
      %shift_left3A_391 = vector.broadcast %shift_left3A : i32 to vector<16xi32>
      %shift_left3A_392 = arith.shli %get3A_390, %shift_left3A_391 : vector<16xi32>
      %bitcast3A = vector.bitcast %shift_left3A_392 : vector<16xi32> to vector<16xf32>
      %and3A_393 = arith.andi %get3A_390, %broadcast_in_dim3A_15 : vector<16xi32>
      %bitcast3A_394 = vector.bitcast %and3A_393 : vector<16xi32> to vector<16xf32>
      %add3A_395 = arith.addf %scan3A_386, %bitcast3A : vector<16xf32>
      %add3A_396 = arith.addf %scan3A_387, %bitcast3A_394 : vector<16xf32>
      %scan3A_397 = arith.constant 1 : i32
      %scan3A_398 = arith.addi %scan3A_385, %scan3A_397 : i32
      %mul3A_399 = arith.constant 16 : i32
      %mul3A_400 = arith.muli %scan3A_398, %mul3A_399 : i32
      %get3A_401 = arith.index_cast %mul3A_400 : i32 to index
      %get3A_402 = tpu.vector_load %arg9[%get3A_401] {strides = array<i32>} : memref<3200xi32, #tpu.memory_space<vmem>>, vector<16xi32>,
      %shift_left3A_403 = arith.constant 16 : i32
      %shift_left3A_404 = vector.broadcast %shift_left3A_403 : i32 to vector<16xi32>
      %shift_left3A_405 = arith.shli %get3A_402, %shift_left3A_404 : vector<16xi32>
      %bitcast3A_406 = vector.bitcast %shift_left3A_405 : vector<16xi32> to vector<16xf32>
      %and3A_407 = arith.andi %get3A_402, %broadcast_in_dim3A_15 : vector<16xi32>
      %bitcast3A_408 = vector.bitcast %and3A_407 : vector<16xi32> to vector<16xf32>
      %add3A_409 = arith.addf %add3A_395, %bitcast3A_406 : vector<16xf32>
      %add3A_410 = arith.addf %add3A_396, %bitcast3A_408 : vector<16xf32>
      %scan3A_411 = arith.constant 2 : i32
      %scan3A_412 = arith.addi %scan3A_385, %scan3A_411 : i32
      %mul3A_413 = arith.constant 16 : i32
      %mul3A_414 = arith.muli %scan3A_412, %mul3A_413 : i32
      %get3A_415 = arith.index_cast %mul3A_414 : i32 to index
      %get3A_416 = tpu.vector_load %arg9[%get3A_415] {strides = array<i32>} : memref<3200xi32, #tpu.memory_space<vmem>>, vector<16xi32>,
      %shift_left3A_417 = arith.constant 16 : i32
      %shift_left3A_418 = vector.broadcast %shift_left3A_417 : i32 to vector<16xi32>
      %shift_left3A_419 = arith.shli %get3A_416, %shift_left3A_418 : vector<16xi32>
      %bitcast3A_420 = vector.bitcast %shift_left3A_419 : vector<16xi32> to vector<16xf32>
      %and3A_421 = arith.andi %get3A_416, %broadcast_in_dim3A_15 : vector<16xi32>
      %bitcast3A_422 = vector.bitcast %and3A_421 : vector<16xi32> to vector<16xf32>
      %add3A_423 = arith.addf %add3A_409, %bitcast3A_420 : vector<16xf32>
      %add3A_424 = arith.addf %add3A_410, %bitcast3A_422 : vector<16xf32>
      %scan3A_425 = arith.constant 3 : i32
      %scan3A_426 = arith.addi %scan3A_385, %scan3A_425 : i32
      %mul3A_427 = arith.constant 16 : i32
      %mul3A_428 = arith.muli %scan3A_426, %mul3A_427 : i32
      %get3A_429 = arith.index_cast %mul3A_428 : i32 to index
      %get3A_430 = tpu.vector_load %arg9[%get3A_429] {strides = array<i32>} : memref<3200xi32, #tpu.memory_space<vmem>>, vector<16xi32>,
      %shift_left3A_431 = arith.constant 16 : i32
      %shift_left3A_432 = vector.broadcast %shift_left3A_431 : i32 to vector<16xi32>
      %shift_left3A_433 = arith.shli %get3A_430, %shift_left3A_432 : vector<16xi32>
      %bitcast3A_434 = vector.bitcast %shift_left3A_433 : vector<16xi32> to vector<16xf32>
      %and3A_435 = arith.andi %get3A_430, %broadcast_in_dim3A_15 : vector<16xi32>
      %bitcast3A_436 = vector.bitcast %and3A_435 : vector<16xi32> to vector<16xf32>
      %add3A_437 = arith.addf %add3A_423, %bitcast3A_434 : vector<16xf32>
      %add3A_438 = arith.addf %add3A_424, %bitcast3A_436 : vector<16xf32>
      scf.yield %add3A_437, %add3A_438 : vector<16xf32>, vector<16xf32>
    }
    %scan3A_85 = arith.constant 200 : i32
    %swap3A_86 = arith.constant 32 : index
    %swap3A_87 = tpu.vector_load %arg11[%swap3A_86] {strides = array<i32>} : memref<256xf32, #tpu.memory_space<vmem>>, vector<16xf32>,
    tpu.vector_store %arg11[%swap3A_86], %scan3A_84#0 {strides = array<i32>} : memref<256xf32, #tpu.memory_space<vmem>>, vector<16xf32>,
    %swap3A_88 = arith.constant 32 : index
    %swap3A_89 = tpu.vector_load %arg12[%swap3A_88] {strides = array<i32>} : memref<256xf32, #tpu.memory_space<vmem>>, vector<16xf32>,
    tpu.vector_store %arg12[%swap3A_88], %scan3A_84#1 {strides = array<i32>} : memref<256xf32, #tpu.memory_space<vmem>>, vector<16xf32>,
    %scan3A_90 = arith.constant 0 : i32
    %scan3A_91 = arith.constant 0 : i32
    %scan3A_92 = arith.constant 200 : i32
    %scan3A_93 = arith.addi %scan3A_91, %scan3A_92 : i32
    %scan3A_94 = arith.constant 1 : i32
    %scan3A_95 = scf.for %scan3A_385 = %scan3A_91 to %scan3A_93 step %scan3A_94 iter_args(%scan3A_386 = %scan3A_90) -> (i32)  : i32 {
      %jit3A = arith.constant 8 : i32
      %div3A = arith.divsi %scan3A_385, %jit3A : i32
      %sign3A = arith.constant 0 : i32
      %sign3A_387 = arith.cmpi sgt, %scan3A_385, %sign3A : i32
      %sign3A_388 = arith.extui %sign3A_387 : i1 to i32
      %sign3A_389 = arith.constant 0 : i32
      %sign3A_390 = arith.cmpi slt, %scan3A_385, %sign3A_389 : i32
      %sign3A_391 = arith.extui %sign3A_390 : i1 to i32
      %sign3A_392 = arith.subi %sign3A_388, %sign3A_391 : i32
      %sign3A_393 = arith.constant 0 : i32
      %sign3A_394 = arith.cmpi sgt, %jit3A, %sign3A_393 : i32
      %sign3A_395 = arith.extui %sign3A_394 : i1 to i32
      %sign3A_396 = arith.constant 0 : i32
      %sign3A_397 = arith.cmpi slt, %jit3A, %sign3A_396 : i32
      %sign3A_398 = arith.extui %sign3A_397 : i1 to i32
      %sign3A_399 = arith.subi %sign3A_395, %sign3A_398 : i32
      %ne3A = arith.cmpi ne, %sign3A_392, %sign3A_399 : i32
      %rem3A = arith.remsi %scan3A_385, %jit3A : i32
      %ne3A_400 = arith.constant 0 : i32
      %ne3A_401 = arith.cmpi ne, %rem3A, %ne3A_400 : i32
      %and3A_402 = arith.andi %ne3A, %ne3A_401 : i1
      %sub3A = arith.constant 1 : i32
      %sub3A_403 = arith.subi %div3A, %sub3A : i32
      %select_n3A = arith.select %and3A_402, %sub3A_403, %div3A : i32
      %jit3A_404 = arith.constant 8 : i32
      %eq3A_405 = arith.constant 0 : i32
      %eq3A_406 = arith.cmpi eq, %jit3A_404, %eq3A_405 : i32
      %jit3A_407 = arith.constant 1 : i32
      %select_n3A_408 = arith.select %eq3A_406, %jit3A_407, %jit3A_404 : i32
      %rem3A_409 = arith.remsi %scan3A_385, %select_n3A_408 : i32
      %ne3A_410 = arith.constant 0 : i32
      %ne3A_411 = arith.cmpi ne, %rem3A_409, %ne3A_410 : i32
      %lt3A = arith.constant 0 : i32
      %lt3A_412 = arith.cmpi slt, %rem3A_409, %lt3A : i32
      %lt3A_413 = arith.constant 0 : i32
      %lt3A_414 = arith.cmpi slt, %select_n3A_408, %lt3A_413 : i32
      %ne3A_415 = arith.xori %lt3A_412, %lt3A_414 : i1
      %and3A_416 = arith.andi %ne3A_415, %ne3A_411 : i1
      %add3A_417 = arith.addi %rem3A_409, %select_n3A_408 : i32
      %select_n3A_418 = arith.select %and3A_416, %add3A_417, %rem3A_409 : i32
      %get3A = arith.constant 0 : i32
      %get3A_419 = arith.index_cast %select_n3A : i32 to index
      %get3A_420 = arith.index_cast %get3A : i32 to index
      %get3A_421 = arith.index_cast %select_n3A_418 : i32 to index
      %get3A_422 = arith.constant 64 : index
      %get3A_423 = tpu.vector_load %arg6[%get3A_419, %get3A_420, %get3A_421, %get3A_422] {strides = array<i32>} : memref<25x2x8x128xi32, #tpu.memory_space<vmem>>, vector<16xi32>,
      %mul3A_424 = arith.constant 16 : i32
      %mul3A_425 = arith.muli %scan3A_385, %mul3A_424 : i32
      %swap3A_426 = arith.index_cast %mul3A_425 : i32 to index
      %swap3A_427 = tpu.vector_load %arg7[%swap3A_426] {strides = array<i32>} : memref<3200xi32, #tpu.memory_space<vmem>>, vector<16xi32>,
      tpu.vector_store %arg7[%swap3A_426], %get3A_423 {strides = array<i32>} : memref<3200xi32, #tpu.memory_space<vmem>>, vector<16xi32>,
      %scan3A_428 = arith.constant 0 : i32
      scf.yield %scan3A_428 : i32
    }
    %scan3A_96 = arith.constant 200 : i32
    %dma_start3A_97 = arith.constant 0 : i32
    %dma_start3A_98 = tpu.memref_slice %arg13[%dma_start3A_97] : memref<1000000xi32, #tpu.memory_space<vmem_shared>> -> memref<1000000xi32, #tpu.memory_space<vmem_shared>>
    tpu.enqueue_indirect_dma source(%dma_start3A_98 : memref<1000000xi32, #tpu.memory_space<vmem_shared>>) target(%arg9 : memref<3200xi32, #tpu.memory_space<vmem>>) offsets(%arg7 : memref<3200xi32, #tpu.memory_space<vmem>>) semaphore(%arg14 : memref<!tpu.dma_semaphore, #tpu.memory_space<semaphore_mem>>)
    %dma_wait3A_99 = arith.constant 0 : i32
    %dma_wait3A_100 = tpu.memref_slice %arg13[%dma_wait3A_99] : memref<1000000xi32, #tpu.memory_space<vmem_shared>> -> memref<1000000xi32, #tpu.memory_space<vmem_shared>>
    tpu.wait_indirect_dma semaphore(%arg15 : memref<!tpu.dma_semaphore, #tpu.memory_space<semaphore_mem>>) src(%dma_wait3A_100 : memref<1000000xi32, #tpu.memory_space<vmem_shared>>) dst(%arg10 : memref<3200xi32, #tpu.memory_space<vmem>>)
    %broadcast_in_dim3A_101 = arith.constant 0.000000e+00 : f32
    %broadcast_in_dim3A_102 = vector.broadcast %broadcast_in_dim3A_101 : f32 to vector<16xf32>
    %scan3A_103 = arith.constant 0 : i32
    %scan3A_104 = arith.constant 200 : i32
    %scan3A_105 = arith.addi %scan3A_103, %scan3A_104 : i32
    %scan3A_106 = arith.constant 4 : i32
    %scan3A_107:2 = scf.for %scan3A_385 = %scan3A_103 to %scan3A_105 step %scan3A_106 iter_args(%scan3A_386 = %broadcast_in_dim3A_102, %scan3A_387 = %broadcast_in_dim3A_102) -> (vector<16xf32>, vector<16xf32>)  : i32 {
      %mul3A_388 = arith.constant 16 : i32
      %mul3A_389 = arith.muli %scan3A_385, %mul3A_388 : i32
      %get3A = arith.index_cast %mul3A_389 : i32 to index
      %get3A_390 = tpu.vector_load %arg10[%get3A] {strides = array<i32>} : memref<3200xi32, #tpu.memory_space<vmem>>, vector<16xi32>,
      %shift_left3A = arith.constant 16 : i32
      %shift_left3A_391 = vector.broadcast %shift_left3A : i32 to vector<16xi32>
      %shift_left3A_392 = arith.shli %get3A_390, %shift_left3A_391 : vector<16xi32>
      %bitcast3A = vector.bitcast %shift_left3A_392 : vector<16xi32> to vector<16xf32>
      %and3A_393 = arith.andi %get3A_390, %broadcast_in_dim3A_15 : vector<16xi32>
      %bitcast3A_394 = vector.bitcast %and3A_393 : vector<16xi32> to vector<16xf32>
      %add3A_395 = arith.addf %scan3A_386, %bitcast3A : vector<16xf32>
      %add3A_396 = arith.addf %scan3A_387, %bitcast3A_394 : vector<16xf32>
      %scan3A_397 = arith.constant 1 : i32
      %scan3A_398 = arith.addi %scan3A_385, %scan3A_397 : i32
      %mul3A_399 = arith.constant 16 : i32
      %mul3A_400 = arith.muli %scan3A_398, %mul3A_399 : i32
      %get3A_401 = arith.index_cast %mul3A_400 : i32 to index
      %get3A_402 = tpu.vector_load %arg10[%get3A_401] {strides = array<i32>} : memref<3200xi32, #tpu.memory_space<vmem>>, vector<16xi32>,
      %shift_left3A_403 = arith.constant 16 : i32
      %shift_left3A_404 = vector.broadcast %shift_left3A_403 : i32 to vector<16xi32>
      %shift_left3A_405 = arith.shli %get3A_402, %shift_left3A_404 : vector<16xi32>
      %bitcast3A_406 = vector.bitcast %shift_left3A_405 : vector<16xi32> to vector<16xf32>
      %and3A_407 = arith.andi %get3A_402, %broadcast_in_dim3A_15 : vector<16xi32>
      %bitcast3A_408 = vector.bitcast %and3A_407 : vector<16xi32> to vector<16xf32>
      %add3A_409 = arith.addf %add3A_395, %bitcast3A_406 : vector<16xf32>
      %add3A_410 = arith.addf %add3A_396, %bitcast3A_408 : vector<16xf32>
      %scan3A_411 = arith.constant 2 : i32
      %scan3A_412 = arith.addi %scan3A_385, %scan3A_411 : i32
      %mul3A_413 = arith.constant 16 : i32
      %mul3A_414 = arith.muli %scan3A_412, %mul3A_413 : i32
      %get3A_415 = arith.index_cast %mul3A_414 : i32 to index
      %get3A_416 = tpu.vector_load %arg10[%get3A_415] {strides = array<i32>} : memref<3200xi32, #tpu.memory_space<vmem>>, vector<16xi32>,
      %shift_left3A_417 = arith.constant 16 : i32
      %shift_left3A_418 = vector.broadcast %shift_left3A_417 : i32 to vector<16xi32>
      %shift_left3A_419 = arith.shli %get3A_416, %shift_left3A_418 : vector<16xi32>
      %bitcast3A_420 = vector.bitcast %shift_left3A_419 : vector<16xi32> to vector<16xf32>
      %and3A_421 = arith.andi %get3A_416, %broadcast_in_dim3A_15 : vector<16xi32>
      %bitcast3A_422 = vector.bitcast %and3A_421 : vector<16xi32> to vector<16xf32>
      %add3A_423 = arith.addf %add3A_409, %bitcast3A_420 : vector<16xf32>
      %add3A_424 = arith.addf %add3A_410, %bitcast3A_422 : vector<16xf32>
      %scan3A_425 = arith.constant 3 : i32
      %scan3A_426 = arith.addi %scan3A_385, %scan3A_425 : i32
      %mul3A_427 = arith.constant 16 : i32
      %mul3A_428 = arith.muli %scan3A_426, %mul3A_427 : i32
      %get3A_429 = arith.index_cast %mul3A_428 : i32 to index
      %get3A_430 = tpu.vector_load %arg10[%get3A_429] {strides = array<i32>} : memref<3200xi32, #tpu.memory_space<vmem>>, vector<16xi32>,
      %shift_left3A_431 = arith.constant 16 : i32
      %shift_left3A_432 = vector.broadcast %shift_left3A_431 : i32 to vector<16xi32>
      %shift_left3A_433 = arith.shli %get3A_430, %shift_left3A_432 : vector<16xi32>
      %bitcast3A_434 = vector.bitcast %shift_left3A_433 : vector<16xi32> to vector<16xf32>
      %and3A_435 = arith.andi %get3A_430, %broadcast_in_dim3A_15 : vector<16xi32>
      %bitcast3A_436 = vector.bitcast %and3A_435 : vector<16xi32> to vector<16xf32>
      %add3A_437 = arith.addf %add3A_423, %bitcast3A_434 : vector<16xf32>
      %add3A_438 = arith.addf %add3A_424, %bitcast3A_436 : vector<16xf32>
      scf.yield %add3A_437, %add3A_438 : vector<16xf32>, vector<16xf32>
    }
    %scan3A_108 = arith.constant 200 : i32
    %swap3A_109 = arith.constant 48 : index
    %swap3A_110 = tpu.vector_load %arg11[%swap3A_109] {strides = array<i32>} : memref<256xf32, #tpu.memory_space<vmem>>, vector<16xf32>,
    tpu.vector_store %arg11[%swap3A_109], %scan3A_107#0 {strides = array<i32>} : memref<256xf32, #tpu.memory_space<vmem>>, vector<16xf32>,
    %swap3A_111 = arith.constant 48 : index
    %swap3A_112 = tpu.vector_load %arg12[%swap3A_111] {strides = array<i32>} : memref<256xf32, #tpu.memory_space<vmem>>, vector<16xf32>,
    tpu.vector_store %arg12[%swap3A_111], %scan3A_107#1 {strides = array<i32>} : memref<256xf32, #tpu.memory_space<vmem>>, vector<16xf32>,
    %scan3A_113 = arith.constant 0 : i32
    %scan3A_114 = arith.constant 0 : i32
    %scan3A_115 = arith.constant 200 : i32
    %scan3A_116 = arith.addi %scan3A_114, %scan3A_115 : i32
    %scan3A_117 = arith.constant 1 : i32
    %scan3A_118 = scf.for %scan3A_385 = %scan3A_114 to %scan3A_116 step %scan3A_117 iter_args(%scan3A_386 = %scan3A_113) -> (i32)  : i32 {
      %jit3A = arith.constant 8 : i32
      %div3A = arith.divsi %scan3A_385, %jit3A : i32
      %sign3A = arith.constant 0 : i32
      %sign3A_387 = arith.cmpi sgt, %scan3A_385, %sign3A : i32
      %sign3A_388 = arith.extui %sign3A_387 : i1 to i32
      %sign3A_389 = arith.constant 0 : i32
      %sign3A_390 = arith.cmpi slt, %scan3A_385, %sign3A_389 : i32
      %sign3A_391 = arith.extui %sign3A_390 : i1 to i32
      %sign3A_392 = arith.subi %sign3A_388, %sign3A_391 : i32
      %sign3A_393 = arith.constant 0 : i32
      %sign3A_394 = arith.cmpi sgt, %jit3A, %sign3A_393 : i32
      %sign3A_395 = arith.extui %sign3A_394 : i1 to i32
      %sign3A_396 = arith.constant 0 : i32
      %sign3A_397 = arith.cmpi slt, %jit3A, %sign3A_396 : i32
      %sign3A_398 = arith.extui %sign3A_397 : i1 to i32
      %sign3A_399 = arith.subi %sign3A_395, %sign3A_398 : i32
      %ne3A = arith.cmpi ne, %sign3A_392, %sign3A_399 : i32
      %rem3A = arith.remsi %scan3A_385, %jit3A : i32
      %ne3A_400 = arith.constant 0 : i32
      %ne3A_401 = arith.cmpi ne, %rem3A, %ne3A_400 : i32
      %and3A_402 = arith.andi %ne3A, %ne3A_401 : i1
      %sub3A = arith.constant 1 : i32
      %sub3A_403 = arith.subi %div3A, %sub3A : i32
      %select_n3A = arith.select %and3A_402, %sub3A_403, %div3A : i32
      %jit3A_404 = arith.constant 8 : i32
      %eq3A_405 = arith.constant 0 : i32
      %eq3A_406 = arith.cmpi eq, %jit3A_404, %eq3A_405 : i32
      %jit3A_407 = arith.constant 1 : i32
      %select_n3A_408 = arith.select %eq3A_406, %jit3A_407, %jit3A_404 : i32
      %rem3A_409 = arith.remsi %scan3A_385, %select_n3A_408 : i32
      %ne3A_410 = arith.constant 0 : i32
      %ne3A_411 = arith.cmpi ne, %rem3A_409, %ne3A_410 : i32
      %lt3A = arith.constant 0 : i32
      %lt3A_412 = arith.cmpi slt, %rem3A_409, %lt3A : i32
      %lt3A_413 = arith.constant 0 : i32
      %lt3A_414 = arith.cmpi slt, %select_n3A_408, %lt3A_413 : i32
      %ne3A_415 = arith.xori %lt3A_412, %lt3A_414 : i1
      %and3A_416 = arith.andi %ne3A_415, %ne3A_411 : i1
      %add3A_417 = arith.addi %rem3A_409, %select_n3A_408 : i32
      %select_n3A_418 = arith.select %and3A_416, %add3A_417, %rem3A_409 : i32
      %get3A = arith.constant 0 : i32
      %get3A_419 = arith.index_cast %select_n3A : i32 to index
      %get3A_420 = arith.index_cast %get3A : i32 to index
      %get3A_421 = arith.index_cast %select_n3A_418 : i32 to index
      %get3A_422 = arith.constant 80 : index
      %get3A_423 = tpu.vector_load %arg6[%get3A_419, %get3A_420, %get3A_421, %get3A_422] {strides = array<i32>} : memref<25x2x8x128xi32, #tpu.memory_space<vmem>>, vector<16xi32>,
      %mul3A_424 = arith.constant 16 : i32
      %mul3A_425 = arith.muli %scan3A_385, %mul3A_424 : i32
      %swap3A_426 = arith.index_cast %mul3A_425 : i32 to index
      %swap3A_427 = tpu.vector_load %arg8[%swap3A_426] {strides = array<i32>} : memref<3200xi32, #tpu.memory_space<vmem>>, vector<16xi32>,
      tpu.vector_store %arg8[%swap3A_426], %get3A_423 {strides = array<i32>} : memref<3200xi32, #tpu.memory_space<vmem>>, vector<16xi32>,
      %scan3A_428 = arith.constant 0 : i32
      scf.yield %scan3A_428 : i32
    }
    %scan3A_119 = arith.constant 200 : i32
    %dma_start3A_120 = arith.constant 0 : i32
    %dma_start3A_121 = tpu.memref_slice %arg13[%dma_start3A_120] : memref<1000000xi32, #tpu.memory_space<vmem_shared>> -> memref<1000000xi32, #tpu.memory_space<vmem_shared>>
    tpu.enqueue_indirect_dma source(%dma_start3A_121 : memref<1000000xi32, #tpu.memory_space<vmem_shared>>) target(%arg10 : memref<3200xi32, #tpu.memory_space<vmem>>) offsets(%arg8 : memref<3200xi32, #tpu.memory_space<vmem>>) semaphore(%arg15 : memref<!tpu.dma_semaphore, #tpu.memory_space<semaphore_mem>>)
    %dma_wait3A_122 = arith.constant 0 : i32
    %dma_wait3A_123 = tpu.memref_slice %arg13[%dma_wait3A_122] : memref<1000000xi32, #tpu.memory_space<vmem_shared>> -> memref<1000000xi32, #tpu.memory_space<vmem_shared>>
    tpu.wait_indirect_dma semaphore(%arg14 : memref<!tpu.dma_semaphore, #tpu.memory_space<semaphore_mem>>) src(%dma_wait3A_123 : memref<1000000xi32, #tpu.memory_space<vmem_shared>>) dst(%arg9 : memref<3200xi32, #tpu.memory_space<vmem>>)
    %broadcast_in_dim3A_124 = arith.constant 0.000000e+00 : f32
    %broadcast_in_dim3A_125 = vector.broadcast %broadcast_in_dim3A_124 : f32 to vector<16xf32>
    %scan3A_126 = arith.constant 0 : i32
    %scan3A_127 = arith.constant 200 : i32
    %scan3A_128 = arith.addi %scan3A_126, %scan3A_127 : i32
    %scan3A_129 = arith.constant 4 : i32
    %scan3A_130:2 = scf.for %scan3A_385 = %scan3A_126 to %scan3A_128 step %scan3A_129 iter_args(%scan3A_386 = %broadcast_in_dim3A_125, %scan3A_387 = %broadcast_in_dim3A_125) -> (vector<16xf32>, vector<16xf32>)  : i32 {
      %mul3A_388 = arith.constant 16 : i32
      %mul3A_389 = arith.muli %scan3A_385, %mul3A_388 : i32
      %get3A = arith.index_cast %mul3A_389 : i32 to index
      %get3A_390 = tpu.vector_load %arg9[%get3A] {strides = array<i32>} : memref<3200xi32, #tpu.memory_space<vmem>>, vector<16xi32>,
      %shift_left3A = arith.constant 16 : i32
      %shift_left3A_391 = vector.broadcast %shift_left3A : i32 to vector<16xi32>
      %shift_left3A_392 = arith.shli %get3A_390, %shift_left3A_391 : vector<16xi32>
      %bitcast3A = vector.bitcast %shift_left3A_392 : vector<16xi32> to vector<16xf32>
      %and3A_393 = arith.andi %get3A_390, %broadcast_in_dim3A_15 : vector<16xi32>
      %bitcast3A_394 = vector.bitcast %and3A_393 : vector<16xi32> to vector<16xf32>
      %add3A_395 = arith.addf %scan3A_386, %bitcast3A : vector<16xf32>
      %add3A_396 = arith.addf %scan3A_387, %bitcast3A_394 : vector<16xf32>
      %scan3A_397 = arith.constant 1 : i32
      %scan3A_398 = arith.addi %scan3A_385, %scan3A_397 : i32
      %mul3A_399 = arith.constant 16 : i32
      %mul3A_400 = arith.muli %scan3A_398, %mul3A_399 : i32
      %get3A_401 = arith.index_cast %mul3A_400 : i32 to index
      %get3A_402 = tpu.vector_load %arg9[%get3A_401] {strides = array<i32>} : memref<3200xi32, #tpu.memory_space<vmem>>, vector<16xi32>,
      %shift_left3A_403 = arith.constant 16 : i32
      %shift_left3A_404 = vector.broadcast %shift_left3A_403 : i32 to vector<16xi32>
      %shift_left3A_405 = arith.shli %get3A_402, %shift_left3A_404 : vector<16xi32>
      %bitcast3A_406 = vector.bitcast %shift_left3A_405 : vector<16xi32> to vector<16xf32>
      %and3A_407 = arith.andi %get3A_402, %broadcast_in_dim3A_15 : vector<16xi32>
      %bitcast3A_408 = vector.bitcast %and3A_407 : vector<16xi32> to vector<16xf32>
      %add3A_409 = arith.addf %add3A_395, %bitcast3A_406 : vector<16xf32>
      %add3A_410 = arith.addf %add3A_396, %bitcast3A_408 : vector<16xf32>
      %scan3A_411 = arith.constant 2 : i32
      %scan3A_412 = arith.addi %scan3A_385, %scan3A_411 : i32
      %mul3A_413 = arith.constant 16 : i32
      %mul3A_414 = arith.muli %scan3A_412, %mul3A_413 : i32
      %get3A_415 = arith.index_cast %mul3A_414 : i32 to index
      %get3A_416 = tpu.vector_load %arg9[%get3A_415] {strides = array<i32>} : memref<3200xi32, #tpu.memory_space<vmem>>, vector<16xi32>,
      %shift_left3A_417 = arith.constant 16 : i32
      %shift_left3A_418 = vector.broadcast %shift_left3A_417 : i32 to vector<16xi32>
      %shift_left3A_419 = arith.shli %get3A_416, %shift_left3A_418 : vector<16xi32>
      %bitcast3A_420 = vector.bitcast %shift_left3A_419 : vector<16xi32> to vector<16xf32>
      %and3A_421 = arith.andi %get3A_416, %broadcast_in_dim3A_15 : vector<16xi32>
      %bitcast3A_422 = vector.bitcast %and3A_421 : vector<16xi32> to vector<16xf32>
      %add3A_423 = arith.addf %add3A_409, %bitcast3A_420 : vector<16xf32>
      %add3A_424 = arith.addf %add3A_410, %bitcast3A_422 : vector<16xf32>
      %scan3A_425 = arith.constant 3 : i32
      %scan3A_426 = arith.addi %scan3A_385, %scan3A_425 : i32
      %mul3A_427 = arith.constant 16 : i32
      %mul3A_428 = arith.muli %scan3A_426, %mul3A_427 : i32
      %get3A_429 = arith.index_cast %mul3A_428 : i32 to index
      %get3A_430 = tpu.vector_load %arg9[%get3A_429] {strides = array<i32>} : memref<3200xi32, #tpu.memory_space<vmem>>, vector<16xi32>,
      %shift_left3A_431 = arith.constant 16 : i32
      %shift_left3A_432 = vector.broadcast %shift_left3A_431 : i32 to vector<16xi32>
      %shift_left3A_433 = arith.shli %get3A_430, %shift_left3A_432 : vector<16xi32>
      %bitcast3A_434 = vector.bitcast %shift_left3A_433 : vector<16xi32> to vector<16xf32>
      %and3A_435 = arith.andi %get3A_430, %broadcast_in_dim3A_15 : vector<16xi32>
      %bitcast3A_436 = vector.bitcast %and3A_435 : vector<16xi32> to vector<16xf32>
      %add3A_437 = arith.addf %add3A_423, %bitcast3A_434 : vector<16xf32>
      %add3A_438 = arith.addf %add3A_424, %bitcast3A_436 : vector<16xf32>
      scf.yield %add3A_437, %add3A_438 : vector<16xf32>, vector<16xf32>
    }
    %scan3A_131 = arith.constant 200 : i32
    %swap3A_132 = arith.constant 64 : index
    %swap3A_133 = tpu.vector_load %arg11[%swap3A_132] {strides = array<i32>} : memref<256xf32, #tpu.memory_space<vmem>>, vector<16xf32>,
    tpu.vector_store %arg11[%swap3A_132], %scan3A_130#0 {strides = array<i32>} : memref<256xf32, #tpu.memory_space<vmem>>, vector<16xf32>,
    %swap3A_134 = arith.constant 64 : index
    %swap3A_135 = tpu.vector_load %arg12[%swap3A_134] {strides = array<i32>} : memref<256xf32, #tpu.memory_space<vmem>>, vector<16xf32>,
    tpu.vector_store %arg12[%swap3A_134], %scan3A_130#1 {strides = array<i32>} : memref<256xf32, #tpu.memory_space<vmem>>, vector<16xf32>,
    %scan3A_136 = arith.constant 0 : i32
    %scan3A_137 = arith.constant 0 : i32
    %scan3A_138 = arith.constant 200 : i32
    %scan3A_139 = arith.addi %scan3A_137, %scan3A_138 : i32
    %scan3A_140 = arith.constant 1 : i32
    %scan3A_141 = scf.for %scan3A_385 = %scan3A_137 to %scan3A_139 step %scan3A_140 iter_args(%scan3A_386 = %scan3A_136) -> (i32)  : i32 {
      %jit3A = arith.constant 8 : i32
      %div3A = arith.divsi %scan3A_385, %jit3A : i32
      %sign3A = arith.constant 0 : i32
      %sign3A_387 = arith.cmpi sgt, %scan3A_385, %sign3A : i32
      %sign3A_388 = arith.extui %sign3A_387 : i1 to i32
      %sign3A_389 = arith.constant 0 : i32
      %sign3A_390 = arith.cmpi slt, %scan3A_385, %sign3A_389 : i32
      %sign3A_391 = arith.extui %sign3A_390 : i1 to i32
      %sign3A_392 = arith.subi %sign3A_388, %sign3A_391 : i32
      %sign3A_393 = arith.constant 0 : i32
      %sign3A_394 = arith.cmpi sgt, %jit3A, %sign3A_393 : i32
      %sign3A_395 = arith.extui %sign3A_394 : i1 to i32
      %sign3A_396 = arith.constant 0 : i32
      %sign3A_397 = arith.cmpi slt, %jit3A, %sign3A_396 : i32
      %sign3A_398 = arith.extui %sign3A_397 : i1 to i32
      %sign3A_399 = arith.subi %sign3A_395, %sign3A_398 : i32
      %ne3A = arith.cmpi ne, %sign3A_392, %sign3A_399 : i32
      %rem3A = arith.remsi %scan3A_385, %jit3A : i32
      %ne3A_400 = arith.constant 0 : i32
      %ne3A_401 = arith.cmpi ne, %rem3A, %ne3A_400 : i32
      %and3A_402 = arith.andi %ne3A, %ne3A_401 : i1
      %sub3A = arith.constant 1 : i32
      %sub3A_403 = arith.subi %div3A, %sub3A : i32
      %select_n3A = arith.select %and3A_402, %sub3A_403, %div3A : i32
      %jit3A_404 = arith.constant 8 : i32
      %eq3A_405 = arith.constant 0 : i32
      %eq3A_406 = arith.cmpi eq, %jit3A_404, %eq3A_405 : i32
      %jit3A_407 = arith.constant 1 : i32
      %select_n3A_408 = arith.select %eq3A_406, %jit3A_407, %jit3A_404 : i32
      %rem3A_409 = arith.remsi %scan3A_385, %select_n3A_408 : i32
      %ne3A_410 = arith.constant 0 : i32
      %ne3A_411 = arith.cmpi ne, %rem3A_409, %ne3A_410 : i32
      %lt3A = arith.constant 0 : i32
      %lt3A_412 = arith.cmpi slt, %rem3A_409, %lt3A : i32
      %lt3A_413 = arith.constant 0 : i32
      %lt3A_414 = arith.cmpi slt, %select_n3A_408, %lt3A_413 : i32
      %ne3A_415 = arith.xori %lt3A_412, %lt3A_414 : i1
      %and3A_416 = arith.andi %ne3A_415, %ne3A_411 : i1
      %add3A_417 = arith.addi %rem3A_409, %select_n3A_408 : i32
      %select_n3A_418 = arith.select %and3A_416, %add3A_417, %rem3A_409 : i32
      %get3A = arith.constant 0 : i32
      %get3A_419 = arith.index_cast %select_n3A : i32 to index
      %get3A_420 = arith.index_cast %get3A : i32 to index
      %get3A_421 = arith.index_cast %select_n3A_418 : i32 to index
      %get3A_422 = arith.constant 96 : index
      %get3A_423 = tpu.vector_load %arg6[%get3A_419, %get3A_420, %get3A_421, %get3A_422] {strides = array<i32>} : memref<25x2x8x128xi32, #tpu.memory_space<vmem>>, vector<16xi32>,
      %mul3A_424 = arith.constant 16 : i32
      %mul3A_425 = arith.muli %scan3A_385, %mul3A_424 : i32
      %swap3A_426 = arith.index_cast %mul3A_425 : i32 to index
      %swap3A_427 = tpu.vector_load %arg7[%swap3A_426] {strides = array<i32>} : memref<3200xi32, #tpu.memory_space<vmem>>, vector<16xi32>,
      tpu.vector_store %arg7[%swap3A_426], %get3A_423 {strides = array<i32>} : memref<3200xi32, #tpu.memory_space<vmem>>, vector<16xi32>,
      %scan3A_428 = arith.constant 0 : i32
      scf.yield %scan3A_428 : i32
    }
    %scan3A_142 = arith.constant 200 : i32
    %dma_start3A_143 = arith.constant 0 : i32
    %dma_start3A_144 = tpu.memref_slice %arg13[%dma_start3A_143] : memref<1000000xi32, #tpu.memory_space<vmem_shared>> -> memref<1000000xi32, #tpu.memory_space<vmem_shared>>
    tpu.enqueue_indirect_dma source(%dma_start3A_144 : memref<1000000xi32, #tpu.memory_space<vmem_shared>>) target(%arg9 : memref<3200xi32, #tpu.memory_space<vmem>>) offsets(%arg7 : memref<3200xi32, #tpu.memory_space<vmem>>) semaphore(%arg14 : memref<!tpu.dma_semaphore, #tpu.memory_space<semaphore_mem>>)
    %dma_wait3A_145 = arith.constant 0 : i32
    %dma_wait3A_146 = tpu.memref_slice %arg13[%dma_wait3A_145] : memref<1000000xi32, #tpu.memory_space<vmem_shared>> -> memref<1000000xi32, #tpu.memory_space<vmem_shared>>
    tpu.wait_indirect_dma semaphore(%arg15 : memref<!tpu.dma_semaphore, #tpu.memory_space<semaphore_mem>>) src(%dma_wait3A_146 : memref<1000000xi32, #tpu.memory_space<vmem_shared>>) dst(%arg10 : memref<3200xi32, #tpu.memory_space<vmem>>)
    %broadcast_in_dim3A_147 = arith.constant 0.000000e+00 : f32
    %broadcast_in_dim3A_148 = vector.broadcast %broadcast_in_dim3A_147 : f32 to vector<16xf32>
    %scan3A_149 = arith.constant 0 : i32
    %scan3A_150 = arith.constant 200 : i32
    %scan3A_151 = arith.addi %scan3A_149, %scan3A_150 : i32
    %scan3A_152 = arith.constant 4 : i32
    %scan3A_153:2 = scf.for %scan3A_385 = %scan3A_149 to %scan3A_151 step %scan3A_152 iter_args(%scan3A_386 = %broadcast_in_dim3A_148, %scan3A_387 = %broadcast_in_dim3A_148) -> (vector<16xf32>, vector<16xf32>)  : i32 {
      %mul3A_388 = arith.constant 16 : i32
      %mul3A_389 = arith.muli %scan3A_385, %mul3A_388 : i32
      %get3A = arith.index_cast %mul3A_389 : i32 to index
      %get3A_390 = tpu.vector_load %arg10[%get3A] {strides = array<i32>} : memref<3200xi32, #tpu.memory_space<vmem>>, vector<16xi32>,
      %shift_left3A = arith.constant 16 : i32
      %shift_left3A_391 = vector.broadcast %shift_left3A : i32 to vector<16xi32>
      %shift_left3A_392 = arith.shli %get3A_390, %shift_left3A_391 : vector<16xi32>
      %bitcast3A = vector.bitcast %shift_left3A_392 : vector<16xi32> to vector<16xf32>
      %and3A_393 = arith.andi %get3A_390, %broadcast_in_dim3A_15 : vector<16xi32>
      %bitcast3A_394 = vector.bitcast %and3A_393 : vector<16xi32> to vector<16xf32>
      %add3A_395 = arith.addf %scan3A_386, %bitcast3A : vector<16xf32>
      %add3A_396 = arith.addf %scan3A_387, %bitcast3A_394 : vector<16xf32>
      %scan3A_397 = arith.constant 1 : i32
      %scan3A_398 = arith.addi %scan3A_385, %scan3A_397 : i32
      %mul3A_399 = arith.constant 16 : i32
      %mul3A_400 = arith.muli %scan3A_398, %mul3A_399 : i32
      %get3A_401 = arith.index_cast %mul3A_400 : i32 to index
      %get3A_402 = tpu.vector_load %arg10[%get3A_401] {strides = array<i32>} : memref<3200xi32, #tpu.memory_space<vmem>>, vector<16xi32>,
      %shift_left3A_403 = arith.constant 16 : i32
      %shift_left3A_404 = vector.broadcast %shift_left3A_403 : i32 to vector<16xi32>
      %shift_left3A_405 = arith.shli %get3A_402, %shift_left3A_404 : vector<16xi32>
      %bitcast3A_406 = vector.bitcast %shift_left3A_405 : vector<16xi32> to vector<16xf32>
      %and3A_407 = arith.andi %get3A_402, %broadcast_in_dim3A_15 : vector<16xi32>
      %bitcast3A_408 = vector.bitcast %and3A_407 : vector<16xi32> to vector<16xf32>
      %add3A_409 = arith.addf %add3A_395, %bitcast3A_406 : vector<16xf32>
      %add3A_410 = arith.addf %add3A_396, %bitcast3A_408 : vector<16xf32>
      %scan3A_411 = arith.constant 2 : i32
      %scan3A_412 = arith.addi %scan3A_385, %scan3A_411 : i32
      %mul3A_413 = arith.constant 16 : i32
      %mul3A_414 = arith.muli %scan3A_412, %mul3A_413 : i32
      %get3A_415 = arith.index_cast %mul3A_414 : i32 to index
      %get3A_416 = tpu.vector_load %arg10[%get3A_415] {strides = array<i32>} : memref<3200xi32, #tpu.memory_space<vmem>>, vector<16xi32>,
      %shift_left3A_417 = arith.constant 16 : i32
      %shift_left3A_418 = vector.broadcast %shift_left3A_417 : i32 to vector<16xi32>
      %shift_left3A_419 = arith.shli %get3A_416, %shift_left3A_418 : vector<16xi32>
      %bitcast3A_420 = vector.bitcast %shift_left3A_419 : vector<16xi32> to vector<16xf32>
      %and3A_421 = arith.andi %get3A_416, %broadcast_in_dim3A_15 : vector<16xi32>
      %bitcast3A_422 = vector.bitcast %and3A_421 : vector<16xi32> to vector<16xf32>
      %add3A_423 = arith.addf %add3A_409, %bitcast3A_420 : vector<16xf32>
      %add3A_424 = arith.addf %add3A_410, %bitcast3A_422 : vector<16xf32>
      %scan3A_425 = arith.constant 3 : i32
      %scan3A_426 = arith.addi %scan3A_385, %scan3A_425 : i32
      %mul3A_427 = arith.constant 16 : i32
      %mul3A_428 = arith.muli %scan3A_426, %mul3A_427 : i32
      %get3A_429 = arith.index_cast %mul3A_428 : i32 to index
      %get3A_430 = tpu.vector_load %arg10[%get3A_429] {strides = array<i32>} : memref<3200xi32, #tpu.memory_space<vmem>>, vector<16xi32>,
      %shift_left3A_431 = arith.constant 16 : i32
      %shift_left3A_432 = vector.broadcast %shift_left3A_431 : i32 to vector<16xi32>
      %shift_left3A_433 = arith.shli %get3A_430, %shift_left3A_432 : vector<16xi32>
      %bitcast3A_434 = vector.bitcast %shift_left3A_433 : vector<16xi32> to vector<16xf32>
      %and3A_435 = arith.andi %get3A_430, %broadcast_in_dim3A_15 : vector<16xi32>
      %bitcast3A_436 = vector.bitcast %and3A_435 : vector<16xi32> to vector<16xf32>
      %add3A_437 = arith.addf %add3A_423, %bitcast3A_434 : vector<16xf32>
      %add3A_438 = arith.addf %add3A_424, %bitcast3A_436 : vector<16xf32>
      scf.yield %add3A_437, %add3A_438 : vector<16xf32>, vector<16xf32>
    }
    %scan3A_154 = arith.constant 200 : i32
    %swap3A_155 = arith.constant 80 : index
    %swap3A_156 = tpu.vector_load %arg11[%swap3A_155] {strides = array<i32>} : memref<256xf32, #tpu.memory_space<vmem>>, vector<16xf32>,
    tpu.vector_store %arg11[%swap3A_155], %scan3A_153#0 {strides = array<i32>} : memref<256xf32, #tpu.memory_space<vmem>>, vector<16xf32>,
    %swap3A_157 = arith.constant 80 : index
    %swap3A_158 = tpu.vector_load %arg12[%swap3A_157] {strides = array<i32>} : memref<256xf32, #tpu.memory_space<vmem>>, vector<16xf32>,
    tpu.vector_store %arg12[%swap3A_157], %scan3A_153#1 {strides = array<i32>} : memref<256xf32, #tpu.memory_space<vmem>>, vector<16xf32>,
    %scan3A_159 = arith.constant 0 : i32
    %scan3A_160 = arith.constant 0 : i32
    %scan3A_161 = arith.constant 200 : i32
    %scan3A_162 = arith.addi %scan3A_160, %scan3A_161 : i32
    %scan3A_163 = arith.constant 1 : i32
    %scan3A_164 = scf.for %scan3A_385 = %scan3A_160 to %scan3A_162 step %scan3A_163 iter_args(%scan3A_386 = %scan3A_159) -> (i32)  : i32 {
      %jit3A = arith.constant 8 : i32
      %div3A = arith.divsi %scan3A_385, %jit3A : i32
      %sign3A = arith.constant 0 : i32
      %sign3A_387 = arith.cmpi sgt, %scan3A_385, %sign3A : i32
      %sign3A_388 = arith.extui %sign3A_387 : i1 to i32
      %sign3A_389 = arith.constant 0 : i32
      %sign3A_390 = arith.cmpi slt, %scan3A_385, %sign3A_389 : i32
      %sign3A_391 = arith.extui %sign3A_390 : i1 to i32
      %sign3A_392 = arith.subi %sign3A_388, %sign3A_391 : i32
      %sign3A_393 = arith.constant 0 : i32
      %sign3A_394 = arith.cmpi sgt, %jit3A, %sign3A_393 : i32
      %sign3A_395 = arith.extui %sign3A_394 : i1 to i32
      %sign3A_396 = arith.constant 0 : i32
      %sign3A_397 = arith.cmpi slt, %jit3A, %sign3A_396 : i32
      %sign3A_398 = arith.extui %sign3A_397 : i1 to i32
      %sign3A_399 = arith.subi %sign3A_395, %sign3A_398 : i32
      %ne3A = arith.cmpi ne, %sign3A_392, %sign3A_399 : i32
      %rem3A = arith.remsi %scan3A_385, %jit3A : i32
      %ne3A_400 = arith.constant 0 : i32
      %ne3A_401 = arith.cmpi ne, %rem3A, %ne3A_400 : i32
      %and3A_402 = arith.andi %ne3A, %ne3A_401 : i1
      %sub3A = arith.constant 1 : i32
      %sub3A_403 = arith.subi %div3A, %sub3A : i32
      %select_n3A = arith.select %and3A_402, %sub3A_403, %div3A : i32
      %jit3A_404 = arith.constant 8 : i32
      %eq3A_405 = arith.constant 0 : i32
      %eq3A_406 = arith.cmpi eq, %jit3A_404, %eq3A_405 : i32
      %jit3A_407 = arith.constant 1 : i32
      %select_n3A_408 = arith.select %eq3A_406, %jit3A_407, %jit3A_404 : i32
      %rem3A_409 = arith.remsi %scan3A_385, %select_n3A_408 : i32
      %ne3A_410 = arith.constant 0 : i32
      %ne3A_411 = arith.cmpi ne, %rem3A_409, %ne3A_410 : i32
      %lt3A = arith.constant 0 : i32
      %lt3A_412 = arith.cmpi slt, %rem3A_409, %lt3A : i32
      %lt3A_413 = arith.constant 0 : i32
      %lt3A_414 = arith.cmpi slt, %select_n3A_408, %lt3A_413 : i32
      %ne3A_415 = arith.xori %lt3A_412, %lt3A_414 : i1
      %and3A_416 = arith.andi %ne3A_415, %ne3A_411 : i1
      %add3A_417 = arith.addi %rem3A_409, %select_n3A_408 : i32
      %select_n3A_418 = arith.select %and3A_416, %add3A_417, %rem3A_409 : i32
      %get3A = arith.constant 0 : i32
      %get3A_419 = arith.index_cast %select_n3A : i32 to index
      %get3A_420 = arith.index_cast %get3A : i32 to index
      %get3A_421 = arith.index_cast %select_n3A_418 : i32 to index
      %get3A_422 = arith.constant 112 : index
      %get3A_423 = tpu.vector_load %arg6[%get3A_419, %get3A_420, %get3A_421, %get3A_422] {strides = array<i32>} : memref<25x2x8x128xi32, #tpu.memory_space<vmem>>, vector<16xi32>,
      %mul3A_424 = arith.constant 16 : i32
      %mul3A_425 = arith.muli %scan3A_385, %mul3A_424 : i32
      %swap3A_426 = arith.index_cast %mul3A_425 : i32 to index
      %swap3A_427 = tpu.vector_load %arg8[%swap3A_426] {strides = array<i32>} : memref<3200xi32, #tpu.memory_space<vmem>>, vector<16xi32>,
      tpu.vector_store %arg8[%swap3A_426], %get3A_423 {strides = array<i32>} : memref<3200xi32, #tpu.memory_space<vmem>>, vector<16xi32>,
      %scan3A_428 = arith.constant 0 : i32
      scf.yield %scan3A_428 : i32
    }
    %scan3A_165 = arith.constant 200 : i32
    %dma_start3A_166 = arith.constant 0 : i32
    %dma_start3A_167 = tpu.memref_slice %arg13[%dma_start3A_166] : memref<1000000xi32, #tpu.memory_space<vmem_shared>> -> memref<1000000xi32, #tpu.memory_space<vmem_shared>>
    tpu.enqueue_indirect_dma source(%dma_start3A_167 : memref<1000000xi32, #tpu.memory_space<vmem_shared>>) target(%arg10 : memref<3200xi32, #tpu.memory_space<vmem>>) offsets(%arg8 : memref<3200xi32, #tpu.memory_space<vmem>>) semaphore(%arg15 : memref<!tpu.dma_semaphore, #tpu.memory_space<semaphore_mem>>)
    %dma_wait3A_168 = arith.constant 0 : i32
    %dma_wait3A_169 = tpu.memref_slice %arg13[%dma_wait3A_168] : memref<1000000xi32, #tpu.memory_space<vmem_shared>> -> memref<1000000xi32, #tpu.memory_space<vmem_shared>>
    tpu.wait_indirect_dma semaphore(%arg14 : memref<!tpu.dma_semaphore, #tpu.memory_space<semaphore_mem>>) src(%dma_wait3A_169 : memref<1000000xi32, #tpu.memory_space<vmem_shared>>) dst(%arg9 : memref<3200xi32, #tpu.memory_space<vmem>>)
    %broadcast_in_dim3A_170 = arith.constant 0.000000e+00 : f32
    %broadcast_in_dim3A_171 = vector.broadcast %broadcast_in_dim3A_170 : f32 to vector<16xf32>
    %scan3A_172 = arith.constant 0 : i32
    %scan3A_173 = arith.constant 200 : i32
    %scan3A_174 = arith.addi %scan3A_172, %scan3A_173 : i32
    %scan3A_175 = arith.constant 4 : i32
    %scan3A_176:2 = scf.for %scan3A_385 = %scan3A_172 to %scan3A_174 step %scan3A_175 iter_args(%scan3A_386 = %broadcast_in_dim3A_171, %scan3A_387 = %broadcast_in_dim3A_171) -> (vector<16xf32>, vector<16xf32>)  : i32 {
      %mul3A_388 = arith.constant 16 : i32
      %mul3A_389 = arith.muli %scan3A_385, %mul3A_388 : i32
      %get3A = arith.index_cast %mul3A_389 : i32 to index
      %get3A_390 = tpu.vector_load %arg9[%get3A] {strides = array<i32>} : memref<3200xi32, #tpu.memory_space<vmem>>, vector<16xi32>,
      %shift_left3A = arith.constant 16 : i32
      %shift_left3A_391 = vector.broadcast %shift_left3A : i32 to vector<16xi32>
      %shift_left3A_392 = arith.shli %get3A_390, %shift_left3A_391 : vector<16xi32>
      %bitcast3A = vector.bitcast %shift_left3A_392 : vector<16xi32> to vector<16xf32>
      %and3A_393 = arith.andi %get3A_390, %broadcast_in_dim3A_15 : vector<16xi32>
      %bitcast3A_394 = vector.bitcast %and3A_393 : vector<16xi32> to vector<16xf32>
      %add3A_395 = arith.addf %scan3A_386, %bitcast3A : vector<16xf32>
      %add3A_396 = arith.addf %scan3A_387, %bitcast3A_394 : vector<16xf32>
      %scan3A_397 = arith.constant 1 : i32
      %scan3A_398 = arith.addi %scan3A_385, %scan3A_397 : i32
      %mul3A_399 = arith.constant 16 : i32
      %mul3A_400 = arith.muli %scan3A_398, %mul3A_399 : i32
      %get3A_401 = arith.index_cast %mul3A_400 : i32 to index
      %get3A_402 = tpu.vector_load %arg9[%get3A_401] {strides = array<i32>} : memref<3200xi32, #tpu.memory_space<vmem>>, vector<16xi32>,
      %shift_left3A_403 = arith.constant 16 : i32
      %shift_left3A_404 = vector.broadcast %shift_left3A_403 : i32 to vector<16xi32>
      %shift_left3A_405 = arith.shli %get3A_402, %shift_left3A_404 : vector<16xi32>
      %bitcast3A_406 = vector.bitcast %shift_left3A_405 : vector<16xi32> to vector<16xf32>
      %and3A_407 = arith.andi %get3A_402, %broadcast_in_dim3A_15 : vector<16xi32>
      %bitcast3A_408 = vector.bitcast %and3A_407 : vector<16xi32> to vector<16xf32>
      %add3A_409 = arith.addf %add3A_395, %bitcast3A_406 : vector<16xf32>
      %add3A_410 = arith.addf %add3A_396, %bitcast3A_408 : vector<16xf32>
      %scan3A_411 = arith.constant 2 : i32
      %scan3A_412 = arith.addi %scan3A_385, %scan3A_411 : i32
      %mul3A_413 = arith.constant 16 : i32
      %mul3A_414 = arith.muli %scan3A_412, %mul3A_413 : i32
      %get3A_415 = arith.index_cast %mul3A_414 : i32 to index
      %get3A_416 = tpu.vector_load %arg9[%get3A_415] {strides = array<i32>} : memref<3200xi32, #tpu.memory_space<vmem>>, vector<16xi32>,
      %shift_left3A_417 = arith.constant 16 : i32
      %shift_left3A_418 = vector.broadcast %shift_left3A_417 : i32 to vector<16xi32>
      %shift_left3A_419 = arith.shli %get3A_416, %shift_left3A_418 : vector<16xi32>
      %bitcast3A_420 = vector.bitcast %shift_left3A_419 : vector<16xi32> to vector<16xf32>
      %and3A_421 = arith.andi %get3A_416, %broadcast_in_dim3A_15 : vector<16xi32>
      %bitcast3A_422 = vector.bitcast %and3A_421 : vector<16xi32> to vector<16xf32>
      %add3A_423 = arith.addf %add3A_409, %bitcast3A_420 : vector<16xf32>
      %add3A_424 = arith.addf %add3A_410, %bitcast3A_422 : vector<16xf32>
      %scan3A_425 = arith.constant 3 : i32
      %scan3A_426 = arith.addi %scan3A_385, %scan3A_425 : i32
      %mul3A_427 = arith.constant 16 : i32
      %mul3A_428 = arith.muli %scan3A_426, %mul3A_427 : i32
      %get3A_429 = arith.index_cast %mul3A_428 : i32 to index
      %get3A_430 = tpu.vector_load %arg9[%get3A_429] {strides = array<i32>} : memref<3200xi32, #tpu.memory_space<vmem>>, vector<16xi32>,
      %shift_left3A_431 = arith.constant 16 : i32
      %shift_left3A_432 = vector.broadcast %shift_left3A_431 : i32 to vector<16xi32>
      %shift_left3A_433 = arith.shli %get3A_430, %shift_left3A_432 : vector<16xi32>
      %bitcast3A_434 = vector.bitcast %shift_left3A_433 : vector<16xi32> to vector<16xf32>
      %and3A_435 = arith.andi %get3A_430, %broadcast_in_dim3A_15 : vector<16xi32>
      %bitcast3A_436 = vector.bitcast %and3A_435 : vector<16xi32> to vector<16xf32>
      %add3A_437 = arith.addf %add3A_423, %bitcast3A_434 : vector<16xf32>
      %add3A_438 = arith.addf %add3A_424, %bitcast3A_436 : vector<16xf32>
      scf.yield %add3A_437, %add3A_438 : vector<16xf32>, vector<16xf32>
    }
    %scan3A_177 = arith.constant 200 : i32
    %swap3A_178 = arith.constant 96 : index
    %swap3A_179 = tpu.vector_load %arg11[%swap3A_178] {strides = array<i32>} : memref<256xf32, #tpu.memory_space<vmem>>, vector<16xf32>,
    tpu.vector_store %arg11[%swap3A_178], %scan3A_176#0 {strides = array<i32>} : memref<256xf32, #tpu.memory_space<vmem>>, vector<16xf32>,
    %swap3A_180 = arith.constant 96 : index
    %swap3A_181 = tpu.vector_load %arg12[%swap3A_180] {strides = array<i32>} : memref<256xf32, #tpu.memory_space<vmem>>, vector<16xf32>,
    tpu.vector_store %arg12[%swap3A_180], %scan3A_176#1 {strides = array<i32>} : memref<256xf32, #tpu.memory_space<vmem>>, vector<16xf32>,
    %scan3A_182 = arith.constant 0 : i32
    %scan3A_183 = arith.constant 0 : i32
    %scan3A_184 = arith.constant 200 : i32
    %scan3A_185 = arith.addi %scan3A_183, %scan3A_184 : i32
    %scan3A_186 = arith.constant 1 : i32
    %scan3A_187 = scf.for %scan3A_385 = %scan3A_183 to %scan3A_185 step %scan3A_186 iter_args(%scan3A_386 = %scan3A_182) -> (i32)  : i32 {
      %jit3A = arith.constant 8 : i32
      %div3A = arith.divsi %scan3A_385, %jit3A : i32
      %sign3A = arith.constant 0 : i32
      %sign3A_387 = arith.cmpi sgt, %scan3A_385, %sign3A : i32
      %sign3A_388 = arith.extui %sign3A_387 : i1 to i32
      %sign3A_389 = arith.constant 0 : i32
      %sign3A_390 = arith.cmpi slt, %scan3A_385, %sign3A_389 : i32
      %sign3A_391 = arith.extui %sign3A_390 : i1 to i32
      %sign3A_392 = arith.subi %sign3A_388, %sign3A_391 : i32
      %sign3A_393 = arith.constant 0 : i32
      %sign3A_394 = arith.cmpi sgt, %jit3A, %sign3A_393 : i32
      %sign3A_395 = arith.extui %sign3A_394 : i1 to i32
      %sign3A_396 = arith.constant 0 : i32
      %sign3A_397 = arith.cmpi slt, %jit3A, %sign3A_396 : i32
      %sign3A_398 = arith.extui %sign3A_397 : i1 to i32
      %sign3A_399 = arith.subi %sign3A_395, %sign3A_398 : i32
      %ne3A = arith.cmpi ne, %sign3A_392, %sign3A_399 : i32
      %rem3A = arith.remsi %scan3A_385, %jit3A : i32
      %ne3A_400 = arith.constant 0 : i32
      %ne3A_401 = arith.cmpi ne, %rem3A, %ne3A_400 : i32
      %and3A_402 = arith.andi %ne3A, %ne3A_401 : i1
      %sub3A = arith.constant 1 : i32
      %sub3A_403 = arith.subi %div3A, %sub3A : i32
      %select_n3A = arith.select %and3A_402, %sub3A_403, %div3A : i32
      %jit3A_404 = arith.constant 8 : i32
      %eq3A_405 = arith.constant 0 : i32
      %eq3A_406 = arith.cmpi eq, %jit3A_404, %eq3A_405 : i32
      %jit3A_407 = arith.constant 1 : i32
      %select_n3A_408 = arith.select %eq3A_406, %jit3A_407, %jit3A_404 : i32
      %rem3A_409 = arith.remsi %scan3A_385, %select_n3A_408 : i32
      %ne3A_410 = arith.constant 0 : i32
      %ne3A_411 = arith.cmpi ne, %rem3A_409, %ne3A_410 : i32
      %lt3A = arith.constant 0 : i32
      %lt3A_412 = arith.cmpi slt, %rem3A_409, %lt3A : i32
      %lt3A_413 = arith.constant 0 : i32
      %lt3A_414 = arith.cmpi slt, %select_n3A_408, %lt3A_413 : i32
      %ne3A_415 = arith.xori %lt3A_412, %lt3A_414 : i1
      %and3A_416 = arith.andi %ne3A_415, %ne3A_411 : i1
      %add3A_417 = arith.addi %rem3A_409, %select_n3A_408 : i32
      %select_n3A_418 = arith.select %and3A_416, %add3A_417, %rem3A_409 : i32
      %get3A = arith.constant 1 : i32
      %get3A_419 = arith.index_cast %select_n3A : i32 to index
      %get3A_420 = arith.index_cast %get3A : i32 to index
      %get3A_421 = arith.index_cast %select_n3A_418 : i32 to index
      %get3A_422 = arith.constant 0 : index
      %get3A_423 = tpu.vector_load %arg6[%get3A_419, %get3A_420, %get3A_421, %get3A_422] {strides = array<i32>} : memref<25x2x8x128xi32, #tpu.memory_space<vmem>>, vector<16xi32>,
      %mul3A_424 = arith.constant 16 : i32
      %mul3A_425 = arith.muli %scan3A_385, %mul3A_424 : i32
      %swap3A_426 = arith.index_cast %mul3A_425 : i32 to index
      %swap3A_427 = tpu.vector_load %arg7[%swap3A_426] {strides = array<i32>} : memref<3200xi32, #tpu.memory_space<vmem>>, vector<16xi32>,
      tpu.vector_store %arg7[%swap3A_426], %get3A_423 {strides = array<i32>} : memref<3200xi32, #tpu.memory_space<vmem>>, vector<16xi32>,
      %scan3A_428 = arith.constant 0 : i32
      scf.yield %scan3A_428 : i32
    }
    %scan3A_188 = arith.constant 200 : i32
    %dma_start3A_189 = arith.constant 0 : i32
    %dma_start3A_190 = tpu.memref_slice %arg13[%dma_start3A_189] : memref<1000000xi32, #tpu.memory_space<vmem_shared>> -> memref<1000000xi32, #tpu.memory_space<vmem_shared>>
    tpu.enqueue_indirect_dma source(%dma_start3A_190 : memref<1000000xi32, #tpu.memory_space<vmem_shared>>) target(%arg9 : memref<3200xi32, #tpu.memory_space<vmem>>) offsets(%arg7 : memref<3200xi32, #tpu.memory_space<vmem>>) semaphore(%arg14 : memref<!tpu.dma_semaphore, #tpu.memory_space<semaphore_mem>>)
    %dma_wait3A_191 = arith.constant 0 : i32
    %dma_wait3A_192 = tpu.memref_slice %arg13[%dma_wait3A_191] : memref<1000000xi32, #tpu.memory_space<vmem_shared>> -> memref<1000000xi32, #tpu.memory_space<vmem_shared>>
    tpu.wait_indirect_dma semaphore(%arg15 : memref<!tpu.dma_semaphore, #tpu.memory_space<semaphore_mem>>) src(%dma_wait3A_192 : memref<1000000xi32, #tpu.memory_space<vmem_shared>>) dst(%arg10 : memref<3200xi32, #tpu.memory_space<vmem>>)
    %broadcast_in_dim3A_193 = arith.constant 0.000000e+00 : f32
    %broadcast_in_dim3A_194 = vector.broadcast %broadcast_in_dim3A_193 : f32 to vector<16xf32>
    %scan3A_195 = arith.constant 0 : i32
    %scan3A_196 = arith.constant 200 : i32
    %scan3A_197 = arith.addi %scan3A_195, %scan3A_196 : i32
    %scan3A_198 = arith.constant 4 : i32
    %scan3A_199:2 = scf.for %scan3A_385 = %scan3A_195 to %scan3A_197 step %scan3A_198 iter_args(%scan3A_386 = %broadcast_in_dim3A_194, %scan3A_387 = %broadcast_in_dim3A_194) -> (vector<16xf32>, vector<16xf32>)  : i32 {
      %mul3A_388 = arith.constant 16 : i32
      %mul3A_389 = arith.muli %scan3A_385, %mul3A_388 : i32
      %get3A = arith.index_cast %mul3A_389 : i32 to index
      %get3A_390 = tpu.vector_load %arg10[%get3A] {strides = array<i32>} : memref<3200xi32, #tpu.memory_space<vmem>>, vector<16xi32>,
      %shift_left3A = arith.constant 16 : i32
      %shift_left3A_391 = vector.broadcast %shift_left3A : i32 to vector<16xi32>
      %shift_left3A_392 = arith.shli %get3A_390, %shift_left3A_391 : vector<16xi32>
      %bitcast3A = vector.bitcast %shift_left3A_392 : vector<16xi32> to vector<16xf32>
      %and3A_393 = arith.andi %get3A_390, %broadcast_in_dim3A_15 : vector<16xi32>
      %bitcast3A_394 = vector.bitcast %and3A_393 : vector<16xi32> to vector<16xf32>
      %add3A_395 = arith.addf %scan3A_386, %bitcast3A : vector<16xf32>
      %add3A_396 = arith.addf %scan3A_387, %bitcast3A_394 : vector<16xf32>
      %scan3A_397 = arith.constant 1 : i32
      %scan3A_398 = arith.addi %scan3A_385, %scan3A_397 : i32
      %mul3A_399 = arith.constant 16 : i32
      %mul3A_400 = arith.muli %scan3A_398, %mul3A_399 : i32
      %get3A_401 = arith.index_cast %mul3A_400 : i32 to index
      %get3A_402 = tpu.vector_load %arg10[%get3A_401] {strides = array<i32>} : memref<3200xi32, #tpu.memory_space<vmem>>, vector<16xi32>,
      %shift_left3A_403 = arith.constant 16 : i32
      %shift_left3A_404 = vector.broadcast %shift_left3A_403 : i32 to vector<16xi32>
      %shift_left3A_405 = arith.shli %get3A_402, %shift_left3A_404 : vector<16xi32>
      %bitcast3A_406 = vector.bitcast %shift_left3A_405 : vector<16xi32> to vector<16xf32>
      %and3A_407 = arith.andi %get3A_402, %broadcast_in_dim3A_15 : vector<16xi32>
      %bitcast3A_408 = vector.bitcast %and3A_407 : vector<16xi32> to vector<16xf32>
      %add3A_409 = arith.addf %add3A_395, %bitcast3A_406 : vector<16xf32>
      %add3A_410 = arith.addf %add3A_396, %bitcast3A_408 : vector<16xf32>
      %scan3A_411 = arith.constant 2 : i32
      %scan3A_412 = arith.addi %scan3A_385, %scan3A_411 : i32
      %mul3A_413 = arith.constant 16 : i32
      %mul3A_414 = arith.muli %scan3A_412, %mul3A_413 : i32
      %get3A_415 = arith.index_cast %mul3A_414 : i32 to index
      %get3A_416 = tpu.vector_load %arg10[%get3A_415] {strides = array<i32>} : memref<3200xi32, #tpu.memory_space<vmem>>, vector<16xi32>,
      %shift_left3A_417 = arith.constant 16 : i32
      %shift_left3A_418 = vector.broadcast %shift_left3A_417 : i32 to vector<16xi32>
      %shift_left3A_419 = arith.shli %get3A_416, %shift_left3A_418 : vector<16xi32>
      %bitcast3A_420 = vector.bitcast %shift_left3A_419 : vector<16xi32> to vector<16xf32>
      %and3A_421 = arith.andi %get3A_416, %broadcast_in_dim3A_15 : vector<16xi32>
      %bitcast3A_422 = vector.bitcast %and3A_421 : vector<16xi32> to vector<16xf32>
      %add3A_423 = arith.addf %add3A_409, %bitcast3A_420 : vector<16xf32>
      %add3A_424 = arith.addf %add3A_410, %bitcast3A_422 : vector<16xf32>
      %scan3A_425 = arith.constant 3 : i32
      %scan3A_426 = arith.addi %scan3A_385, %scan3A_425 : i32
      %mul3A_427 = arith.constant 16 : i32
      %mul3A_428 = arith.muli %scan3A_426, %mul3A_427 : i32
      %get3A_429 = arith.index_cast %mul3A_428 : i32 to index
      %get3A_430 = tpu.vector_load %arg10[%get3A_429] {strides = array<i32>} : memref<3200xi32, #tpu.memory_space<vmem>>, vector<16xi32>,
      %shift_left3A_431 = arith.constant 16 : i32
      %shift_left3A_432 = vector.broadcast %shift_left3A_431 : i32 to vector<16xi32>
      %shift_left3A_433 = arith.shli %get3A_430, %shift_left3A_432 : vector<16xi32>
      %bitcast3A_434 = vector.bitcast %shift_left3A_433 : vector<16xi32> to vector<16xf32>
      %and3A_435 = arith.andi %get3A_430, %broadcast_in_dim3A_15 : vector<16xi32>
      %bitcast3A_436 = vector.bitcast %and3A_435 : vector<16xi32> to vector<16xf32>
      %add3A_437 = arith.addf %add3A_423, %bitcast3A_434 : vector<16xf32>
      %add3A_438 = arith.addf %add3A_424, %bitcast3A_436 : vector<16xf32>
      scf.yield %add3A_437, %add3A_438 : vector<16xf32>, vector<16xf32>
    }
    %scan3A_200 = arith.constant 200 : i32
    %swap3A_201 = arith.constant 112 : index
    %swap3A_202 = tpu.vector_load %arg11[%swap3A_201] {strides = array<i32>} : memref<256xf32, #tpu.memory_space<vmem>>, vector<16xf32>,
    tpu.vector_store %arg11[%swap3A_201], %scan3A_199#0 {strides = array<i32>} : memref<256xf32, #tpu.memory_space<vmem>>, vector<16xf32>,
    %swap3A_203 = arith.constant 112 : index
    %swap3A_204 = tpu.vector_load %arg12[%swap3A_203] {strides = array<i32>} : memref<256xf32, #tpu.memory_space<vmem>>, vector<16xf32>,
    tpu.vector_store %arg12[%swap3A_203], %scan3A_199#1 {strides = array<i32>} : memref<256xf32, #tpu.memory_space<vmem>>, vector<16xf32>,
    %scan3A_205 = arith.constant 0 : i32
    %scan3A_206 = arith.constant 0 : i32
    %scan3A_207 = arith.constant 200 : i32
    %scan3A_208 = arith.addi %scan3A_206, %scan3A_207 : i32
    %scan3A_209 = arith.constant 1 : i32
    %scan3A_210 = scf.for %scan3A_385 = %scan3A_206 to %scan3A_208 step %scan3A_209 iter_args(%scan3A_386 = %scan3A_205) -> (i32)  : i32 {
      %jit3A = arith.constant 8 : i32
      %div3A = arith.divsi %scan3A_385, %jit3A : i32
      %sign3A = arith.constant 0 : i32
      %sign3A_387 = arith.cmpi sgt, %scan3A_385, %sign3A : i32
      %sign3A_388 = arith.extui %sign3A_387 : i1 to i32
      %sign3A_389 = arith.constant 0 : i32
      %sign3A_390 = arith.cmpi slt, %scan3A_385, %sign3A_389 : i32
      %sign3A_391 = arith.extui %sign3A_390 : i1 to i32
      %sign3A_392 = arith.subi %sign3A_388, %sign3A_391 : i32
      %sign3A_393 = arith.constant 0 : i32
      %sign3A_394 = arith.cmpi sgt, %jit3A, %sign3A_393 : i32
      %sign3A_395 = arith.extui %sign3A_394 : i1 to i32
      %sign3A_396 = arith.constant 0 : i32
      %sign3A_397 = arith.cmpi slt, %jit3A, %sign3A_396 : i32
      %sign3A_398 = arith.extui %sign3A_397 : i1 to i32
      %sign3A_399 = arith.subi %sign3A_395, %sign3A_398 : i32
      %ne3A = arith.cmpi ne, %sign3A_392, %sign3A_399 : i32
      %rem3A = arith.remsi %scan3A_385, %jit3A : i32
      %ne3A_400 = arith.constant 0 : i32
      %ne3A_401 = arith.cmpi ne, %rem3A, %ne3A_400 : i32
      %and3A_402 = arith.andi %ne3A, %ne3A_401 : i1
      %sub3A = arith.constant 1 : i32
      %sub3A_403 = arith.subi %div3A, %sub3A : i32
      %select_n3A = arith.select %and3A_402, %sub3A_403, %div3A : i32
      %jit3A_404 = arith.constant 8 : i32
      %eq3A_405 = arith.constant 0 : i32
      %eq3A_406 = arith.cmpi eq, %jit3A_404, %eq3A_405 : i32
      %jit3A_407 = arith.constant 1 : i32
      %select_n3A_408 = arith.select %eq3A_406, %jit3A_407, %jit3A_404 : i32
      %rem3A_409 = arith.remsi %scan3A_385, %select_n3A_408 : i32
      %ne3A_410 = arith.constant 0 : i32
      %ne3A_411 = arith.cmpi ne, %rem3A_409, %ne3A_410 : i32
      %lt3A = arith.constant 0 : i32
      %lt3A_412 = arith.cmpi slt, %rem3A_409, %lt3A : i32
      %lt3A_413 = arith.constant 0 : i32
      %lt3A_414 = arith.cmpi slt, %select_n3A_408, %lt3A_413 : i32
      %ne3A_415 = arith.xori %lt3A_412, %lt3A_414 : i1
      %and3A_416 = arith.andi %ne3A_415, %ne3A_411 : i1
      %add3A_417 = arith.addi %rem3A_409, %select_n3A_408 : i32
      %select_n3A_418 = arith.select %and3A_416, %add3A_417, %rem3A_409 : i32
      %get3A = arith.constant 1 : i32
      %get3A_419 = arith.index_cast %select_n3A : i32 to index
      %get3A_420 = arith.index_cast %get3A : i32 to index
      %get3A_421 = arith.index_cast %select_n3A_418 : i32 to index
      %get3A_422 = arith.constant 16 : index
      %get3A_423 = tpu.vector_load %arg6[%get3A_419, %get3A_420, %get3A_421, %get3A_422] {strides = array<i32>} : memref<25x2x8x128xi32, #tpu.memory_space<vmem>>, vector<16xi32>,
      %mul3A_424 = arith.constant 16 : i32
      %mul3A_425 = arith.muli %scan3A_385, %mul3A_424 : i32
      %swap3A_426 = arith.index_cast %mul3A_425 : i32 to index
      %swap3A_427 = tpu.vector_load %arg8[%swap3A_426] {strides = array<i32>} : memref<3200xi32, #tpu.memory_space<vmem>>, vector<16xi32>,
      tpu.vector_store %arg8[%swap3A_426], %get3A_423 {strides = array<i32>} : memref<3200xi32, #tpu.memory_space<vmem>>, vector<16xi32>,
      %scan3A_428 = arith.constant 0 : i32
      scf.yield %scan3A_428 : i32
    }
    %scan3A_211 = arith.constant 200 : i32
    %dma_start3A_212 = arith.constant 0 : i32
    %dma_start3A_213 = tpu.memref_slice %arg13[%dma_start3A_212] : memref<1000000xi32, #tpu.memory_space<vmem_shared>> -> memref<1000000xi32, #tpu.memory_space<vmem_shared>>
    tpu.enqueue_indirect_dma source(%dma_start3A_213 : memref<1000000xi32, #tpu.memory_space<vmem_shared>>) target(%arg10 : memref<3200xi32, #tpu.memory_space<vmem>>) offsets(%arg8 : memref<3200xi32, #tpu.memory_space<vmem>>) semaphore(%arg15 : memref<!tpu.dma_semaphore, #tpu.memory_space<semaphore_mem>>)
    %dma_wait3A_214 = arith.constant 0 : i32
    %dma_wait3A_215 = tpu.memref_slice %arg13[%dma_wait3A_214] : memref<1000000xi32, #tpu.memory_space<vmem_shared>> -> memref<1000000xi32, #tpu.memory_space<vmem_shared>>
    tpu.wait_indirect_dma semaphore(%arg14 : memref<!tpu.dma_semaphore, #tpu.memory_space<semaphore_mem>>) src(%dma_wait3A_215 : memref<1000000xi32, #tpu.memory_space<vmem_shared>>) dst(%arg9 : memref<3200xi32, #tpu.memory_space<vmem>>)
    %broadcast_in_dim3A_216 = arith.constant 0.000000e+00 : f32
    %broadcast_in_dim3A_217 = vector.broadcast %broadcast_in_dim3A_216 : f32 to vector<16xf32>
    %scan3A_218 = arith.constant 0 : i32
    %scan3A_219 = arith.constant 200 : i32
    %scan3A_220 = arith.addi %scan3A_218, %scan3A_219 : i32
    %scan3A_221 = arith.constant 4 : i32
    %scan3A_222:2 = scf.for %scan3A_385 = %scan3A_218 to %scan3A_220 step %scan3A_221 iter_args(%scan3A_386 = %broadcast_in_dim3A_217, %scan3A_387 = %broadcast_in_dim3A_217) -> (vector<16xf32>, vector<16xf32>)  : i32 {
      %mul3A_388 = arith.constant 16 : i32
      %mul3A_389 = arith.muli %scan3A_385, %mul3A_388 : i32
      %get3A = arith.index_cast %mul3A_389 : i32 to index
      %get3A_390 = tpu.vector_load %arg9[%get3A] {strides = array<i32>} : memref<3200xi32, #tpu.memory_space<vmem>>, vector<16xi32>,
      %shift_left3A = arith.constant 16 : i32
      %shift_left3A_391 = vector.broadcast %shift_left3A : i32 to vector<16xi32>
      %shift_left3A_392 = arith.shli %get3A_390, %shift_left3A_391 : vector<16xi32>
      %bitcast3A = vector.bitcast %shift_left3A_392 : vector<16xi32> to vector<16xf32>
      %and3A_393 = arith.andi %get3A_390, %broadcast_in_dim3A_15 : vector<16xi32>
      %bitcast3A_394 = vector.bitcast %and3A_393 : vector<16xi32> to vector<16xf32>
      %add3A_395 = arith.addf %scan3A_386, %bitcast3A : vector<16xf32>
      %add3A_396 = arith.addf %scan3A_387, %bitcast3A_394 : vector<16xf32>
      %scan3A_397 = arith.constant 1 : i32
      %scan3A_398 = arith.addi %scan3A_385, %scan3A_397 : i32
      %mul3A_399 = arith.constant 16 : i32
      %mul3A_400 = arith.muli %scan3A_398, %mul3A_399 : i32
      %get3A_401 = arith.index_cast %mul3A_400 : i32 to index
      %get3A_402 = tpu.vector_load %arg9[%get3A_401] {strides = array<i32>} : memref<3200xi32, #tpu.memory_space<vmem>>, vector<16xi32>,
      %shift_left3A_403 = arith.constant 16 : i32
      %shift_left3A_404 = vector.broadcast %shift_left3A_403 : i32 to vector<16xi32>
      %shift_left3A_405 = arith.shli %get3A_402, %shift_left3A_404 : vector<16xi32>
      %bitcast3A_406 = vector.bitcast %shift_left3A_405 : vector<16xi32> to vector<16xf32>
      %and3A_407 = arith.andi %get3A_402, %broadcast_in_dim3A_15 : vector<16xi32>
      %bitcast3A_408 = vector.bitcast %and3A_407 : vector<16xi32> to vector<16xf32>
      %add3A_409 = arith.addf %add3A_395, %bitcast3A_406 : vector<16xf32>
      %add3A_410 = arith.addf %add3A_396, %bitcast3A_408 : vector<16xf32>
      %scan3A_411 = arith.constant 2 : i32
      %scan3A_412 = arith.addi %scan3A_385, %scan3A_411 : i32
      %mul3A_413 = arith.constant 16 : i32
      %mul3A_414 = arith.muli %scan3A_412, %mul3A_413 : i32
      %get3A_415 = arith.index_cast %mul3A_414 : i32 to index
      %get3A_416 = tpu.vector_load %arg9[%get3A_415] {strides = array<i32>} : memref<3200xi32, #tpu.memory_space<vmem>>, vector<16xi32>,
      %shift_left3A_417 = arith.constant 16 : i32
      %shift_left3A_418 = vector.broadcast %shift_left3A_417 : i32 to vector<16xi32>
      %shift_left3A_419 = arith.shli %get3A_416, %shift_left3A_418 : vector<16xi32>
      %bitcast3A_420 = vector.bitcast %shift_left3A_419 : vector<16xi32> to vector<16xf32>
      %and3A_421 = arith.andi %get3A_416, %broadcast_in_dim3A_15 : vector<16xi32>
      %bitcast3A_422 = vector.bitcast %and3A_421 : vector<16xi32> to vector<16xf32>
      %add3A_423 = arith.addf %add3A_409, %bitcast3A_420 : vector<16xf32>
      %add3A_424 = arith.addf %add3A_410, %bitcast3A_422 : vector<16xf32>
      %scan3A_425 = arith.constant 3 : i32
      %scan3A_426 = arith.addi %scan3A_385, %scan3A_425 : i32
      %mul3A_427 = arith.constant 16 : i32
      %mul3A_428 = arith.muli %scan3A_426, %mul3A_427 : i32
      %get3A_429 = arith.index_cast %mul3A_428 : i32 to index
      %get3A_430 = tpu.vector_load %arg9[%get3A_429] {strides = array<i32>} : memref<3200xi32, #tpu.memory_space<vmem>>, vector<16xi32>,
      %shift_left3A_431 = arith.constant 16 : i32
      %shift_left3A_432 = vector.broadcast %shift_left3A_431 : i32 to vector<16xi32>
      %shift_left3A_433 = arith.shli %get3A_430, %shift_left3A_432 : vector<16xi32>
      %bitcast3A_434 = vector.bitcast %shift_left3A_433 : vector<16xi32> to vector<16xf32>
      %and3A_435 = arith.andi %get3A_430, %broadcast_in_dim3A_15 : vector<16xi32>
      %bitcast3A_436 = vector.bitcast %and3A_435 : vector<16xi32> to vector<16xf32>
      %add3A_437 = arith.addf %add3A_423, %bitcast3A_434 : vector<16xf32>
      %add3A_438 = arith.addf %add3A_424, %bitcast3A_436 : vector<16xf32>
      scf.yield %add3A_437, %add3A_438 : vector<16xf32>, vector<16xf32>
    }
    %scan3A_223 = arith.constant 200 : i32
    %swap3A_224 = arith.constant 128 : index
    %swap3A_225 = tpu.vector_load %arg11[%swap3A_224] {strides = array<i32>} : memref<256xf32, #tpu.memory_space<vmem>>, vector<16xf32>,
    tpu.vector_store %arg11[%swap3A_224], %scan3A_222#0 {strides = array<i32>} : memref<256xf32, #tpu.memory_space<vmem>>, vector<16xf32>,
    %swap3A_226 = arith.constant 128 : index
    %swap3A_227 = tpu.vector_load %arg12[%swap3A_226] {strides = array<i32>} : memref<256xf32, #tpu.memory_space<vmem>>, vector<16xf32>,
    tpu.vector_store %arg12[%swap3A_226], %scan3A_222#1 {strides = array<i32>} : memref<256xf32, #tpu.memory_space<vmem>>, vector<16xf32>,
    %scan3A_228 = arith.constant 0 : i32
    %scan3A_229 = arith.constant 0 : i32
    %scan3A_230 = arith.constant 200 : i32
    %scan3A_231 = arith.addi %scan3A_229, %scan3A_230 : i32
    %scan3A_232 = arith.constant 1 : i32
    %scan3A_233 = scf.for %scan3A_385 = %scan3A_229 to %scan3A_231 step %scan3A_232 iter_args(%scan3A_386 = %scan3A_228) -> (i32)  : i32 {
      %jit3A = arith.constant 8 : i32
      %div3A = arith.divsi %scan3A_385, %jit3A : i32
      %sign3A = arith.constant 0 : i32
      %sign3A_387 = arith.cmpi sgt, %scan3A_385, %sign3A : i32
      %sign3A_388 = arith.extui %sign3A_387 : i1 to i32
      %sign3A_389 = arith.constant 0 : i32
      %sign3A_390 = arith.cmpi slt, %scan3A_385, %sign3A_389 : i32
      %sign3A_391 = arith.extui %sign3A_390 : i1 to i32
      %sign3A_392 = arith.subi %sign3A_388, %sign3A_391 : i32
      %sign3A_393 = arith.constant 0 : i32
      %sign3A_394 = arith.cmpi sgt, %jit3A, %sign3A_393 : i32
      %sign3A_395 = arith.extui %sign3A_394 : i1 to i32
      %sign3A_396 = arith.constant 0 : i32
      %sign3A_397 = arith.cmpi slt, %jit3A, %sign3A_396 : i32
      %sign3A_398 = arith.extui %sign3A_397 : i1 to i32
      %sign3A_399 = arith.subi %sign3A_395, %sign3A_398 : i32
      %ne3A = arith.cmpi ne, %sign3A_392, %sign3A_399 : i32
      %rem3A = arith.remsi %scan3A_385, %jit3A : i32
      %ne3A_400 = arith.constant 0 : i32
      %ne3A_401 = arith.cmpi ne, %rem3A, %ne3A_400 : i32
      %and3A_402 = arith.andi %ne3A, %ne3A_401 : i1
      %sub3A = arith.constant 1 : i32
      %sub3A_403 = arith.subi %div3A, %sub3A : i32
      %select_n3A = arith.select %and3A_402, %sub3A_403, %div3A : i32
      %jit3A_404 = arith.constant 8 : i32
      %eq3A_405 = arith.constant 0 : i32
      %eq3A_406 = arith.cmpi eq, %jit3A_404, %eq3A_405 : i32
      %jit3A_407 = arith.constant 1 : i32
      %select_n3A_408 = arith.select %eq3A_406, %jit3A_407, %jit3A_404 : i32
      %rem3A_409 = arith.remsi %scan3A_385, %select_n3A_408 : i32
      %ne3A_410 = arith.constant 0 : i32
      %ne3A_411 = arith.cmpi ne, %rem3A_409, %ne3A_410 : i32
      %lt3A = arith.constant 0 : i32
      %lt3A_412 = arith.cmpi slt, %rem3A_409, %lt3A : i32
      %lt3A_413 = arith.constant 0 : i32
      %lt3A_414 = arith.cmpi slt, %select_n3A_408, %lt3A_413 : i32
      %ne3A_415 = arith.xori %lt3A_412, %lt3A_414 : i1
      %and3A_416 = arith.andi %ne3A_415, %ne3A_411 : i1
      %add3A_417 = arith.addi %rem3A_409, %select_n3A_408 : i32
      %select_n3A_418 = arith.select %and3A_416, %add3A_417, %rem3A_409 : i32
      %get3A = arith.constant 1 : i32
      %get3A_419 = arith.index_cast %select_n3A : i32 to index
      %get3A_420 = arith.index_cast %get3A : i32 to index
      %get3A_421 = arith.index_cast %select_n3A_418 : i32 to index
      %get3A_422 = arith.constant 32 : index
      %get3A_423 = tpu.vector_load %arg6[%get3A_419, %get3A_420, %get3A_421, %get3A_422] {strides = array<i32>} : memref<25x2x8x128xi32, #tpu.memory_space<vmem>>, vector<16xi32>,
      %mul3A_424 = arith.constant 16 : i32
      %mul3A_425 = arith.muli %scan3A_385, %mul3A_424 : i32
      %swap3A_426 = arith.index_cast %mul3A_425 : i32 to index
      %swap3A_427 = tpu.vector_load %arg7[%swap3A_426] {strides = array<i32>} : memref<3200xi32, #tpu.memory_space<vmem>>, vector<16xi32>,
      tpu.vector_store %arg7[%swap3A_426], %get3A_423 {strides = array<i32>} : memref<3200xi32, #tpu.memory_space<vmem>>, vector<16xi32>,
      %scan3A_428 = arith.constant 0 : i32
      scf.yield %scan3A_428 : i32
    }
    %scan3A_234 = arith.constant 200 : i32
    %dma_start3A_235 = arith.constant 0 : i32
    %dma_start3A_236 = tpu.memref_slice %arg13[%dma_start3A_235] : memref<1000000xi32, #tpu.memory_space<vmem_shared>> -> memref<1000000xi32, #tpu.memory_space<vmem_shared>>
    tpu.enqueue_indirect_dma source(%dma_start3A_236 : memref<1000000xi32, #tpu.memory_space<vmem_shared>>) target(%arg9 : memref<3200xi32, #tpu.memory_space<vmem>>) offsets(%arg7 : memref<3200xi32, #tpu.memory_space<vmem>>) semaphore(%arg14 : memref<!tpu.dma_semaphore, #tpu.memory_space<semaphore_mem>>)
    %dma_wait3A_237 = arith.constant 0 : i32
    %dma_wait3A_238 = tpu.memref_slice %arg13[%dma_wait3A_237] : memref<1000000xi32, #tpu.memory_space<vmem_shared>> -> memref<1000000xi32, #tpu.memory_space<vmem_shared>>
    tpu.wait_indirect_dma semaphore(%arg15 : memref<!tpu.dma_semaphore, #tpu.memory_space<semaphore_mem>>) src(%dma_wait3A_238 : memref<1000000xi32, #tpu.memory_space<vmem_shared>>) dst(%arg10 : memref<3200xi32, #tpu.memory_space<vmem>>)
    %broadcast_in_dim3A_239 = arith.constant 0.000000e+00 : f32
    %broadcast_in_dim3A_240 = vector.broadcast %broadcast_in_dim3A_239 : f32 to vector<16xf32>
    %scan3A_241 = arith.constant 0 : i32
    %scan3A_242 = arith.constant 200 : i32
    %scan3A_243 = arith.addi %scan3A_241, %scan3A_242 : i32
    %scan3A_244 = arith.constant 4 : i32
    %scan3A_245:2 = scf.for %scan3A_385 = %scan3A_241 to %scan3A_243 step %scan3A_244 iter_args(%scan3A_386 = %broadcast_in_dim3A_240, %scan3A_387 = %broadcast_in_dim3A_240) -> (vector<16xf32>, vector<16xf32>)  : i32 {
      %mul3A_388 = arith.constant 16 : i32
      %mul3A_389 = arith.muli %scan3A_385, %mul3A_388 : i32
      %get3A = arith.index_cast %mul3A_389 : i32 to index
      %get3A_390 = tpu.vector_load %arg10[%get3A] {strides = array<i32>} : memref<3200xi32, #tpu.memory_space<vmem>>, vector<16xi32>,
      %shift_left3A = arith.constant 16 : i32
      %shift_left3A_391 = vector.broadcast %shift_left3A : i32 to vector<16xi32>
      %shift_left3A_392 = arith.shli %get3A_390, %shift_left3A_391 : vector<16xi32>
      %bitcast3A = vector.bitcast %shift_left3A_392 : vector<16xi32> to vector<16xf32>
      %and3A_393 = arith.andi %get3A_390, %broadcast_in_dim3A_15 : vector<16xi32>
      %bitcast3A_394 = vector.bitcast %and3A_393 : vector<16xi32> to vector<16xf32>
      %add3A_395 = arith.addf %scan3A_386, %bitcast3A : vector<16xf32>
      %add3A_396 = arith.addf %scan3A_387, %bitcast3A_394 : vector<16xf32>
      %scan3A_397 = arith.constant 1 : i32
      %scan3A_398 = arith.addi %scan3A_385, %scan3A_397 : i32
      %mul3A_399 = arith.constant 16 : i32
      %mul3A_400 = arith.muli %scan3A_398, %mul3A_399 : i32
      %get3A_401 = arith.index_cast %mul3A_400 : i32 to index
      %get3A_402 = tpu.vector_load %arg10[%get3A_401] {strides = array<i32>} : memref<3200xi32, #tpu.memory_space<vmem>>, vector<16xi32>,
      %shift_left3A_403 = arith.constant 16 : i32
      %shift_left3A_404 = vector.broadcast %shift_left3A_403 : i32 to vector<16xi32>
      %shift_left3A_405 = arith.shli %get3A_402, %shift_left3A_404 : vector<16xi32>
      %bitcast3A_406 = vector.bitcast %shift_left3A_405 : vector<16xi32> to vector<16xf32>
      %and3A_407 = arith.andi %get3A_402, %broadcast_in_dim3A_15 : vector<16xi32>
      %bitcast3A_408 = vector.bitcast %and3A_407 : vector<16xi32> to vector<16xf32>
      %add3A_409 = arith.addf %add3A_395, %bitcast3A_406 : vector<16xf32>
      %add3A_410 = arith.addf %add3A_396, %bitcast3A_408 : vector<16xf32>
      %scan3A_411 = arith.constant 2 : i32
      %scan3A_412 = arith.addi %scan3A_385, %scan3A_411 : i32
      %mul3A_413 = arith.constant 16 : i32
      %mul3A_414 = arith.muli %scan3A_412, %mul3A_413 : i32
      %get3A_415 = arith.index_cast %mul3A_414 : i32 to index
      %get3A_416 = tpu.vector_load %arg10[%get3A_415] {strides = array<i32>} : memref<3200xi32, #tpu.memory_space<vmem>>, vector<16xi32>,
      %shift_left3A_417 = arith.constant 16 : i32
      %shift_left3A_418 = vector.broadcast %shift_left3A_417 : i32 to vector<16xi32>
      %shift_left3A_419 = arith.shli %get3A_416, %shift_left3A_418 : vector<16xi32>
      %bitcast3A_420 = vector.bitcast %shift_left3A_419 : vector<16xi32> to vector<16xf32>
      %and3A_421 = arith.andi %get3A_416, %broadcast_in_dim3A_15 : vector<16xi32>
      %bitcast3A_422 = vector.bitcast %and3A_421 : vector<16xi32> to vector<16xf32>
      %add3A_423 = arith.addf %add3A_409, %bitcast3A_420 : vector<16xf32>
      %add3A_424 = arith.addf %add3A_410, %bitcast3A_422 : vector<16xf32>
      %scan3A_425 = arith.constant 3 : i32
      %scan3A_426 = arith.addi %scan3A_385, %scan3A_425 : i32
      %mul3A_427 = arith.constant 16 : i32
      %mul3A_428 = arith.muli %scan3A_426, %mul3A_427 : i32
      %get3A_429 = arith.index_cast %mul3A_428 : i32 to index
      %get3A_430 = tpu.vector_load %arg10[%get3A_429] {strides = array<i32>} : memref<3200xi32, #tpu.memory_space<vmem>>, vector<16xi32>,
      %shift_left3A_431 = arith.constant 16 : i32
      %shift_left3A_432 = vector.broadcast %shift_left3A_431 : i32 to vector<16xi32>
      %shift_left3A_433 = arith.shli %get3A_430, %shift_left3A_432 : vector<16xi32>
      %bitcast3A_434 = vector.bitcast %shift_left3A_433 : vector<16xi32> to vector<16xf32>
      %and3A_435 = arith.andi %get3A_430, %broadcast_in_dim3A_15 : vector<16xi32>
      %bitcast3A_436 = vector.bitcast %and3A_435 : vector<16xi32> to vector<16xf32>
      %add3A_437 = arith.addf %add3A_423, %bitcast3A_434 : vector<16xf32>
      %add3A_438 = arith.addf %add3A_424, %bitcast3A_436 : vector<16xf32>
      scf.yield %add3A_437, %add3A_438 : vector<16xf32>, vector<16xf32>
    }
    %scan3A_246 = arith.constant 200 : i32
    %swap3A_247 = arith.constant 144 : index
    %swap3A_248 = tpu.vector_load %arg11[%swap3A_247] {strides = array<i32>} : memref<256xf32, #tpu.memory_space<vmem>>, vector<16xf32>,
    tpu.vector_store %arg11[%swap3A_247], %scan3A_245#0 {strides = array<i32>} : memref<256xf32, #tpu.memory_space<vmem>>, vector<16xf32>,
    %swap3A_249 = arith.constant 144 : index
    %swap3A_250 = tpu.vector_load %arg12[%swap3A_249] {strides = array<i32>} : memref<256xf32, #tpu.memory_space<vmem>>, vector<16xf32>,
    tpu.vector_store %arg12[%swap3A_249], %scan3A_245#1 {strides = array<i32>} : memref<256xf32, #tpu.memory_space<vmem>>, vector<16xf32>,
    %scan3A_251 = arith.constant 0 : i32
    %scan3A_252 = arith.constant 0 : i32
    %scan3A_253 = arith.constant 200 : i32
    %scan3A_254 = arith.addi %scan3A_252, %scan3A_253 : i32
    %scan3A_255 = arith.constant 1 : i32
    %scan3A_256 = scf.for %scan3A_385 = %scan3A_252 to %scan3A_254 step %scan3A_255 iter_args(%scan3A_386 = %scan3A_251) -> (i32)  : i32 {
      %jit3A = arith.constant 8 : i32
      %div3A = arith.divsi %scan3A_385, %jit3A : i32
      %sign3A = arith.constant 0 : i32
      %sign3A_387 = arith.cmpi sgt, %scan3A_385, %sign3A : i32
      %sign3A_388 = arith.extui %sign3A_387 : i1 to i32
      %sign3A_389 = arith.constant 0 : i32
      %sign3A_390 = arith.cmpi slt, %scan3A_385, %sign3A_389 : i32
      %sign3A_391 = arith.extui %sign3A_390 : i1 to i32
      %sign3A_392 = arith.subi %sign3A_388, %sign3A_391 : i32
      %sign3A_393 = arith.constant 0 : i32
      %sign3A_394 = arith.cmpi sgt, %jit3A, %sign3A_393 : i32
      %sign3A_395 = arith.extui %sign3A_394 : i1 to i32
      %sign3A_396 = arith.constant 0 : i32
      %sign3A_397 = arith.cmpi slt, %jit3A, %sign3A_396 : i32
      %sign3A_398 = arith.extui %sign3A_397 : i1 to i32
      %sign3A_399 = arith.subi %sign3A_395, %sign3A_398 : i32
      %ne3A = arith.cmpi ne, %sign3A_392, %sign3A_399 : i32
      %rem3A = arith.remsi %scan3A_385, %jit3A : i32
      %ne3A_400 = arith.constant 0 : i32
      %ne3A_401 = arith.cmpi ne, %rem3A, %ne3A_400 : i32
      %and3A_402 = arith.andi %ne3A, %ne3A_401 : i1
      %sub3A = arith.constant 1 : i32
      %sub3A_403 = arith.subi %div3A, %sub3A : i32
      %select_n3A = arith.select %and3A_402, %sub3A_403, %div3A : i32
      %jit3A_404 = arith.constant 8 : i32
      %eq3A_405 = arith.constant 0 : i32
      %eq3A_406 = arith.cmpi eq, %jit3A_404, %eq3A_405 : i32
      %jit3A_407 = arith.constant 1 : i32
      %select_n3A_408 = arith.select %eq3A_406, %jit3A_407, %jit3A_404 : i32
      %rem3A_409 = arith.remsi %scan3A_385, %select_n3A_408 : i32
      %ne3A_410 = arith.constant 0 : i32
      %ne3A_411 = arith.cmpi ne, %rem3A_409, %ne3A_410 : i32
      %lt3A = arith.constant 0 : i32
      %lt3A_412 = arith.cmpi slt, %rem3A_409, %lt3A : i32
      %lt3A_413 = arith.constant 0 : i32
      %lt3A_414 = arith.cmpi slt, %select_n3A_408, %lt3A_413 : i32
      %ne3A_415 = arith.xori %lt3A_412, %lt3A_414 : i1
      %and3A_416 = arith.andi %ne3A_415, %ne3A_411 : i1
      %add3A_417 = arith.addi %rem3A_409, %select_n3A_408 : i32
      %select_n3A_418 = arith.select %and3A_416, %add3A_417, %rem3A_409 : i32
      %get3A = arith.constant 1 : i32
      %get3A_419 = arith.index_cast %select_n3A : i32 to index
      %get3A_420 = arith.index_cast %get3A : i32 to index
      %get3A_421 = arith.index_cast %select_n3A_418 : i32 to index
      %get3A_422 = arith.constant 48 : index
      %get3A_423 = tpu.vector_load %arg6[%get3A_419, %get3A_420, %get3A_421, %get3A_422] {strides = array<i32>} : memref<25x2x8x128xi32, #tpu.memory_space<vmem>>, vector<16xi32>,
      %mul3A_424 = arith.constant 16 : i32
      %mul3A_425 = arith.muli %scan3A_385, %mul3A_424 : i32
      %swap3A_426 = arith.index_cast %mul3A_425 : i32 to index
      %swap3A_427 = tpu.vector_load %arg8[%swap3A_426] {strides = array<i32>} : memref<3200xi32, #tpu.memory_space<vmem>>, vector<16xi32>,
      tpu.vector_store %arg8[%swap3A_426], %get3A_423 {strides = array<i32>} : memref<3200xi32, #tpu.memory_space<vmem>>, vector<16xi32>,
      %scan3A_428 = arith.constant 0 : i32
      scf.yield %scan3A_428 : i32
    }
    %scan3A_257 = arith.constant 200 : i32
    %dma_start3A_258 = arith.constant 0 : i32
    %dma_start3A_259 = tpu.memref_slice %arg13[%dma_start3A_258] : memref<1000000xi32, #tpu.memory_space<vmem_shared>> -> memref<1000000xi32, #tpu.memory_space<vmem_shared>>
    tpu.enqueue_indirect_dma source(%dma_start3A_259 : memref<1000000xi32, #tpu.memory_space<vmem_shared>>) target(%arg10 : memref<3200xi32, #tpu.memory_space<vmem>>) offsets(%arg8 : memref<3200xi32, #tpu.memory_space<vmem>>) semaphore(%arg15 : memref<!tpu.dma_semaphore, #tpu.memory_space<semaphore_mem>>)
    %dma_wait3A_260 = arith.constant 0 : i32
    %dma_wait3A_261 = tpu.memref_slice %arg13[%dma_wait3A_260] : memref<1000000xi32, #tpu.memory_space<vmem_shared>> -> memref<1000000xi32, #tpu.memory_space<vmem_shared>>
    tpu.wait_indirect_dma semaphore(%arg14 : memref<!tpu.dma_semaphore, #tpu.memory_space<semaphore_mem>>) src(%dma_wait3A_261 : memref<1000000xi32, #tpu.memory_space<vmem_shared>>) dst(%arg9 : memref<3200xi32, #tpu.memory_space<vmem>>)
    %broadcast_in_dim3A_262 = arith.constant 0.000000e+00 : f32
    %broadcast_in_dim3A_263 = vector.broadcast %broadcast_in_dim3A_262 : f32 to vector<16xf32>
    %scan3A_264 = arith.constant 0 : i32
    %scan3A_265 = arith.constant 200 : i32
    %scan3A_266 = arith.addi %scan3A_264, %scan3A_265 : i32
    %scan3A_267 = arith.constant 4 : i32
    %scan3A_268:2 = scf.for %scan3A_385 = %scan3A_264 to %scan3A_266 step %scan3A_267 iter_args(%scan3A_386 = %broadcast_in_dim3A_263, %scan3A_387 = %broadcast_in_dim3A_263) -> (vector<16xf32>, vector<16xf32>)  : i32 {
      %mul3A_388 = arith.constant 16 : i32
      %mul3A_389 = arith.muli %scan3A_385, %mul3A_388 : i32
      %get3A = arith.index_cast %mul3A_389 : i32 to index
      %get3A_390 = tpu.vector_load %arg9[%get3A] {strides = array<i32>} : memref<3200xi32, #tpu.memory_space<vmem>>, vector<16xi32>,
      %shift_left3A = arith.constant 16 : i32
      %shift_left3A_391 = vector.broadcast %shift_left3A : i32 to vector<16xi32>
      %shift_left3A_392 = arith.shli %get3A_390, %shift_left3A_391 : vector<16xi32>
      %bitcast3A = vector.bitcast %shift_left3A_392 : vector<16xi32> to vector<16xf32>
      %and3A_393 = arith.andi %get3A_390, %broadcast_in_dim3A_15 : vector<16xi32>
      %bitcast3A_394 = vector.bitcast %and3A_393 : vector<16xi32> to vector<16xf32>
      %add3A_395 = arith.addf %scan3A_386, %bitcast3A : vector<16xf32>
      %add3A_396 = arith.addf %scan3A_387, %bitcast3A_394 : vector<16xf32>
      %scan3A_397 = arith.constant 1 : i32
      %scan3A_398 = arith.addi %scan3A_385, %scan3A_397 : i32
      %mul3A_399 = arith.constant 16 : i32
      %mul3A_400 = arith.muli %scan3A_398, %mul3A_399 : i32
      %get3A_401 = arith.index_cast %mul3A_400 : i32 to index
      %get3A_402 = tpu.vector_load %arg9[%get3A_401] {strides = array<i32>} : memref<3200xi32, #tpu.memory_space<vmem>>, vector<16xi32>,
      %shift_left3A_403 = arith.constant 16 : i32
      %shift_left3A_404 = vector.broadcast %shift_left3A_403 : i32 to vector<16xi32>
      %shift_left3A_405 = arith.shli %get3A_402, %shift_left3A_404 : vector<16xi32>
      %bitcast3A_406 = vector.bitcast %shift_left3A_405 : vector<16xi32> to vector<16xf32>
      %and3A_407 = arith.andi %get3A_402, %broadcast_in_dim3A_15 : vector<16xi32>
      %bitcast3A_408 = vector.bitcast %and3A_407 : vector<16xi32> to vector<16xf32>
      %add3A_409 = arith.addf %add3A_395, %bitcast3A_406 : vector<16xf32>
      %add3A_410 = arith.addf %add3A_396, %bitcast3A_408 : vector<16xf32>
      %scan3A_411 = arith.constant 2 : i32
      %scan3A_412 = arith.addi %scan3A_385, %scan3A_411 : i32
      %mul3A_413 = arith.constant 16 : i32
      %mul3A_414 = arith.muli %scan3A_412, %mul3A_413 : i32
      %get3A_415 = arith.index_cast %mul3A_414 : i32 to index
      %get3A_416 = tpu.vector_load %arg9[%get3A_415] {strides = array<i32>} : memref<3200xi32, #tpu.memory_space<vmem>>, vector<16xi32>,
      %shift_left3A_417 = arith.constant 16 : i32
      %shift_left3A_418 = vector.broadcast %shift_left3A_417 : i32 to vector<16xi32>
      %shift_left3A_419 = arith.shli %get3A_416, %shift_left3A_418 : vector<16xi32>
      %bitcast3A_420 = vector.bitcast %shift_left3A_419 : vector<16xi32> to vector<16xf32>
      %and3A_421 = arith.andi %get3A_416, %broadcast_in_dim3A_15 : vector<16xi32>
      %bitcast3A_422 = vector.bitcast %and3A_421 : vector<16xi32> to vector<16xf32>
      %add3A_423 = arith.addf %add3A_409, %bitcast3A_420 : vector<16xf32>
      %add3A_424 = arith.addf %add3A_410, %bitcast3A_422 : vector<16xf32>
      %scan3A_425 = arith.constant 3 : i32
      %scan3A_426 = arith.addi %scan3A_385, %scan3A_425 : i32
      %mul3A_427 = arith.constant 16 : i32
      %mul3A_428 = arith.muli %scan3A_426, %mul3A_427 : i32
      %get3A_429 = arith.index_cast %mul3A_428 : i32 to index
      %get3A_430 = tpu.vector_load %arg9[%get3A_429] {strides = array<i32>} : memref<3200xi32, #tpu.memory_space<vmem>>, vector<16xi32>,
      %shift_left3A_431 = arith.constant 16 : i32
      %shift_left3A_432 = vector.broadcast %shift_left3A_431 : i32 to vector<16xi32>
      %shift_left3A_433 = arith.shli %get3A_430, %shift_left3A_432 : vector<16xi32>
      %bitcast3A_434 = vector.bitcast %shift_left3A_433 : vector<16xi32> to vector<16xf32>
      %and3A_435 = arith.andi %get3A_430, %broadcast_in_dim3A_15 : vector<16xi32>
      %bitcast3A_436 = vector.bitcast %and3A_435 : vector<16xi32> to vector<16xf32>
      %add3A_437 = arith.addf %add3A_423, %bitcast3A_434 : vector<16xf32>
      %add3A_438 = arith.addf %add3A_424, %bitcast3A_436 : vector<16xf32>
      scf.yield %add3A_437, %add3A_438 : vector<16xf32>, vector<16xf32>
    }
    %scan3A_269 = arith.constant 200 : i32
    %swap3A_270 = arith.constant 160 : index
    %swap3A_271 = tpu.vector_load %arg11[%swap3A_270] {strides = array<i32>} : memref<256xf32, #tpu.memory_space<vmem>>, vector<16xf32>,
    tpu.vector_store %arg11[%swap3A_270], %scan3A_268#0 {strides = array<i32>} : memref<256xf32, #tpu.memory_space<vmem>>, vector<16xf32>,
    %swap3A_272 = arith.constant 160 : index
    %swap3A_273 = tpu.vector_load %arg12[%swap3A_272] {strides = array<i32>} : memref<256xf32, #tpu.memory_space<vmem>>, vector<16xf32>,
    tpu.vector_store %arg12[%swap3A_272], %scan3A_268#1 {strides = array<i32>} : memref<256xf32, #tpu.memory_space<vmem>>, vector<16xf32>,
    %scan3A_274 = arith.constant 0 : i32
    %scan3A_275 = arith.constant 0 : i32
    %scan3A_276 = arith.constant 200 : i32
    %scan3A_277 = arith.addi %scan3A_275, %scan3A_276 : i32
    %scan3A_278 = arith.constant 1 : i32
    %scan3A_279 = scf.for %scan3A_385 = %scan3A_275 to %scan3A_277 step %scan3A_278 iter_args(%scan3A_386 = %scan3A_274) -> (i32)  : i32 {
      %jit3A = arith.constant 8 : i32
      %div3A = arith.divsi %scan3A_385, %jit3A : i32
      %sign3A = arith.constant 0 : i32
      %sign3A_387 = arith.cmpi sgt, %scan3A_385, %sign3A : i32
      %sign3A_388 = arith.extui %sign3A_387 : i1 to i32
      %sign3A_389 = arith.constant 0 : i32
      %sign3A_390 = arith.cmpi slt, %scan3A_385, %sign3A_389 : i32
      %sign3A_391 = arith.extui %sign3A_390 : i1 to i32
      %sign3A_392 = arith.subi %sign3A_388, %sign3A_391 : i32
      %sign3A_393 = arith.constant 0 : i32
      %sign3A_394 = arith.cmpi sgt, %jit3A, %sign3A_393 : i32
      %sign3A_395 = arith.extui %sign3A_394 : i1 to i32
      %sign3A_396 = arith.constant 0 : i32
      %sign3A_397 = arith.cmpi slt, %jit3A, %sign3A_396 : i32
      %sign3A_398 = arith.extui %sign3A_397 : i1 to i32
      %sign3A_399 = arith.subi %sign3A_395, %sign3A_398 : i32
      %ne3A = arith.cmpi ne, %sign3A_392, %sign3A_399 : i32
      %rem3A = arith.remsi %scan3A_385, %jit3A : i32
      %ne3A_400 = arith.constant 0 : i32
      %ne3A_401 = arith.cmpi ne, %rem3A, %ne3A_400 : i32
      %and3A_402 = arith.andi %ne3A, %ne3A_401 : i1
      %sub3A = arith.constant 1 : i32
      %sub3A_403 = arith.subi %div3A, %sub3A : i32
      %select_n3A = arith.select %and3A_402, %sub3A_403, %div3A : i32
      %jit3A_404 = arith.constant 8 : i32
      %eq3A_405 = arith.constant 0 : i32
      %eq3A_406 = arith.cmpi eq, %jit3A_404, %eq3A_405 : i32
      %jit3A_407 = arith.constant 1 : i32
      %select_n3A_408 = arith.select %eq3A_406, %jit3A_407, %jit3A_404 : i32
      %rem3A_409 = arith.remsi %scan3A_385, %select_n3A_408 : i32
      %ne3A_410 = arith.constant 0 : i32
      %ne3A_411 = arith.cmpi ne, %rem3A_409, %ne3A_410 : i32
      %lt3A = arith.constant 0 : i32
      %lt3A_412 = arith.cmpi slt, %rem3A_409, %lt3A : i32
      %lt3A_413 = arith.constant 0 : i32
      %lt3A_414 = arith.cmpi slt, %select_n3A_408, %lt3A_413 : i32
      %ne3A_415 = arith.xori %lt3A_412, %lt3A_414 : i1
      %and3A_416 = arith.andi %ne3A_415, %ne3A_411 : i1
      %add3A_417 = arith.addi %rem3A_409, %select_n3A_408 : i32
      %select_n3A_418 = arith.select %and3A_416, %add3A_417, %rem3A_409 : i32
      %get3A = arith.constant 1 : i32
      %get3A_419 = arith.index_cast %select_n3A : i32 to index
      %get3A_420 = arith.index_cast %get3A : i32 to index
      %get3A_421 = arith.index_cast %select_n3A_418 : i32 to index
      %get3A_422 = arith.constant 64 : index
      %get3A_423 = tpu.vector_load %arg6[%get3A_419, %get3A_420, %get3A_421, %get3A_422] {strides = array<i32>} : memref<25x2x8x128xi32, #tpu.memory_space<vmem>>, vector<16xi32>,
      %mul3A_424 = arith.constant 16 : i32
      %mul3A_425 = arith.muli %scan3A_385, %mul3A_424 : i32
      %swap3A_426 = arith.index_cast %mul3A_425 : i32 to index
      %swap3A_427 = tpu.vector_load %arg7[%swap3A_426] {strides = array<i32>} : memref<3200xi32, #tpu.memory_space<vmem>>, vector<16xi32>,
      tpu.vector_store %arg7[%swap3A_426], %get3A_423 {strides = array<i32>} : memref<3200xi32, #tpu.memory_space<vmem>>, vector<16xi32>,
      %scan3A_428 = arith.constant 0 : i32
      scf.yield %scan3A_428 : i32
    }
    %scan3A_280 = arith.constant 200 : i32
    %dma_start3A_281 = arith.constant 0 : i32
    %dma_start3A_282 = tpu.memref_slice %arg13[%dma_start3A_281] : memref<1000000xi32, #tpu.memory_space<vmem_shared>> -> memref<1000000xi32, #tpu.memory_space<vmem_shared>>
    tpu.enqueue_indirect_dma source(%dma_start3A_282 : memref<1000000xi32, #tpu.memory_space<vmem_shared>>) target(%arg9 : memref<3200xi32, #tpu.memory_space<vmem>>) offsets(%arg7 : memref<3200xi32, #tpu.memory_space<vmem>>) semaphore(%arg14 : memref<!tpu.dma_semaphore, #tpu.memory_space<semaphore_mem>>)
    %dma_wait3A_283 = arith.constant 0 : i32
    %dma_wait3A_284 = tpu.memref_slice %arg13[%dma_wait3A_283] : memref<1000000xi32, #tpu.memory_space<vmem_shared>> -> memref<1000000xi32, #tpu.memory_space<vmem_shared>>
    tpu.wait_indirect_dma semaphore(%arg15 : memref<!tpu.dma_semaphore, #tpu.memory_space<semaphore_mem>>) src(%dma_wait3A_284 : memref<1000000xi32, #tpu.memory_space<vmem_shared>>) dst(%arg10 : memref<3200xi32, #tpu.memory_space<vmem>>)
    %broadcast_in_dim3A_285 = arith.constant 0.000000e+00 : f32
    %broadcast_in_dim3A_286 = vector.broadcast %broadcast_in_dim3A_285 : f32 to vector<16xf32>
    %scan3A_287 = arith.constant 0 : i32
    %scan3A_288 = arith.constant 200 : i32
    %scan3A_289 = arith.addi %scan3A_287, %scan3A_288 : i32
    %scan3A_290 = arith.constant 4 : i32
    %scan3A_291:2 = scf.for %scan3A_385 = %scan3A_287 to %scan3A_289 step %scan3A_290 iter_args(%scan3A_386 = %broadcast_in_dim3A_286, %scan3A_387 = %broadcast_in_dim3A_286) -> (vector<16xf32>, vector<16xf32>)  : i32 {
      %mul3A_388 = arith.constant 16 : i32
      %mul3A_389 = arith.muli %scan3A_385, %mul3A_388 : i32
      %get3A = arith.index_cast %mul3A_389 : i32 to index
      %get3A_390 = tpu.vector_load %arg10[%get3A] {strides = array<i32>} : memref<3200xi32, #tpu.memory_space<vmem>>, vector<16xi32>,
      %shift_left3A = arith.constant 16 : i32
      %shift_left3A_391 = vector.broadcast %shift_left3A : i32 to vector<16xi32>
      %shift_left3A_392 = arith.shli %get3A_390, %shift_left3A_391 : vector<16xi32>
      %bitcast3A = vector.bitcast %shift_left3A_392 : vector<16xi32> to vector<16xf32>
      %and3A_393 = arith.andi %get3A_390, %broadcast_in_dim3A_15 : vector<16xi32>
      %bitcast3A_394 = vector.bitcast %and3A_393 : vector<16xi32> to vector<16xf32>
      %add3A_395 = arith.addf %scan3A_386, %bitcast3A : vector<16xf32>
      %add3A_396 = arith.addf %scan3A_387, %bitcast3A_394 : vector<16xf32>
      %scan3A_397 = arith.constant 1 : i32
      %scan3A_398 = arith.addi %scan3A_385, %scan3A_397 : i32
      %mul3A_399 = arith.constant 16 : i32
      %mul3A_400 = arith.muli %scan3A_398, %mul3A_399 : i32
      %get3A_401 = arith.index_cast %mul3A_400 : i32 to index
      %get3A_402 = tpu.vector_load %arg10[%get3A_401] {strides = array<i32>} : memref<3200xi32, #tpu.memory_space<vmem>>, vector<16xi32>,
      %shift_left3A_403 = arith.constant 16 : i32
      %shift_left3A_404 = vector.broadcast %shift_left3A_403 : i32 to vector<16xi32>
      %shift_left3A_405 = arith.shli %get3A_402, %shift_left3A_404 : vector<16xi32>
      %bitcast3A_406 = vector.bitcast %shift_left3A_405 : vector<16xi32> to vector<16xf32>
      %and3A_407 = arith.andi %get3A_402, %broadcast_in_dim3A_15 : vector<16xi32>
      %bitcast3A_408 = vector.bitcast %and3A_407 : vector<16xi32> to vector<16xf32>
      %add3A_409 = arith.addf %add3A_395, %bitcast3A_406 : vector<16xf32>
      %add3A_410 = arith.addf %add3A_396, %bitcast3A_408 : vector<16xf32>
      %scan3A_411 = arith.constant 2 : i32
      %scan3A_412 = arith.addi %scan3A_385, %scan3A_411 : i32
      %mul3A_413 = arith.constant 16 : i32
      %mul3A_414 = arith.muli %scan3A_412, %mul3A_413 : i32
      %get3A_415 = arith.index_cast %mul3A_414 : i32 to index
      %get3A_416 = tpu.vector_load %arg10[%get3A_415] {strides = array<i32>} : memref<3200xi32, #tpu.memory_space<vmem>>, vector<16xi32>,
      %shift_left3A_417 = arith.constant 16 : i32
      %shift_left3A_418 = vector.broadcast %shift_left3A_417 : i32 to vector<16xi32>
      %shift_left3A_419 = arith.shli %get3A_416, %shift_left3A_418 : vector<16xi32>
      %bitcast3A_420 = vector.bitcast %shift_left3A_419 : vector<16xi32> to vector<16xf32>
      %and3A_421 = arith.andi %get3A_416, %broadcast_in_dim3A_15 : vector<16xi32>
      %bitcast3A_422 = vector.bitcast %and3A_421 : vector<16xi32> to vector<16xf32>
      %add3A_423 = arith.addf %add3A_409, %bitcast3A_420 : vector<16xf32>
      %add3A_424 = arith.addf %add3A_410, %bitcast3A_422 : vector<16xf32>
      %scan3A_425 = arith.constant 3 : i32
      %scan3A_426 = arith.addi %scan3A_385, %scan3A_425 : i32
      %mul3A_427 = arith.constant 16 : i32
      %mul3A_428 = arith.muli %scan3A_426, %mul3A_427 : i32
      %get3A_429 = arith.index_cast %mul3A_428 : i32 to index
      %get3A_430 = tpu.vector_load %arg10[%get3A_429] {strides = array<i32>} : memref<3200xi32, #tpu.memory_space<vmem>>, vector<16xi32>,
      %shift_left3A_431 = arith.constant 16 : i32
      %shift_left3A_432 = vector.broadcast %shift_left3A_431 : i32 to vector<16xi32>
      %shift_left3A_433 = arith.shli %get3A_430, %shift_left3A_432 : vector<16xi32>
      %bitcast3A_434 = vector.bitcast %shift_left3A_433 : vector<16xi32> to vector<16xf32>
      %and3A_435 = arith.andi %get3A_430, %broadcast_in_dim3A_15 : vector<16xi32>
      %bitcast3A_436 = vector.bitcast %and3A_435 : vector<16xi32> to vector<16xf32>
      %add3A_437 = arith.addf %add3A_423, %bitcast3A_434 : vector<16xf32>
      %add3A_438 = arith.addf %add3A_424, %bitcast3A_436 : vector<16xf32>
      scf.yield %add3A_437, %add3A_438 : vector<16xf32>, vector<16xf32>
    }
    %scan3A_292 = arith.constant 200 : i32
    %swap3A_293 = arith.constant 176 : index
    %swap3A_294 = tpu.vector_load %arg11[%swap3A_293] {strides = array<i32>} : memref<256xf32, #tpu.memory_space<vmem>>, vector<16xf32>,
    tpu.vector_store %arg11[%swap3A_293], %scan3A_291#0 {strides = array<i32>} : memref<256xf32, #tpu.memory_space<vmem>>, vector<16xf32>,
    %swap3A_295 = arith.constant 176 : index
    %swap3A_296 = tpu.vector_load %arg12[%swap3A_295] {strides = array<i32>} : memref<256xf32, #tpu.memory_space<vmem>>, vector<16xf32>,
    tpu.vector_store %arg12[%swap3A_295], %scan3A_291#1 {strides = array<i32>} : memref<256xf32, #tpu.memory_space<vmem>>, vector<16xf32>,
    %scan3A_297 = arith.constant 0 : i32
    %scan3A_298 = arith.constant 0 : i32
    %scan3A_299 = arith.constant 200 : i32
    %scan3A_300 = arith.addi %scan3A_298, %scan3A_299 : i32
    %scan3A_301 = arith.constant 1 : i32
    %scan3A_302 = scf.for %scan3A_385 = %scan3A_298 to %scan3A_300 step %scan3A_301 iter_args(%scan3A_386 = %scan3A_297) -> (i32)  : i32 {
      %jit3A = arith.constant 8 : i32
      %div3A = arith.divsi %scan3A_385, %jit3A : i32
      %sign3A = arith.constant 0 : i32
      %sign3A_387 = arith.cmpi sgt, %scan3A_385, %sign3A : i32
      %sign3A_388 = arith.extui %sign3A_387 : i1 to i32
      %sign3A_389 = arith.constant 0 : i32
      %sign3A_390 = arith.cmpi slt, %scan3A_385, %sign3A_389 : i32
      %sign3A_391 = arith.extui %sign3A_390 : i1 to i32
      %sign3A_392 = arith.subi %sign3A_388, %sign3A_391 : i32
      %sign3A_393 = arith.constant 0 : i32
      %sign3A_394 = arith.cmpi sgt, %jit3A, %sign3A_393 : i32
      %sign3A_395 = arith.extui %sign3A_394 : i1 to i32
      %sign3A_396 = arith.constant 0 : i32
      %sign3A_397 = arith.cmpi slt, %jit3A, %sign3A_396 : i32
      %sign3A_398 = arith.extui %sign3A_397 : i1 to i32
      %sign3A_399 = arith.subi %sign3A_395, %sign3A_398 : i32
      %ne3A = arith.cmpi ne, %sign3A_392, %sign3A_399 : i32
      %rem3A = arith.remsi %scan3A_385, %jit3A : i32
      %ne3A_400 = arith.constant 0 : i32
      %ne3A_401 = arith.cmpi ne, %rem3A, %ne3A_400 : i32
      %and3A_402 = arith.andi %ne3A, %ne3A_401 : i1
      %sub3A = arith.constant 1 : i32
      %sub3A_403 = arith.subi %div3A, %sub3A : i32
      %select_n3A = arith.select %and3A_402, %sub3A_403, %div3A : i32
      %jit3A_404 = arith.constant 8 : i32
      %eq3A_405 = arith.constant 0 : i32
      %eq3A_406 = arith.cmpi eq, %jit3A_404, %eq3A_405 : i32
      %jit3A_407 = arith.constant 1 : i32
      %select_n3A_408 = arith.select %eq3A_406, %jit3A_407, %jit3A_404 : i32
      %rem3A_409 = arith.remsi %scan3A_385, %select_n3A_408 : i32
      %ne3A_410 = arith.constant 0 : i32
      %ne3A_411 = arith.cmpi ne, %rem3A_409, %ne3A_410 : i32
      %lt3A = arith.constant 0 : i32
      %lt3A_412 = arith.cmpi slt, %rem3A_409, %lt3A : i32
      %lt3A_413 = arith.constant 0 : i32
      %lt3A_414 = arith.cmpi slt, %select_n3A_408, %lt3A_413 : i32
      %ne3A_415 = arith.xori %lt3A_412, %lt3A_414 : i1
      %and3A_416 = arith.andi %ne3A_415, %ne3A_411 : i1
      %add3A_417 = arith.addi %rem3A_409, %select_n3A_408 : i32
      %select_n3A_418 = arith.select %and3A_416, %add3A_417, %rem3A_409 : i32
      %get3A = arith.constant 1 : i32
      %get3A_419 = arith.index_cast %select_n3A : i32 to index
      %get3A_420 = arith.index_cast %get3A : i32 to index
      %get3A_421 = arith.index_cast %select_n3A_418 : i32 to index
      %get3A_422 = arith.constant 80 : index
      %get3A_423 = tpu.vector_load %arg6[%get3A_419, %get3A_420, %get3A_421, %get3A_422] {strides = array<i32>} : memref<25x2x8x128xi32, #tpu.memory_space<vmem>>, vector<16xi32>,
      %mul3A_424 = arith.constant 16 : i32
      %mul3A_425 = arith.muli %scan3A_385, %mul3A_424 : i32
      %swap3A_426 = arith.index_cast %mul3A_425 : i32 to index
      %swap3A_427 = tpu.vector_load %arg8[%swap3A_426] {strides = array<i32>} : memref<3200xi32, #tpu.memory_space<vmem>>, vector<16xi32>,
      tpu.vector_store %arg8[%swap3A_426], %get3A_423 {strides = array<i32>} : memref<3200xi32, #tpu.memory_space<vmem>>, vector<16xi32>,
      %scan3A_428 = arith.constant 0 : i32
      scf.yield %scan3A_428 : i32
    }
    %scan3A_303 = arith.constant 200 : i32
    %dma_start3A_304 = arith.constant 0 : i32
    %dma_start3A_305 = tpu.memref_slice %arg13[%dma_start3A_304] : memref<1000000xi32, #tpu.memory_space<vmem_shared>> -> memref<1000000xi32, #tpu.memory_space<vmem_shared>>
    tpu.enqueue_indirect_dma source(%dma_start3A_305 : memref<1000000xi32, #tpu.memory_space<vmem_shared>>) target(%arg10 : memref<3200xi32, #tpu.memory_space<vmem>>) offsets(%arg8 : memref<3200xi32, #tpu.memory_space<vmem>>) semaphore(%arg15 : memref<!tpu.dma_semaphore, #tpu.memory_space<semaphore_mem>>)
    %dma_wait3A_306 = arith.constant 0 : i32
    %dma_wait3A_307 = tpu.memref_slice %arg13[%dma_wait3A_306] : memref<1000000xi32, #tpu.memory_space<vmem_shared>> -> memref<1000000xi32, #tpu.memory_space<vmem_shared>>
    tpu.wait_indirect_dma semaphore(%arg14 : memref<!tpu.dma_semaphore, #tpu.memory_space<semaphore_mem>>) src(%dma_wait3A_307 : memref<1000000xi32, #tpu.memory_space<vmem_shared>>) dst(%arg9 : memref<3200xi32, #tpu.memory_space<vmem>>)
    %broadcast_in_dim3A_308 = arith.constant 0.000000e+00 : f32
    %broadcast_in_dim3A_309 = vector.broadcast %broadcast_in_dim3A_308 : f32 to vector<16xf32>
    %scan3A_310 = arith.constant 0 : i32
    %scan3A_311 = arith.constant 200 : i32
    %scan3A_312 = arith.addi %scan3A_310, %scan3A_311 : i32
    %scan3A_313 = arith.constant 4 : i32
    %scan3A_314:2 = scf.for %scan3A_385 = %scan3A_310 to %scan3A_312 step %scan3A_313 iter_args(%scan3A_386 = %broadcast_in_dim3A_309, %scan3A_387 = %broadcast_in_dim3A_309) -> (vector<16xf32>, vector<16xf32>)  : i32 {
      %mul3A_388 = arith.constant 16 : i32
      %mul3A_389 = arith.muli %scan3A_385, %mul3A_388 : i32
      %get3A = arith.index_cast %mul3A_389 : i32 to index
      %get3A_390 = tpu.vector_load %arg9[%get3A] {strides = array<i32>} : memref<3200xi32, #tpu.memory_space<vmem>>, vector<16xi32>,
      %shift_left3A = arith.constant 16 : i32
      %shift_left3A_391 = vector.broadcast %shift_left3A : i32 to vector<16xi32>
      %shift_left3A_392 = arith.shli %get3A_390, %shift_left3A_391 : vector<16xi32>
      %bitcast3A = vector.bitcast %shift_left3A_392 : vector<16xi32> to vector<16xf32>
      %and3A_393 = arith.andi %get3A_390, %broadcast_in_dim3A_15 : vector<16xi32>
      %bitcast3A_394 = vector.bitcast %and3A_393 : vector<16xi32> to vector<16xf32>
      %add3A_395 = arith.addf %scan3A_386, %bitcast3A : vector<16xf32>
      %add3A_396 = arith.addf %scan3A_387, %bitcast3A_394 : vector<16xf32>
      %scan3A_397 = arith.constant 1 : i32
      %scan3A_398 = arith.addi %scan3A_385, %scan3A_397 : i32
      %mul3A_399 = arith.constant 16 : i32
      %mul3A_400 = arith.muli %scan3A_398, %mul3A_399 : i32
      %get3A_401 = arith.index_cast %mul3A_400 : i32 to index
      %get3A_402 = tpu.vector_load %arg9[%get3A_401] {strides = array<i32>} : memref<3200xi32, #tpu.memory_space<vmem>>, vector<16xi32>,
      %shift_left3A_403 = arith.constant 16 : i32
      %shift_left3A_404 = vector.broadcast %shift_left3A_403 : i32 to vector<16xi32>
      %shift_left3A_405 = arith.shli %get3A_402, %shift_left3A_404 : vector<16xi32>
      %bitcast3A_406 = vector.bitcast %shift_left3A_405 : vector<16xi32> to vector<16xf32>
      %and3A_407 = arith.andi %get3A_402, %broadcast_in_dim3A_15 : vector<16xi32>
      %bitcast3A_408 = vector.bitcast %and3A_407 : vector<16xi32> to vector<16xf32>
      %add3A_409 = arith.addf %add3A_395, %bitcast3A_406 : vector<16xf32>
      %add3A_410 = arith.addf %add3A_396, %bitcast3A_408 : vector<16xf32>
      %scan3A_411 = arith.constant 2 : i32
      %scan3A_412 = arith.addi %scan3A_385, %scan3A_411 : i32
      %mul3A_413 = arith.constant 16 : i32
      %mul3A_414 = arith.muli %scan3A_412, %mul3A_413 : i32
      %get3A_415 = arith.index_cast %mul3A_414 : i32 to index
      %get3A_416 = tpu.vector_load %arg9[%get3A_415] {strides = array<i32>} : memref<3200xi32, #tpu.memory_space<vmem>>, vector<16xi32>,
      %shift_left3A_417 = arith.constant 16 : i32
      %shift_left3A_418 = vector.broadcast %shift_left3A_417 : i32 to vector<16xi32>
      %shift_left3A_419 = arith.shli %get3A_416, %shift_left3A_418 : vector<16xi32>
      %bitcast3A_420 = vector.bitcast %shift_left3A_419 : vector<16xi32> to vector<16xf32>
      %and3A_421 = arith.andi %get3A_416, %broadcast_in_dim3A_15 : vector<16xi32>
      %bitcast3A_422 = vector.bitcast %and3A_421 : vector<16xi32> to vector<16xf32>
      %add3A_423 = arith.addf %add3A_409, %bitcast3A_420 : vector<16xf32>
      %add3A_424 = arith.addf %add3A_410, %bitcast3A_422 : vector<16xf32>
      %scan3A_425 = arith.constant 3 : i32
      %scan3A_426 = arith.addi %scan3A_385, %scan3A_425 : i32
      %mul3A_427 = arith.constant 16 : i32
      %mul3A_428 = arith.muli %scan3A_426, %mul3A_427 : i32
      %get3A_429 = arith.index_cast %mul3A_428 : i32 to index
      %get3A_430 = tpu.vector_load %arg9[%get3A_429] {strides = array<i32>} : memref<3200xi32, #tpu.memory_space<vmem>>, vector<16xi32>,
      %shift_left3A_431 = arith.constant 16 : i32
      %shift_left3A_432 = vector.broadcast %shift_left3A_431 : i32 to vector<16xi32>
      %shift_left3A_433 = arith.shli %get3A_430, %shift_left3A_432 : vector<16xi32>
      %bitcast3A_434 = vector.bitcast %shift_left3A_433 : vector<16xi32> to vector<16xf32>
      %and3A_435 = arith.andi %get3A_430, %broadcast_in_dim3A_15 : vector<16xi32>
      %bitcast3A_436 = vector.bitcast %and3A_435 : vector<16xi32> to vector<16xf32>
      %add3A_437 = arith.addf %add3A_423, %bitcast3A_434 : vector<16xf32>
      %add3A_438 = arith.addf %add3A_424, %bitcast3A_436 : vector<16xf32>
      scf.yield %add3A_437, %add3A_438 : vector<16xf32>, vector<16xf32>
    }
    %scan3A_315 = arith.constant 200 : i32
    %swap3A_316 = arith.constant 192 : index
    %swap3A_317 = tpu.vector_load %arg11[%swap3A_316] {strides = array<i32>} : memref<256xf32, #tpu.memory_space<vmem>>, vector<16xf32>,
    tpu.vector_store %arg11[%swap3A_316], %scan3A_314#0 {strides = array<i32>} : memref<256xf32, #tpu.memory_space<vmem>>, vector<16xf32>,
    %swap3A_318 = arith.constant 192 : index
    %swap3A_319 = tpu.vector_load %arg12[%swap3A_318] {strides = array<i32>} : memref<256xf32, #tpu.memory_space<vmem>>, vector<16xf32>,
    tpu.vector_store %arg12[%swap3A_318], %scan3A_314#1 {strides = array<i32>} : memref<256xf32, #tpu.memory_space<vmem>>, vector<16xf32>,
    %scan3A_320 = arith.constant 0 : i32
    %scan3A_321 = arith.constant 0 : i32
    %scan3A_322 = arith.constant 200 : i32
    %scan3A_323 = arith.addi %scan3A_321, %scan3A_322 : i32
    %scan3A_324 = arith.constant 1 : i32
    %scan3A_325 = scf.for %scan3A_385 = %scan3A_321 to %scan3A_323 step %scan3A_324 iter_args(%scan3A_386 = %scan3A_320) -> (i32)  : i32 {
      %jit3A = arith.constant 8 : i32
      %div3A = arith.divsi %scan3A_385, %jit3A : i32
      %sign3A = arith.constant 0 : i32
      %sign3A_387 = arith.cmpi sgt, %scan3A_385, %sign3A : i32
      %sign3A_388 = arith.extui %sign3A_387 : i1 to i32
      %sign3A_389 = arith.constant 0 : i32
      %sign3A_390 = arith.cmpi slt, %scan3A_385, %sign3A_389 : i32
      %sign3A_391 = arith.extui %sign3A_390 : i1 to i32
      %sign3A_392 = arith.subi %sign3A_388, %sign3A_391 : i32
      %sign3A_393 = arith.constant 0 : i32
      %sign3A_394 = arith.cmpi sgt, %jit3A, %sign3A_393 : i32
      %sign3A_395 = arith.extui %sign3A_394 : i1 to i32
      %sign3A_396 = arith.constant 0 : i32
      %sign3A_397 = arith.cmpi slt, %jit3A, %sign3A_396 : i32
      %sign3A_398 = arith.extui %sign3A_397 : i1 to i32
      %sign3A_399 = arith.subi %sign3A_395, %sign3A_398 : i32
      %ne3A = arith.cmpi ne, %sign3A_392, %sign3A_399 : i32
      %rem3A = arith.remsi %scan3A_385, %jit3A : i32
      %ne3A_400 = arith.constant 0 : i32
      %ne3A_401 = arith.cmpi ne, %rem3A, %ne3A_400 : i32
      %and3A_402 = arith.andi %ne3A, %ne3A_401 : i1
      %sub3A = arith.constant 1 : i32
      %sub3A_403 = arith.subi %div3A, %sub3A : i32
      %select_n3A = arith.select %and3A_402, %sub3A_403, %div3A : i32
      %jit3A_404 = arith.constant 8 : i32
      %eq3A_405 = arith.constant 0 : i32
      %eq3A_406 = arith.cmpi eq, %jit3A_404, %eq3A_405 : i32
      %jit3A_407 = arith.constant 1 : i32
      %select_n3A_408 = arith.select %eq3A_406, %jit3A_407, %jit3A_404 : i32
      %rem3A_409 = arith.remsi %scan3A_385, %select_n3A_408 : i32
      %ne3A_410 = arith.constant 0 : i32
      %ne3A_411 = arith.cmpi ne, %rem3A_409, %ne3A_410 : i32
      %lt3A = arith.constant 0 : i32
      %lt3A_412 = arith.cmpi slt, %rem3A_409, %lt3A : i32
      %lt3A_413 = arith.constant 0 : i32
      %lt3A_414 = arith.cmpi slt, %select_n3A_408, %lt3A_413 : i32
      %ne3A_415 = arith.xori %lt3A_412, %lt3A_414 : i1
      %and3A_416 = arith.andi %ne3A_415, %ne3A_411 : i1
      %add3A_417 = arith.addi %rem3A_409, %select_n3A_408 : i32
      %select_n3A_418 = arith.select %and3A_416, %add3A_417, %rem3A_409 : i32
      %get3A = arith.constant 1 : i32
      %get3A_419 = arith.index_cast %select_n3A : i32 to index
      %get3A_420 = arith.index_cast %get3A : i32 to index
      %get3A_421 = arith.index_cast %select_n3A_418 : i32 to index
      %get3A_422 = arith.constant 96 : index
      %get3A_423 = tpu.vector_load %arg6[%get3A_419, %get3A_420, %get3A_421, %get3A_422] {strides = array<i32>} : memref<25x2x8x128xi32, #tpu.memory_space<vmem>>, vector<16xi32>,
      %mul3A_424 = arith.constant 16 : i32
      %mul3A_425 = arith.muli %scan3A_385, %mul3A_424 : i32
      %swap3A_426 = arith.index_cast %mul3A_425 : i32 to index
      %swap3A_427 = tpu.vector_load %arg7[%swap3A_426] {strides = array<i32>} : memref<3200xi32, #tpu.memory_space<vmem>>, vector<16xi32>,
      tpu.vector_store %arg7[%swap3A_426], %get3A_423 {strides = array<i32>} : memref<3200xi32, #tpu.memory_space<vmem>>, vector<16xi32>,
      %scan3A_428 = arith.constant 0 : i32
      scf.yield %scan3A_428 : i32
    }
    %scan3A_326 = arith.constant 200 : i32
    %dma_start3A_327 = arith.constant 0 : i32
    %dma_start3A_328 = tpu.memref_slice %arg13[%dma_start3A_327] : memref<1000000xi32, #tpu.memory_space<vmem_shared>> -> memref<1000000xi32, #tpu.memory_space<vmem_shared>>
    tpu.enqueue_indirect_dma source(%dma_start3A_328 : memref<1000000xi32, #tpu.memory_space<vmem_shared>>) target(%arg9 : memref<3200xi32, #tpu.memory_space<vmem>>) offsets(%arg7 : memref<3200xi32, #tpu.memory_space<vmem>>) semaphore(%arg14 : memref<!tpu.dma_semaphore, #tpu.memory_space<semaphore_mem>>)
    %dma_wait3A_329 = arith.constant 0 : i32
    %dma_wait3A_330 = tpu.memref_slice %arg13[%dma_wait3A_329] : memref<1000000xi32, #tpu.memory_space<vmem_shared>> -> memref<1000000xi32, #tpu.memory_space<vmem_shared>>
    tpu.wait_indirect_dma semaphore(%arg15 : memref<!tpu.dma_semaphore, #tpu.memory_space<semaphore_mem>>) src(%dma_wait3A_330 : memref<1000000xi32, #tpu.memory_space<vmem_shared>>) dst(%arg10 : memref<3200xi32, #tpu.memory_space<vmem>>)
    %broadcast_in_dim3A_331 = arith.constant 0.000000e+00 : f32
    %broadcast_in_dim3A_332 = vector.broadcast %broadcast_in_dim3A_331 : f32 to vector<16xf32>
    %scan3A_333 = arith.constant 0 : i32
    %scan3A_334 = arith.constant 200 : i32
    %scan3A_335 = arith.addi %scan3A_333, %scan3A_334 : i32
    %scan3A_336 = arith.constant 4 : i32
    %scan3A_337:2 = scf.for %scan3A_385 = %scan3A_333 to %scan3A_335 step %scan3A_336 iter_args(%scan3A_386 = %broadcast_in_dim3A_332, %scan3A_387 = %broadcast_in_dim3A_332) -> (vector<16xf32>, vector<16xf32>)  : i32 {
      %mul3A_388 = arith.constant 16 : i32
      %mul3A_389 = arith.muli %scan3A_385, %mul3A_388 : i32
      %get3A = arith.index_cast %mul3A_389 : i32 to index
      %get3A_390 = tpu.vector_load %arg10[%get3A] {strides = array<i32>} : memref<3200xi32, #tpu.memory_space<vmem>>, vector<16xi32>,
      %shift_left3A = arith.constant 16 : i32
      %shift_left3A_391 = vector.broadcast %shift_left3A : i32 to vector<16xi32>
      %shift_left3A_392 = arith.shli %get3A_390, %shift_left3A_391 : vector<16xi32>
      %bitcast3A = vector.bitcast %shift_left3A_392 : vector<16xi32> to vector<16xf32>
      %and3A_393 = arith.andi %get3A_390, %broadcast_in_dim3A_15 : vector<16xi32>
      %bitcast3A_394 = vector.bitcast %and3A_393 : vector<16xi32> to vector<16xf32>
      %add3A_395 = arith.addf %scan3A_386, %bitcast3A : vector<16xf32>
      %add3A_396 = arith.addf %scan3A_387, %bitcast3A_394 : vector<16xf32>
      %scan3A_397 = arith.constant 1 : i32
      %scan3A_398 = arith.addi %scan3A_385, %scan3A_397 : i32
      %mul3A_399 = arith.constant 16 : i32
      %mul3A_400 = arith.muli %scan3A_398, %mul3A_399 : i32
      %get3A_401 = arith.index_cast %mul3A_400 : i32 to index
      %get3A_402 = tpu.vector_load %arg10[%get3A_401] {strides = array<i32>} : memref<3200xi32, #tpu.memory_space<vmem>>, vector<16xi32>,
      %shift_left3A_403 = arith.constant 16 : i32
      %shift_left3A_404 = vector.broadcast %shift_left3A_403 : i32 to vector<16xi32>
      %shift_left3A_405 = arith.shli %get3A_402, %shift_left3A_404 : vector<16xi32>
      %bitcast3A_406 = vector.bitcast %shift_left3A_405 : vector<16xi32> to vector<16xf32>
      %and3A_407 = arith.andi %get3A_402, %broadcast_in_dim3A_15 : vector<16xi32>
      %bitcast3A_408 = vector.bitcast %and3A_407 : vector<16xi32> to vector<16xf32>
      %add3A_409 = arith.addf %add3A_395, %bitcast3A_406 : vector<16xf32>
      %add3A_410 = arith.addf %add3A_396, %bitcast3A_408 : vector<16xf32>
      %scan3A_411 = arith.constant 2 : i32
      %scan3A_412 = arith.addi %scan3A_385, %scan3A_411 : i32
      %mul3A_413 = arith.constant 16 : i32
      %mul3A_414 = arith.muli %scan3A_412, %mul3A_413 : i32
      %get3A_415 = arith.index_cast %mul3A_414 : i32 to index
      %get3A_416 = tpu.vector_load %arg10[%get3A_415] {strides = array<i32>} : memref<3200xi32, #tpu.memory_space<vmem>>, vector<16xi32>,
      %shift_left3A_417 = arith.constant 16 : i32
      %shift_left3A_418 = vector.broadcast %shift_left3A_417 : i32 to vector<16xi32>
      %shift_left3A_419 = arith.shli %get3A_416, %shift_left3A_418 : vector<16xi32>
      %bitcast3A_420 = vector.bitcast %shift_left3A_419 : vector<16xi32> to vector<16xf32>
      %and3A_421 = arith.andi %get3A_416, %broadcast_in_dim3A_15 : vector<16xi32>
      %bitcast3A_422 = vector.bitcast %and3A_421 : vector<16xi32> to vector<16xf32>
      %add3A_423 = arith.addf %add3A_409, %bitcast3A_420 : vector<16xf32>
      %add3A_424 = arith.addf %add3A_410, %bitcast3A_422 : vector<16xf32>
      %scan3A_425 = arith.constant 3 : i32
      %scan3A_426 = arith.addi %scan3A_385, %scan3A_425 : i32
      %mul3A_427 = arith.constant 16 : i32
      %mul3A_428 = arith.muli %scan3A_426, %mul3A_427 : i32
      %get3A_429 = arith.index_cast %mul3A_428 : i32 to index
      %get3A_430 = tpu.vector_load %arg10[%get3A_429] {strides = array<i32>} : memref<3200xi32, #tpu.memory_space<vmem>>, vector<16xi32>,
      %shift_left3A_431 = arith.constant 16 : i32
      %shift_left3A_432 = vector.broadcast %shift_left3A_431 : i32 to vector<16xi32>
      %shift_left3A_433 = arith.shli %get3A_430, %shift_left3A_432 : vector<16xi32>
      %bitcast3A_434 = vector.bitcast %shift_left3A_433 : vector<16xi32> to vector<16xf32>
      %and3A_435 = arith.andi %get3A_430, %broadcast_in_dim3A_15 : vector<16xi32>
      %bitcast3A_436 = vector.bitcast %and3A_435 : vector<16xi32> to vector<16xf32>
      %add3A_437 = arith.addf %add3A_423, %bitcast3A_434 : vector<16xf32>
      %add3A_438 = arith.addf %add3A_424, %bitcast3A_436 : vector<16xf32>
      scf.yield %add3A_437, %add3A_438 : vector<16xf32>, vector<16xf32>
    }
    %scan3A_338 = arith.constant 200 : i32
    %swap3A_339 = arith.constant 208 : index
    %swap3A_340 = tpu.vector_load %arg11[%swap3A_339] {strides = array<i32>} : memref<256xf32, #tpu.memory_space<vmem>>, vector<16xf32>,
    tpu.vector_store %arg11[%swap3A_339], %scan3A_337#0 {strides = array<i32>} : memref<256xf32, #tpu.memory_space<vmem>>, vector<16xf32>,
    %swap3A_341 = arith.constant 208 : index
    %swap3A_342 = tpu.vector_load %arg12[%swap3A_341] {strides = array<i32>} : memref<256xf32, #tpu.memory_space<vmem>>, vector<16xf32>,
    tpu.vector_store %arg12[%swap3A_341], %scan3A_337#1 {strides = array<i32>} : memref<256xf32, #tpu.memory_space<vmem>>, vector<16xf32>,
    %scan3A_343 = arith.constant 0 : i32
    %scan3A_344 = arith.constant 0 : i32
    %scan3A_345 = arith.constant 200 : i32
    %scan3A_346 = arith.addi %scan3A_344, %scan3A_345 : i32
    %scan3A_347 = arith.constant 1 : i32
    %scan3A_348 = scf.for %scan3A_385 = %scan3A_344 to %scan3A_346 step %scan3A_347 iter_args(%scan3A_386 = %scan3A_343) -> (i32)  : i32 {
      %jit3A = arith.constant 8 : i32
      %div3A = arith.divsi %scan3A_385, %jit3A : i32
      %sign3A = arith.constant 0 : i32
      %sign3A_387 = arith.cmpi sgt, %scan3A_385, %sign3A : i32
      %sign3A_388 = arith.extui %sign3A_387 : i1 to i32
      %sign3A_389 = arith.constant 0 : i32
      %sign3A_390 = arith.cmpi slt, %scan3A_385, %sign3A_389 : i32
      %sign3A_391 = arith.extui %sign3A_390 : i1 to i32
      %sign3A_392 = arith.subi %sign3A_388, %sign3A_391 : i32
      %sign3A_393 = arith.constant 0 : i32
      %sign3A_394 = arith.cmpi sgt, %jit3A, %sign3A_393 : i32
      %sign3A_395 = arith.extui %sign3A_394 : i1 to i32
      %sign3A_396 = arith.constant 0 : i32
      %sign3A_397 = arith.cmpi slt, %jit3A, %sign3A_396 : i32
      %sign3A_398 = arith.extui %sign3A_397 : i1 to i32
      %sign3A_399 = arith.subi %sign3A_395, %sign3A_398 : i32
      %ne3A = arith.cmpi ne, %sign3A_392, %sign3A_399 : i32
      %rem3A = arith.remsi %scan3A_385, %jit3A : i32
      %ne3A_400 = arith.constant 0 : i32
      %ne3A_401 = arith.cmpi ne, %rem3A, %ne3A_400 : i32
      %and3A_402 = arith.andi %ne3A, %ne3A_401 : i1
      %sub3A = arith.constant 1 : i32
      %sub3A_403 = arith.subi %div3A, %sub3A : i32
      %select_n3A = arith.select %and3A_402, %sub3A_403, %div3A : i32
      %jit3A_404 = arith.constant 8 : i32
      %eq3A_405 = arith.constant 0 : i32
      %eq3A_406 = arith.cmpi eq, %jit3A_404, %eq3A_405 : i32
      %jit3A_407 = arith.constant 1 : i32
      %select_n3A_408 = arith.select %eq3A_406, %jit3A_407, %jit3A_404 : i32
      %rem3A_409 = arith.remsi %scan3A_385, %select_n3A_408 : i32
      %ne3A_410 = arith.constant 0 : i32
      %ne3A_411 = arith.cmpi ne, %rem3A_409, %ne3A_410 : i32
      %lt3A = arith.constant 0 : i32
      %lt3A_412 = arith.cmpi slt, %rem3A_409, %lt3A : i32
      %lt3A_413 = arith.constant 0 : i32
      %lt3A_414 = arith.cmpi slt, %select_n3A_408, %lt3A_413 : i32
      %ne3A_415 = arith.xori %lt3A_412, %lt3A_414 : i1
      %and3A_416 = arith.andi %ne3A_415, %ne3A_411 : i1
      %add3A_417 = arith.addi %rem3A_409, %select_n3A_408 : i32
      %select_n3A_418 = arith.select %and3A_416, %add3A_417, %rem3A_409 : i32
      %get3A = arith.constant 1 : i32
      %get3A_419 = arith.index_cast %select_n3A : i32 to index
      %get3A_420 = arith.index_cast %get3A : i32 to index
      %get3A_421 = arith.index_cast %select_n3A_418 : i32 to index
      %get3A_422 = arith.constant 112 : index
      %get3A_423 = tpu.vector_load %arg6[%get3A_419, %get3A_420, %get3A_421, %get3A_422] {strides = array<i32>} : memref<25x2x8x128xi32, #tpu.memory_space<vmem>>, vector<16xi32>,
      %mul3A_424 = arith.constant 16 : i32
      %mul3A_425 = arith.muli %scan3A_385, %mul3A_424 : i32
      %swap3A_426 = arith.index_cast %mul3A_425 : i32 to index
      %swap3A_427 = tpu.vector_load %arg8[%swap3A_426] {strides = array<i32>} : memref<3200xi32, #tpu.memory_space<vmem>>, vector<16xi32>,
      tpu.vector_store %arg8[%swap3A_426], %get3A_423 {strides = array<i32>} : memref<3200xi32, #tpu.memory_space<vmem>>, vector<16xi32>,
      %scan3A_428 = arith.constant 0 : i32
      scf.yield %scan3A_428 : i32
    }
    %scan3A_349 = arith.constant 200 : i32
    %dma_start3A_350 = arith.constant 0 : i32
    %dma_start3A_351 = tpu.memref_slice %arg13[%dma_start3A_350] : memref<1000000xi32, #tpu.memory_space<vmem_shared>> -> memref<1000000xi32, #tpu.memory_space<vmem_shared>>
    tpu.enqueue_indirect_dma source(%dma_start3A_351 : memref<1000000xi32, #tpu.memory_space<vmem_shared>>) target(%arg10 : memref<3200xi32, #tpu.memory_space<vmem>>) offsets(%arg8 : memref<3200xi32, #tpu.memory_space<vmem>>) semaphore(%arg15 : memref<!tpu.dma_semaphore, #tpu.memory_space<semaphore_mem>>)
    %dma_wait3A_352 = arith.constant 0 : i32
    %dma_wait3A_353 = tpu.memref_slice %arg13[%dma_wait3A_352] : memref<1000000xi32, #tpu.memory_space<vmem_shared>> -> memref<1000000xi32, #tpu.memory_space<vmem_shared>>
    tpu.wait_indirect_dma semaphore(%arg14 : memref<!tpu.dma_semaphore, #tpu.memory_space<semaphore_mem>>) src(%dma_wait3A_353 : memref<1000000xi32, #tpu.memory_space<vmem_shared>>) dst(%arg9 : memref<3200xi32, #tpu.memory_space<vmem>>)
    %broadcast_in_dim3A_354 = arith.constant 0.000000e+00 : f32
    %broadcast_in_dim3A_355 = vector.broadcast %broadcast_in_dim3A_354 : f32 to vector<16xf32>
    %scan3A_356 = arith.constant 0 : i32
    %scan3A_357 = arith.constant 200 : i32
    %scan3A_358 = arith.addi %scan3A_356, %scan3A_357 : i32
    %scan3A_359 = arith.constant 4 : i32
    %scan3A_360:2 = scf.for %scan3A_385 = %scan3A_356 to %scan3A_358 step %scan3A_359 iter_args(%scan3A_386 = %broadcast_in_dim3A_355, %scan3A_387 = %broadcast_in_dim3A_355) -> (vector<16xf32>, vector<16xf32>)  : i32 {
      %mul3A_388 = arith.constant 16 : i32
      %mul3A_389 = arith.muli %scan3A_385, %mul3A_388 : i32
      %get3A = arith.index_cast %mul3A_389 : i32 to index
      %get3A_390 = tpu.vector_load %arg9[%get3A] {strides = array<i32>} : memref<3200xi32, #tpu.memory_space<vmem>>, vector<16xi32>,
      %shift_left3A = arith.constant 16 : i32
      %shift_left3A_391 = vector.broadcast %shift_left3A : i32 to vector<16xi32>
      %shift_left3A_392 = arith.shli %get3A_390, %shift_left3A_391 : vector<16xi32>
      %bitcast3A = vector.bitcast %shift_left3A_392 : vector<16xi32> to vector<16xf32>
      %and3A_393 = arith.andi %get3A_390, %broadcast_in_dim3A_15 : vector<16xi32>
      %bitcast3A_394 = vector.bitcast %and3A_393 : vector<16xi32> to vector<16xf32>
      %add3A_395 = arith.addf %scan3A_386, %bitcast3A : vector<16xf32>
      %add3A_396 = arith.addf %scan3A_387, %bitcast3A_394 : vector<16xf32>
      %scan3A_397 = arith.constant 1 : i32
      %scan3A_398 = arith.addi %scan3A_385, %scan3A_397 : i32
      %mul3A_399 = arith.constant 16 : i32
      %mul3A_400 = arith.muli %scan3A_398, %mul3A_399 : i32
      %get3A_401 = arith.index_cast %mul3A_400 : i32 to index
      %get3A_402 = tpu.vector_load %arg9[%get3A_401] {strides = array<i32>} : memref<3200xi32, #tpu.memory_space<vmem>>, vector<16xi32>,
      %shift_left3A_403 = arith.constant 16 : i32
      %shift_left3A_404 = vector.broadcast %shift_left3A_403 : i32 to vector<16xi32>
      %shift_left3A_405 = arith.shli %get3A_402, %shift_left3A_404 : vector<16xi32>
      %bitcast3A_406 = vector.bitcast %shift_left3A_405 : vector<16xi32> to vector<16xf32>
      %and3A_407 = arith.andi %get3A_402, %broadcast_in_dim3A_15 : vector<16xi32>
      %bitcast3A_408 = vector.bitcast %and3A_407 : vector<16xi32> to vector<16xf32>
      %add3A_409 = arith.addf %add3A_395, %bitcast3A_406 : vector<16xf32>
      %add3A_410 = arith.addf %add3A_396, %bitcast3A_408 : vector<16xf32>
      %scan3A_411 = arith.constant 2 : i32
      %scan3A_412 = arith.addi %scan3A_385, %scan3A_411 : i32
      %mul3A_413 = arith.constant 16 : i32
      %mul3A_414 = arith.muli %scan3A_412, %mul3A_413 : i32
      %get3A_415 = arith.index_cast %mul3A_414 : i32 to index
      %get3A_416 = tpu.vector_load %arg9[%get3A_415] {strides = array<i32>} : memref<3200xi32, #tpu.memory_space<vmem>>, vector<16xi32>,
      %shift_left3A_417 = arith.constant 16 : i32
      %shift_left3A_418 = vector.broadcast %shift_left3A_417 : i32 to vector<16xi32>
      %shift_left3A_419 = arith.shli %get3A_416, %shift_left3A_418 : vector<16xi32>
      %bitcast3A_420 = vector.bitcast %shift_left3A_419 : vector<16xi32> to vector<16xf32>
      %and3A_421 = arith.andi %get3A_416, %broadcast_in_dim3A_15 : vector<16xi32>
      %bitcast3A_422 = vector.bitcast %and3A_421 : vector<16xi32> to vector<16xf32>
      %add3A_423 = arith.addf %add3A_409, %bitcast3A_420 : vector<16xf32>
      %add3A_424 = arith.addf %add3A_410, %bitcast3A_422 : vector<16xf32>
      %scan3A_425 = arith.constant 3 : i32
      %scan3A_426 = arith.addi %scan3A_385, %scan3A_425 : i32
      %mul3A_427 = arith.constant 16 : i32
      %mul3A_428 = arith.muli %scan3A_426, %mul3A_427 : i32
      %get3A_429 = arith.index_cast %mul3A_428 : i32 to index
      %get3A_430 = tpu.vector_load %arg9[%get3A_429] {strides = array<i32>} : memref<3200xi32, #tpu.memory_space<vmem>>, vector<16xi32>,
      %shift_left3A_431 = arith.constant 16 : i32
      %shift_left3A_432 = vector.broadcast %shift_left3A_431 : i32 to vector<16xi32>
      %shift_left3A_433 = arith.shli %get3A_430, %shift_left3A_432 : vector<16xi32>
      %bitcast3A_434 = vector.bitcast %shift_left3A_433 : vector<16xi32> to vector<16xf32>
      %and3A_435 = arith.andi %get3A_430, %broadcast_in_dim3A_15 : vector<16xi32>
      %bitcast3A_436 = vector.bitcast %and3A_435 : vector<16xi32> to vector<16xf32>
      %add3A_437 = arith.addf %add3A_423, %bitcast3A_434 : vector<16xf32>
      %add3A_438 = arith.addf %add3A_424, %bitcast3A_436 : vector<16xf32>
      scf.yield %add3A_437, %add3A_438 : vector<16xf32>, vector<16xf32>
    }
    %scan3A_361 = arith.constant 200 : i32
    %swap3A_362 = arith.constant 224 : index
    %swap3A_363 = tpu.vector_load %arg11[%swap3A_362] {strides = array<i32>} : memref<256xf32, #tpu.memory_space<vmem>>, vector<16xf32>,
    tpu.vector_store %arg11[%swap3A_362], %scan3A_360#0 {strides = array<i32>} : memref<256xf32, #tpu.memory_space<vmem>>, vector<16xf32>,
    %swap3A_364 = arith.constant 224 : index
    %swap3A_365 = tpu.vector_load %arg12[%swap3A_364] {strides = array<i32>} : memref<256xf32, #tpu.memory_space<vmem>>, vector<16xf32>,
    tpu.vector_store %arg12[%swap3A_364], %scan3A_360#1 {strides = array<i32>} : memref<256xf32, #tpu.memory_space<vmem>>, vector<16xf32>,
    %dma_wait3A_366 = arith.constant 0 : i32
    %dma_wait3A_367 = tpu.memref_slice %arg13[%dma_wait3A_366] : memref<1000000xi32, #tpu.memory_space<vmem_shared>> -> memref<1000000xi32, #tpu.memory_space<vmem_shared>>
    tpu.wait_indirect_dma semaphore(%arg15 : memref<!tpu.dma_semaphore, #tpu.memory_space<semaphore_mem>>) src(%dma_wait3A_367 : memref<1000000xi32, #tpu.memory_space<vmem_shared>>) dst(%arg10 : memref<3200xi32, #tpu.memory_space<vmem>>)
    %broadcast_in_dim3A_368 = arith.constant 0.000000e+00 : f32
    %broadcast_in_dim3A_369 = vector.broadcast %broadcast_in_dim3A_368 : f32 to vector<16xf32>
    %scan3A_370 = arith.constant 0 : i32
    %scan3A_371 = arith.constant 200 : i32
    %scan3A_372 = arith.addi %scan3A_370, %scan3A_371 : i32
    %scan3A_373 = arith.constant 4 : i32
    %scan3A_374:2 = scf.for %scan3A_385 = %scan3A_370 to %scan3A_372 step %scan3A_373 iter_args(%scan3A_386 = %broadcast_in_dim3A_369, %scan3A_387 = %broadcast_in_dim3A_369) -> (vector<16xf32>, vector<16xf32>)  : i32 {
      %mul3A_388 = arith.constant 16 : i32
      %mul3A_389 = arith.muli %scan3A_385, %mul3A_388 : i32
      %get3A = arith.index_cast %mul3A_389 : i32 to index
      %get3A_390 = tpu.vector_load %arg10[%get3A] {strides = array<i32>} : memref<3200xi32, #tpu.memory_space<vmem>>, vector<16xi32>,
      %shift_left3A = arith.constant 16 : i32
      %shift_left3A_391 = vector.broadcast %shift_left3A : i32 to vector<16xi32>
      %shift_left3A_392 = arith.shli %get3A_390, %shift_left3A_391 : vector<16xi32>
      %bitcast3A = vector.bitcast %shift_left3A_392 : vector<16xi32> to vector<16xf32>
      %and3A_393 = arith.andi %get3A_390, %broadcast_in_dim3A_15 : vector<16xi32>
      %bitcast3A_394 = vector.bitcast %and3A_393 : vector<16xi32> to vector<16xf32>
      %add3A_395 = arith.addf %scan3A_386, %bitcast3A : vector<16xf32>
      %add3A_396 = arith.addf %scan3A_387, %bitcast3A_394 : vector<16xf32>
      %scan3A_397 = arith.constant 1 : i32
      %scan3A_398 = arith.addi %scan3A_385, %scan3A_397 : i32
      %mul3A_399 = arith.constant 16 : i32
      %mul3A_400 = arith.muli %scan3A_398, %mul3A_399 : i32
      %get3A_401 = arith.index_cast %mul3A_400 : i32 to index
      %get3A_402 = tpu.vector_load %arg10[%get3A_401] {strides = array<i32>} : memref<3200xi32, #tpu.memory_space<vmem>>, vector<16xi32>,
      %shift_left3A_403 = arith.constant 16 : i32
      %shift_left3A_404 = vector.broadcast %shift_left3A_403 : i32 to vector<16xi32>
      %shift_left3A_405 = arith.shli %get3A_402, %shift_left3A_404 : vector<16xi32>
      %bitcast3A_406 = vector.bitcast %shift_left3A_405 : vector<16xi32> to vector<16xf32>
      %and3A_407 = arith.andi %get3A_402, %broadcast_in_dim3A_15 : vector<16xi32>
      %bitcast3A_408 = vector.bitcast %and3A_407 : vector<16xi32> to vector<16xf32>
      %add3A_409 = arith.addf %add3A_395, %bitcast3A_406 : vector<16xf32>
      %add3A_410 = arith.addf %add3A_396, %bitcast3A_408 : vector<16xf32>
      %scan3A_411 = arith.constant 2 : i32
      %scan3A_412 = arith.addi %scan3A_385, %scan3A_411 : i32
      %mul3A_413 = arith.constant 16 : i32
      %mul3A_414 = arith.muli %scan3A_412, %mul3A_413 : i32
      %get3A_415 = arith.index_cast %mul3A_414 : i32 to index
      %get3A_416 = tpu.vector_load %arg10[%get3A_415] {strides = array<i32>} : memref<3200xi32, #tpu.memory_space<vmem>>, vector<16xi32>,
      %shift_left3A_417 = arith.constant 16 : i32
      %shift_left3A_418 = vector.broadcast %shift_left3A_417 : i32 to vector<16xi32>
      %shift_left3A_419 = arith.shli %get3A_416, %shift_left3A_418 : vector<16xi32>
      %bitcast3A_420 = vector.bitcast %shift_left3A_419 : vector<16xi32> to vector<16xf32>
      %and3A_421 = arith.andi %get3A_416, %broadcast_in_dim3A_15 : vector<16xi32>
      %bitcast3A_422 = vector.bitcast %and3A_421 : vector<16xi32> to vector<16xf32>
      %add3A_423 = arith.addf %add3A_409, %bitcast3A_420 : vector<16xf32>
      %add3A_424 = arith.addf %add3A_410, %bitcast3A_422 : vector<16xf32>
      %scan3A_425 = arith.constant 3 : i32
      %scan3A_426 = arith.addi %scan3A_385, %scan3A_425 : i32
      %mul3A_427 = arith.constant 16 : i32
      %mul3A_428 = arith.muli %scan3A_426, %mul3A_427 : i32
      %get3A_429 = arith.index_cast %mul3A_428 : i32 to index
      %get3A_430 = tpu.vector_load %arg10[%get3A_429] {strides = array<i32>} : memref<3200xi32, #tpu.memory_space<vmem>>, vector<16xi32>,
      %shift_left3A_431 = arith.constant 16 : i32
      %shift_left3A_432 = vector.broadcast %shift_left3A_431 : i32 to vector<16xi32>
      %shift_left3A_433 = arith.shli %get3A_430, %shift_left3A_432 : vector<16xi32>
      %bitcast3A_434 = vector.bitcast %shift_left3A_433 : vector<16xi32> to vector<16xf32>
      %and3A_435 = arith.andi %get3A_430, %broadcast_in_dim3A_15 : vector<16xi32>
      %bitcast3A_436 = vector.bitcast %and3A_435 : vector<16xi32> to vector<16xf32>
      %add3A_437 = arith.addf %add3A_423, %bitcast3A_434 : vector<16xf32>
      %add3A_438 = arith.addf %add3A_424, %bitcast3A_436 : vector<16xf32>
      scf.yield %add3A_437, %add3A_438 : vector<16xf32>, vector<16xf32>
    }
    %scan3A_375 = arith.constant 200 : i32
    %swap3A_376 = arith.constant 240 : index
    %swap3A_377 = tpu.vector_load %arg11[%swap3A_376] {strides = array<i32>} : memref<256xf32, #tpu.memory_space<vmem>>, vector<16xf32>,
    tpu.vector_store %arg11[%swap3A_376], %scan3A_374#0 {strides = array<i32>} : memref<256xf32, #tpu.memory_space<vmem>>, vector<16xf32>,
    %swap3A_378 = arith.constant 240 : index
    %swap3A_379 = tpu.vector_load %arg12[%swap3A_378] {strides = array<i32>} : memref<256xf32, #tpu.memory_space<vmem>>, vector<16xf32>,
    tpu.vector_store %arg12[%swap3A_378], %scan3A_374#1 {strides = array<i32>} : memref<256xf32, #tpu.memory_space<vmem>>, vector<16xf32>,
    %mul3A_380 = arith.constant 2 : i32
    %mul3A_381 = arith.muli %mul3A_380, %arg0 : i32
    "tpu.region"() ({
      %run_scoped3A = tpu.sem_alloc : memref<!tpu.dma_semaphore, #tpu.memory_space<semaphore_mem>>
      %dma_start3A_385 = tpu.memref_slice %arg5[%mul3A_381, %mul3A_0] : memref<4x4096xf32, #tpu.memory_space<hbm>> -> memref<1x256xf32, #tpu.memory_space<hbm>>
      %dma_start3A_386 = tpu.memref_squeeze %dma_start3A_385 : memref<1x256xf32, #tpu.memory_space<hbm>> -> memref<256xf32, #tpu.memory_space<hbm>>
      %dma_start3A_387 = tpu.memref_slice %arg5[%mul3A_381, %mul3A_0] : memref<4x4096xf32, #tpu.memory_space<hbm>> -> memref<1x256xf32, #tpu.memory_space<hbm>>
      %dma_start3A_388 = tpu.memref_squeeze %dma_start3A_387 : memref<1x256xf32, #tpu.memory_space<hbm>> -> memref<256xf32, #tpu.memory_space<hbm>>
      tpu.enqueue_dma source(%arg11 : memref<256xf32, #tpu.memory_space<vmem>>) target(%dma_start3A_388 : memref<256xf32, #tpu.memory_space<hbm>>) target_semaphore(%run_scoped3A : memref<!tpu.dma_semaphore, #tpu.memory_space<semaphore_mem>>)
      %dma_wait3A_389 = tpu.memref_slice %arg5[%mul3A_381, %mul3A_0] : memref<4x4096xf32, #tpu.memory_space<hbm>> -> memref<1x256xf32, #tpu.memory_space<hbm>>
      %dma_wait3A_390 = tpu.memref_squeeze %dma_wait3A_389 : memref<1x256xf32, #tpu.memory_space<hbm>> -> memref<256xf32, #tpu.memory_space<hbm>>
      %dma_wait3A_391 = tpu.memref_slice %arg5[%mul3A_381, %mul3A_0] : memref<4x4096xf32, #tpu.memory_space<hbm>> -> memref<1x256xf32, #tpu.memory_space<hbm>>
      %dma_wait3A_392 = tpu.memref_squeeze %dma_wait3A_391 : memref<1x256xf32, #tpu.memory_space<hbm>> -> memref<256xf32, #tpu.memory_space<hbm>>
      tpu.wait_dma2 semaphore(%run_scoped3A : memref<!tpu.dma_semaphore, #tpu.memory_space<semaphore_mem>>) src(%arg11 : memref<256xf32, #tpu.memory_space<vmem>>) dst(%dma_wait3A_392 : memref<256xf32, #tpu.memory_space<hbm>>)
      tpu.yield
    }) : () -> ()
    %mul3A_382 = arith.constant 2 : i32
    %mul3A_383 = arith.muli %mul3A_382, %arg0 : i32
    %add3A = arith.constant 1 : i32
    %add3A_384 = arith.addi %mul3A_383, %add3A : i32
    "tpu.region"() ({
      %run_scoped3A = tpu.sem_alloc : memref<!tpu.dma_semaphore, #tpu.memory_space<semaphore_mem>>
      %dma_start3A_385 = tpu.memref_slice %arg5[%add3A_384, %mul3A_0] : memref<4x4096xf32, #tpu.memory_space<hbm>> -> memref<1x256xf32, #tpu.memory_space<hbm>>
      %dma_start3A_386 = tpu.memref_squeeze %dma_start3A_385 : memref<1x256xf32, #tpu.memory_space<hbm>> -> memref<256xf32, #tpu.memory_space<hbm>>
      %dma_start3A_387 = tpu.memref_slice %arg5[%add3A_384, %mul3A_0] : memref<4x4096xf32, #tpu.memory_space<hbm>> -> memref<1x256xf32, #tpu.memory_space<hbm>>
      %dma_start3A_388 = tpu.memref_squeeze %dma_start3A_387 : memref<1x256xf32, #tpu.memory_space<hbm>> -> memref<256xf32, #tpu.memory_space<hbm>>
      tpu.enqueue_dma source(%arg12 : memref<256xf32, #tpu.memory_space<vmem>>) target(%dma_start3A_388 : memref<256xf32, #tpu.memory_space<hbm>>) target_semaphore(%run_scoped3A : memref<!tpu.dma_semaphore, #tpu.memory_space<semaphore_mem>>)
      %dma_wait3A_389 = tpu.memref_slice %arg5[%add3A_384, %mul3A_0] : memref<4x4096xf32, #tpu.memory_space<hbm>> -> memref<1x256xf32, #tpu.memory_space<hbm>>
      %dma_wait3A_390 = tpu.memref_squeeze %dma_wait3A_389 : memref<1x256xf32, #tpu.memory_space<hbm>> -> memref<256xf32, #tpu.memory_space<hbm>>
      %dma_wait3A_391 = tpu.memref_slice %arg5[%add3A_384, %mul3A_0] : memref<4x4096xf32, #tpu.memory_space<hbm>> -> memref<1x256xf32, #tpu.memory_space<hbm>>
      %dma_wait3A_392 = tpu.memref_squeeze %dma_wait3A_391 : memref<1x256xf32, #tpu.memory_space<hbm>> -> memref<256xf32, #tpu.memory_space<hbm>>
      tpu.wait_dma2 semaphore(%run_scoped3A : memref<!tpu.dma_semaphore, #tpu.memory_space<semaphore_mem>>) src(%arg12 : memref<256xf32, #tpu.memory_space<vmem>>) dst(%dma_wait3A_392 : memref<256xf32, #tpu.memory_space<hbm>>)
      tpu.yield
    }) : () -> ()
    return
  }
}

</mosaic_0001>

<sc_bundles>
// kernel: _sc_pool.3.cloned.1.call-start
scs
__scs_entry_jumppad:
0x0: {  	(pc) =	sbr.rel $0x88, $3  }
0x1: {  	(tag) =	ssettag $0x0;
	lr =	simm.s32 $0x1  }
0x2: {  	[smem:$0x3F9E] =	sst lr;
	_ =	strace $0xD0000000  }
0x3: {  	_ = 	snop  }
0x4: {  	_ = 	snop  }
0x5: {  	_ = 	snop  }
0x6: {  	_ = 	snop  }
0x7: {  	_ = 	snop  }
__scs_overlays_trampoline_lowered:
0x8: {  	[smem:$0x3FAD] =	sst s0  }
0x9: {  	[smem:$0x3FAE] =	sst s1  }
0xa: {  	[smem:$0x3FAF] =	sst s2  }
0xb: {  	[smem:$0x3FB0] =	sst s3  }
0xc: {  	[smem:$0x3FB1] =	sst s4  }
0xd: {  	[smem:$0x3FB2] =	sst s5  }
0xe: {  	[smem:$0x3FB3] =	sst s6  }
0xf: {  	[smem:$0x3FB4] =	sst s7  }
0x10: {  	[smem:$0x3FB5] =	sst s8  }
0x11: {  	[smem:$0x3FB6] =	sst s9;
	s0 =	simm.s32 @!p0 $0x0  }
0x12: {  	s1 =	sld [smem:$0x3F9C];
	s0 =	simm.s32 @p0 $0x1  }
0x13: {  	[smem:$0x3FB7] =	sst s0;
	s0 =	simm.s32 @!p1 $0x0  }
0x14: {  	s2 =	sld [smem:$0x3F9B];
	s0 =	simm.s32 @p1 $0x1  }
0x15: {  	[smem:$0x3FB8] =	sst s0;
	s0 =	simm.s32 @!p2 $0x0  }
0x16: {  	s3 =	sld [smem:$0x3FDB];
	s0 =	simm.s32 @p2 $0x1  }
0x17: {  	s4 =	simm.s32 $0x1BF5;
	[smem:$0x3FBA] =	sst s0  }
0x18: {  	s0 =	sld [smem:$0x3F9D];
	_ =	swait.ge [sflag:s4], $0x0  }
0x19: {  	s7 =	sld [smem:$0x3F9E]  }
0x1a: {  	s8 =	sadd.s32 $0xFFFFE003, lr  }
0x1b: {  	s9 =	sadd.s32 $0xFFFFFEF7, lr;
	s5 =	simm.s32 $0xFFFFFFFF;
	p2 =	slt.u32 s8, $0xFFFFF086  }
0x1c: {  	p1 =	slt.u32 s9, $0xF7A;
	s5 =	simm.s32 @!p2 $0x0  }
0x1d: {  	s5 =	simm.s32 @p1 $0x1;
	p0 =	seq.s32 s7, s2  }
0x1e: {  	s7 =	smul.u32 @!p0 $0xF7A, s2;
	p2 =	seq.s32 @!p0 s5, $0x0  }
0x1f: {  	s9 =	smul.u32 $0xF7A, s1;
	s8 =	simm.s32 @!p0 $0x1BF5;
	p2 =	por !p2, p0  }
0x20: {  	[sflag:s8] =	ssyncset.s32 @!p0 $0xFFFFF086;
	s6 =	sadd.s32 @!p0 s3, s7;
	s7 =	simm.s32 @!p0 $0x108  }
0x21: {  	s3 =	sadd.s32 s3, s9;
	s6 =	sadd.s32 @!p0 $0x88, s6;
	s7 =	simm.s32 @p2 $0x1082  }
0x22: {  	[simem:s7], [sflag:s8] =	dma.local @!p0 [hbm:s6], $0xF7A  }
0x23: {  	s9 =	sor.u32 $0xD0000000, s2;
	s6 =	simm.s32 $0x108;
	_ =	swait.ge @!p0 [sflag:s8], $0x0  }
0x24: {  	s3 =	sadd.s32 $0x88, s3;
	s6 =	simm.s32 @!p1 $0x1082;
	[sflag:s4] =	ssyncset.s32 $0xFFFFF086  }
0x25: {  	[simem:s6], [sflag:s4] =	dma.local [hbm:s3], $0xF7A  }
0x26: {  	[smem:$0x3F9E] =	sst s1;
	(tag) =	ssettag s2;
	_ =	strace s9  }
0x27: {  	s1 =	sld [smem:$0x3FAE]  }
0x28: {  	s2 =	sld [smem:$0x3FAF]  }
0x29: {  	s4 =	sld [smem:$0x3FB1]  }
0x2a: {  	p0 =	seq.s32 s5, $0x0;
	s5 =	sld [smem:$0x3FB2]  }
0x2b: {  	s6 =	sld [smem:$0x3FB3]  }
0x2c: {  	s7 =	sld [smem:$0x3FB4]  }
0x2d: {  	s3 =	simm.s32 $0x108;
	s8 =	sld [smem:$0x3FB5]  }
0x2e: {  	s3 =	simm.s32 @!p0 $0x1082;
	s9 =	sld [smem:$0x3FB6]  }
0x2f: {  	lr =	sadd.s32 s0, s3;
	s0 =	sld [smem:$0x3FAD]  }
0x30: {  	s3 =	sld [smem:$0x3FB0]  }
0x31: {  	[smem:$0x3FB9] =	sst s10  }
0x32: {  	s10 =	sld [smem:$0x3FB7];
	_ =	sdelay $0x3  }
0x33: {  	p0 =	seq.s32 s10, $0x1;
	s10 =	sld [smem:$0x3FB9];
	_ =	sdelay $0x3  }
0x34: {  	[smem:$0x3FB9] =	sst s10  }
0x35: {  	s10 =	sld [smem:$0x3FB8];
	_ =	sdelay $0x3  }
0x36: {  	p1 =	seq.s32 s10, $0x1;
	s10 =	sld [smem:$0x3FB9];
	_ =	sdelay $0x3  }
0x37: {  	[smem:$0x3FB9] =	sst s10  }
0x38: {  	s10 =	sld [smem:$0x3FBA]  }
0x39: {  	_ = 	snop;
	(pc) =	sbr.ind lr, $3  }
0x3a: {  	_ = 	snop  }
0x3b: {  	_ = 	snop  }
0x3c: {  	p2 =	seq.s32 s10, $0x1;
	s10 =	sld [smem:$0x3FB9]  }
0x3d: {  	_ =	shalt  }
0x3e: {  	_ =	shalt  }
0x3f: {  	_ =	shalt  }
0x40: {  	_ =	shalt  }
0x41: {  	_ =	shalt  }
0x42: {  	_ =	shalt  }
0x43: {  	_ =	shalt  }
0x44: {  	_ =	shalt  }
0x45: {  	_ =	shalt  }
0x46: {  	_ =	shalt  }
0x47: {  	_ =	shalt  }
0x48: {  	_ =	shalt  }
0x49: {  	_ =	shalt  }
0x4a: {  	_ =	shalt  }
0x4b: {  	_ =	shalt  }
0x4c: {  	_ =	shalt  }
0x4d: {  	_ =	shalt  }
0x4e: {  	_ =	shalt  }
0x4f: {  	_ =	shalt  }
0x50: {  	_ =	shalt  }
0x51: {  	_ =	shalt  }
0x52: {  	_ =	shalt  }
0x53: {  	_ =	shalt  }
0x54: {  	_ =	shalt  }
0x55: {  	_ =	shalt  }
0x56: {  	_ =	shalt  }
0x57: {  	_ =	shalt  }
0x58: {  	_ =	shalt  }
0x59: {  	_ =	shalt  }
0x5a: {  	_ =	shalt  }
0x5b: {  	_ =	shalt  }
0x5c: {  	_ =	shalt  }
0x5d: {  	_ =	shalt  }
0x5e: {  	_ =	shalt  }
0x5f: {  	_ =	shalt  }
0x60: {  	_ =	shalt  }
0x61: {  	_ =	shalt  }
0x62: {  	_ =	shalt  }
0x63: {  	_ =	shalt  }
0x64: {  	_ =	shalt  }
0x65: {  	_ =	shalt  }
0x66: {  	_ =	shalt  }
0x67: {  	_ =	shalt  }
0x68: {  	_ =	shalt  }
0x69: {  	_ =	shalt  }
0x6a: {  	_ =	shalt  }
0x6b: {  	_ =	shalt  }
0x6c: {  	_ =	shalt  }
0x6d: {  	_ =	shalt  }
0x6e: {  	_ =	shalt  }
0x6f: {  	_ =	shalt  }
0x70: {  	_ =	shalt  }
0x71: {  	_ =	shalt  }
0x72: {  	_ =	shalt  }
0x73: {  	_ =	shalt  }
0x74: {  	_ =	shalt  }
0x75: {  	_ =	shalt  }
0x76: {  	_ =	shalt  }
0x77: {  	_ =	shalt  }
0x78: {  	_ =	shalt  }
0x79: {  	_ =	shalt  }
0x7a: {  	_ =	shalt  }
0x7b: {  	_ =	shalt  }
0x7c: {  	_ =	shalt  }
0x7d: {  	_ =	shalt  }
0x7e: {  	_ =	shalt  }
0x7f: {  	_ =	shalt  }
0x80: {  	_ =	shalt  }
0x81: {  	_ =	shalt  }
0x82: {  	_ =	shalt  }
0x83: {  	_ =	shalt  }
0x84: {  	_ =	shalt  }
0x85: {  	_ =	shalt  }
0x86: {  	_ =	shalt  }
0x87: {  	_ =	shalt  }
.Lfunc_end0:
.L_simem_size_0:
called_computation_lowered:
.L_overlay_start_0:
0x88: {  	s2 =	sld [smem:$0x3FD9]  }
0x89: {  	s3 =	sld [smem:$0x3FFE];
	_ =	sdelay $0x1  }
0x8a: {  	s1 =	srdreg.scid  }
0x8b: {  	s0 =	sand.u32 $0x1, s1  }
0x8c: {  	s17 =	sshll.u32 s0, $0xA;
	s2 =	sadd.s32 s3, s2  }
0x8d: {  	s2 =	sadd.s32 s2, s17  }
0x8e: {  	[smem:$0x3FC5] =	sst s2  }
0x8f: {  	_ = 	snop  }
0x90: {  	s2 =	sld [smem:$0x3FC9]  }
0x91: {  	s18 =	sld [smem:$0x3FC8]  }
0x92: {  	s4 =	sld [smem:$0x3FC7];
	(tm) =	ssettm $0x1  }
0x93: {  	s5 =	sld [smem:$0x3FFB];
	_ =	sdelay $0x3  }
0x94: {  	_ =	strace s5  }
0x95: {  	s5 =	sld [smem:$0x3FFC];
	_ =	sdelay $0x3  }
0x96: {  	_ =	strace s5  }
0x97: {  	s5 =	sld [smem:$0x3FFD];
	_ =	sdelay $0x3  }
0x98: {  	_ =	strace s5  }
0x99: {  	_ =	strace $0x8FFFFFFF  }
0x9a: {  	s19 =	sld [smem:$0x3FDB];
	_ =	sdelay $0x1  }
0x9b: {  	s6 =	simm.s32 $_scs_section_size  }
0x9c: {  	s7 =	simm.s32 $_size__tile_overlayer_lowered;
	s8 =	simm.s32 $_tile_overlayer_lowered  }
0x9d: {  	s22 =	simm.s32 $0x1BFF;
	s21 =	sshll.u32 s8, $0x1;
	s5 =	sadd.s32 s6, s19  }
0x9e: {  	s9 =	simm.s32 $0x0;
	s20 =	sshll.u32 s7, $0x1;
	s7 =	sadd.s32 s21, s5  }
0x9f: {  	[timem:s9], [sflag:s22] =	dma.local [hbm:s7], s20  }
0xa0: {  	_ =	swait.ge [sflag:s22], s20  }
0xa1: {  	s6 =	ssub.s32 $0x0, s20;
	[sflag:s22] =	ssyncset.done $0x0  }
0xa2: {  	[sflag:s22] =	ssyncadd.s32 s6;
	_ =	sdelay $0x1  }
0xa3: {  	s23 =	simm.s32 $0x1B8B  }
0xa4: {  	_ =	swait.ge [sflag:s23], $0x1  }
0xa5: {  	[sflag:s23] =	ssyncset.done $0x0  }
0xa6: {  	s25 =	simm.s32 $0x1B8E;
	s24 =	sld [smem:$0x3FFE];
	[sflag:s23] =	ssyncadd.s32 $0xFFFFFFFF  }
0xa7: {  	s26 =	simm.s32 $execute0_lowered;
	[smem:$0x3FD2] =	sst s25  }
0xa8: {  	s7 =	sshll.u32 s26, $0x1;
	_ =	strace $0x80000046;
	[dreg:$0x1] =	wrdreg $0xFFFFFFFF  }
0xa9: {  	s28 =	simm.s32 $_size_execute0_lowered;
	s5 =	sadd.s32 s5, s7;
	[dreg:$0x0] =	wrdreg $0x0  }
0xaa: {  	s7 =	sshll.u32 s28, $0x1;
	[dreg:$0x2] =	wrdreg s5  }
0xab: {  	[dreg:$0x3] =	wrdreg s7  }
0xac: {  	[dreg:$0x4] =	wrdreg $0xC0  }
0xad: {  	_ =	task [dreg:s9], $0x5FFFF  }
0xae: {  	[dreg:$0x1] =	wrdreg $0xFFFFFFFF  }
0xaf: {  	[dreg:$0x0] =	wrdreg $0x60  }
0xb0: {  	[dreg:$0x2] =	wrdreg s2  }
0xb1: {  	[dreg:$0x3] =	wrdreg s18  }
0xb2: {  	[dreg:$0x4] =	wrdreg s4  }
0xb3: {  	[dreg:$0x5] =	wrdreg s24  }
0xb4: {  	[dreg:$0x6] =	wrdreg $0xFC000  }
0xb5: {  	[dreg:$0x7] =	wrdreg $0x9  }
0xb6: {  	_ =	task.clear_ibuf [dreg:s9], $0x8FFFF;
	_ =	strace $0x90000046  }
0xb7: {  	s29 =	simm.s32 $0x9;
	_ =	strace $0x80000048  }
0xb8: {  	_ =	swait.ge [sflag:s29], $0x1  }
0xb9: {  	[sflag:s29] =	ssyncadd.s32 $0xFFFFFFFF  }
0xba: {  	_ =	strace $0x90000048  }
0xbb: {  	_ =	sfence  }
0xbc: {  	s30 =	sld [smem:$0x0];
	_ =	sdelay $0x2  }
0xbd: {  	s31 =	sshll.u32 s1, $0xD;
	s1 =	sshrl.u32 s1, $0x2  }
0xbe: {  	s3 =	sand.u32 $0x4000, s31;
	s1 =	sadd.s32 s1, s30  }
0xbf: {  	s0 =	sor.u32 s3, s0;
	s1 =	sshll.u32 s1, $0x11  }
0xc0: {  	s0 =	sor.u32 s1, s0  }
0xc1: {  	s0 =	sadd.s32 $0x8F2B, s0  }
0xc2: {  	[sflag:s0] =	ssyncadd.remote.s32 $0x1  }
0xc3: {  	_ =	sfence.sel $0xFFFF  }
0xc4: {  	[dreg:$0x0] =	wrdreg $0xFFFFFFFF;
	(pc) =	sbr.abs _section_cstart, $3  }
0xc5: {  	[dreg:$0x1] =	wrdreg $0xFFFFFFFF  }
0xc6: {  	_ =	task.clear_ibuf [dreg:s9], $0x2FFFF;
	_ =	strace $0x9FFFFFFF  }
0xc7: {  	(tm) =	ssettm $0x7FFFFFFF  }
tec
execute0_lowered:
.L_overlay_start_1:
0x0: {  	(tag) =	ssettag $0x1  }
0x1: {  	s6 =	rddreg [dreg:$0x0]  }
0x2: {  	s1 =	rddreg [dreg:$0x1]  }
0x3: {  	s2 =	rddreg [dreg:$0x2]  }
0x4: {  	s7 =	rddreg [dreg:$0x3]  }
0x5: {  	s4 =	rddreg [dreg:$0x4];
	s5 =	srdreg.scid  }
0x6: {  	s0 =	rddreg [dreg:$0x5];
	s3 =	stileid.u32  }
0x7: {  	s16 =	simm.s32 $0xC80;
	s17 =	simm.s32 $0xC800;
	s18 =	simm.s32 $0xE100  }
0x8: {  	s19 =	simm.s32 $0xD480;
	s20 =	simm.s32 $0xED80;
	s21 =	simm.s32 $0x1  }
0x9: {  	s22 =	simm.s32 $0x2;
	s23 =	simm.s32 $0xFA00;
	s24 =	simm.s32 $0xFB00  }
0xa: {  	s25 =	simm.s32 $0x0;
	s8 =	sand.u32 $0x1, s5;
	s5 =	simm.s32 $0x0  }
0xb: {  	s9 =	sshll.u32 s3, $0x8;
	p0 =	seq.s32 s3, $0x0;
	s10 =	sshll.u32 s8, $0xD  }
0xc: {  	[smem:$0x7FF] =	sst s5;
	s11 =	ssub.s32 $0x2, s8;
	p1 =	seq.s32 s8, $0x1  }
0xd: {  	s6 =	sadd.s32 s6, s9;
	s31 =	sor.u32 s8, s3;
	s10 =	sor.u32 s9, s10  }
0xe: {  	_ =	strace $0x80000047;
	s12 =	sshrl.u32 s11, $0x1;
	p0 =	por !p0, !p1  }
0xf: {  	p1 =	sne.s32 s31, $0x0;
	s10 =	sshrl.u32 s10, $0x3;
	s11 =	ssub.s32 s11, s12  }
0x10: {  	p0 =	por !p0, !p0;
	s13 =	sshll.u32 @!p1 s3, $0x6;
	s12 =	simm.s32 $0x3  }
0x11: {  	s14 =	sshrl.u32 @!p1 s4, $0x3;
	s10 =	sadd.s32 s10, s7;
	s9 =	smax.u32 s11, $0x1  }
0x12: {  	s11 =	simm.s32 $0x8000;
	s13 =	sor.u32 @!p1 $0x1C03, s13;
	s15 =	sshrl.u32 @p0 s4, $0x3  }
0x13: {  	s7 =	sadd.s32 $0x400, s10;
	s8 =	sadd.s32 $0x600, s10;
	s10 =	simm.s32 $0x800  }
.LBB2_1:
0x14: {  	[tilespmem:s5], [sflag:$0x3] =	stream.strided.gather [hbm4b:s6+s10], $0xC800, s11, s10, $0x38;
	[tilespmem:$0x1F028] =	vst v63  }
0x15: {  	_ =	swait.ge [sflag:s12], $0xC800  }
0x16: {  	[sflag:s12] =	ssyncset.done $0x0  }
0x17: {  	s26 =	simm.s32 @!p1 $0x3;
	[sflag:s12] =	ssyncadd.s32 $0xFFFF3800  }
0x18: {  	[spmem:s14], [sflag:s13] =	dma.local @!p1 [hbm:s1], $0x1E848  }
0x19: {  	_ =	swait.ge @!p1 [sflag:s26], $0x1E848  }
0x1a: {  	[sflag:s26] =	ssyncset.done @!p1 $0x0  }
0x1b: {  	[sflag:s26] =	ssyncadd.s32 @!p1 $0xFFFE17B8;
	s26 =	simm.s32 @p0 $0x1C03  }
0x1c: {  	[spmem:s15], [sflag:s26] =	dma.local @p0 [hbm:s2], $0x1E848  }
0x1d: {  	s26 =	simm.s32 @p0 $0x3  }
0x1e: {  	_ =	swait.ge @p0 [sflag:s26], $0x1E848  }
0x1f: {  	s28 =	sand.u32 $0x3E000, s5;
	[sflag:s26] =	ssyncset.done @p0 $0x0  }
0x20: {  	s30 =	sand.u32 $0x380, s5;
	s28 =	sshrl.u32 s28, $0x2;
	[sflag:s26] =	ssyncadd.s32 @p0 $0xFFFE17B8  }
0x21: {  	s26 =	sor.u32 s30, s28;
	[bflag:$0x0] =	sbarrier.arrive $0xFFFF  }
0x22: {  	v0 =	vld [tilespmem:s26+$0x0];
	_ =	sdelay $0x1  }
0x23: {  	s31 =	simm.s32 $0x400  }
0x24: {  	s28 =	simm.s32 $0x80;
	s26 =	sand.u32 $0x3E000, s31  }
0x25: {  	s28 =	sand.u32 $0x380, s28;
	s26 =	sshrl.u32 s26, $0x2  }
0x26: {  	s28 =	sor.u32 s28, s26;
	[tilespmem:s17+$0x0] =	vst v0  }
0x27: {  	v0 =	vld [tilespmem:s28+$0x0]  }
0x28: {  	s29 =	simm.s32 $0x100;
	s26 =	simm.s32 $0x800;
	s28 =	simm.s32 $0xC800  }
.LBB2_2:
0x29: {  	s30 =	sand.u32 $0x3E000, s26  }
0x2a: {  	p2 =	sne.s32 s26, $0x31C00;
	s26 =	sadd.s32 $0x400, s26;
	s31 =	sand.u32 $0x380, s29  }
.Ltmp0:
0x2b: {  	s28 =	sadd.s32 $0x10, s28;
	s30 =	sshrl.u32 s30, $0x2;
	(pc) =	sbr.rel @p2 .LBB2_2-.Ltmp0, $3  }
0x2c: {  	s30 =	sor.u32 s31, s30;
	[tilespmem:s28+$0x0] =	vst v0  }
0x2d: {  	v0 =	vld [tilespmem:s30+$0x0];
	_ =	sdelay $0x1  }
0x2e: {  	s29 =	sadd.s32 $0x80, s29  }
0x2f: {  	s30 =	simm.s32 $0x0  }
0x30: {  	s26 =	sadd.s32 $0x10, s28;
	s28 =	sand.u32 $0x3E000, s30  }
0x31: {  	[tilespmem:s26+$0x0] =	vst v0;
	s26 =	sand.u32 $0x380, s30;
	s28 =	sshrl.u32 s28, $0x2  }
0x32: {  	[tilespmem:s18], [sflag:$0x1] =	stream.indirect.gather [spmem:s4], $0x1, s17, s16, $0xb8;
	[tilespmem:$0x1F028] =	vst v63  }
0x33: {  	s26 =	sor.u32 s26, s28  }
0x34: {  	v0 =	vld [tilespmem:s26+$0x10];
	_ =	sdelay $0x1  }
0x35: {  	s31 =	simm.s32 $0x400  }
0x36: {  	s29 =	sand.u32 $0x3E000, s31;
	s28 =	simm.s32 $0x80  }
0x37: {  	s29 =	sshrl.u32 s29, $0x2;
	s26 =	simm.s32 $0xD480;
	s28 =	sand.u32 $0x380, s28  }
0x38: {  	s29 =	sor.u32 s28, s29;
	[tilespmem:s26+$0x0] =	vst v0  }
0x39: {  	v0 =	vld [tilespmem:s29+$0x10]  }
0x3a: {  	s28 =	simm.s32 $0x800;
	s29 =	simm.s32 $0x100  }
.LBB2_4:
0x3b: {  	s30 =	sand.u32 $0x3E000, s28  }
0x3c: {  	p2 =	sne.s32 s28, $0x31C00;
	s28 =	sadd.s32 $0x400, s28;
	s31 =	sand.u32 $0x380, s29  }
.Ltmp1:
0x3d: {  	s26 =	sadd.s32 $0x10, s26;
	s30 =	sshrl.u32 s30, $0x2;
	(pc) =	sbr.rel @p2 .LBB2_4-.Ltmp1, $3  }
0x3e: {  	s30 =	sor.u32 s31, s30;
	[tilespmem:s26+$0x0] =	vst v0  }
0x3f: {  	v0 =	vld [tilespmem:s30+$0x10];
	_ =	sdelay $0x1  }
0x40: {  	s29 =	sadd.s32 $0x80, s29  }
0x41: {  	_ = 	snop  }
0x42: {  	s26 =	sadd.s32 $0x10, s26  }
0x43: {  	[tilespmem:s26+$0x0] =	vst v0  }
0x44: {  	[tilespmem:s20], [sflag:$0x2] =	stream.indirect.gather [spmem:s4], $0x1, s19, s16, $0xb8;
	[tilespmem:$0x1F028] =	vst v63  }
0x45: {  	_ =	swait.ge [sflag:s21], $0xC80  }
0x46: {  	[sflag:s21] =	ssyncset.done $0x0  }
0x47: {  	s28 =	simm.s32 $0xE120;
	[sflag:s21] =	ssyncadd.s32 $0xFFFFF380  }
0x48: {  	v1 =	vld [tilespmem:s28+$0xFFFFFFE0];
	_ =	sdelay $0x1  }
0x49: {  	v5 =	vld [tilespmem:s28+$0xFFFFFFF0];
	_ =	sdelay $0x1  }
0x4a: {  	v0 =	vld [tilespmem:s28+$0x0]  }
0x4b: {  	v3 =	vimm.f32 $0.0e+00;
	v2 =	vshll.u32 v1, $0x10;
	v1 =	vand.u32 $0xFFFF0000, v1  }
0x4c: {  	v2 =	vadd.f32 v2, v3;
	v3 =	vadd.f32 v1, v3;
	v1 =	vld [tilespmem:s28+$0x10]  }
0x4d: {  	s26 =	simm.s32 $0x0;
	v4 =	vshll.u32 v5, $0x10;
	v5 =	vand.u32 $0xFFFF0000, v5;
	s28 =	simm.s32 $0xE160  }
.LBB2_6:
0x4e: {  	v6 =	vld [tilespmem:s28+$0xFFFFFFE0];
	s26 =	sadd.s32 $0x4, s26;
	v2 =	vadd.f32 v4, v2;
	v3 =	vadd.f32 v5, v3  }
0x4f: {  	p2 =	slt.u32 s26, $0xC4;
	v4 =	vshll.u32 v0, $0x10;
	v0 =	vand.u32 $0xFFFF0000, v0  }
0x50: {  	v5 =	vld [tilespmem:s28+$0xFFFFFFF0];
	v2 =	vadd.f32 v4, v2;
	v3 =	vadd.f32 v0, v3  }
.Ltmp2:
0x51: {  	v4 =	vshll.u32 v1, $0x10;
	v1 =	vand.u32 $0xFFFF0000, v1;
	(pc) =	sbr.rel @p2 .LBB2_6-.Ltmp2, $4  }
0x52: {  	v0 =	vld [tilespmem:s28+$0x0];
	v2 =	vadd.f32 v4, v2;
	v1 =	vadd.f32 v1, v3  }
0x53: {  	v3 =	vshll.u32 v6, $0x10;
	v4 =	vand.u32 $0xFFFF0000, v6  }
0x54: {  	v2 =	vadd.f32 v3, v2;
	v3 =	vadd.f32 v4, v1;
	v1 =	vld [tilespmem:s28+$0x10]  }
0x55: {  	s28 =	sadd.s32 $0x40, s28;
	v4 =	vshll.u32 v5, $0x10;
	v5 =	vand.u32 $0xFFFF0000, v5  }
0x56: {  	v2 =	vadd.f32 v4, v2  }
0x57: {  	v3 =	vadd.f32 v5, v3;
	v63 =	vshll.u32 v0, $0x10  }
0x58: {  	v0 =	vand.u32 $0xFFFF0000, v0;
	v2 =	vadd.f32 v63, v2  }
0x59: {  	v0 =	vadd.f32 v0, v3;
	v3 =	vshll.u32 v1, $0x10  }
0x5a: {  	s26 =	simm.s32 $0x0;
	v1 =	vand.u32 $0xFFFF0000, v1;
	v2 =	vadd.f32 v3, v2  }
0x5b: {  	s28 =	sand.u32 $0x3E000, s26;
	v0 =	vadd.f32 v1, v0  }
0x5c: {  	s26 =	sand.u32 $0x380, s26;
	s28 =	sshrl.u32 s28, $0x2;
	[tilespmem:$0xFA00] =	vst v2  }
0x5d: {  	s26 =	sor.u32 s26, s28;
	[tilespmem:$0xFB00] =	vst v0  }
0x5e: {  	v0 =	vld [tilespmem:s26+$0x20];
	_ =	sdelay $0x1  }
0x5f: {  	s31 =	simm.s32 $0x400  }
0x60: {  	s29 =	sand.u32 $0x3E000, s31;
	s28 =	simm.s32 $0x80  }
0x61: {  	s29 =	sshrl.u32 s29, $0x2;
	s28 =	sand.u32 $0x380, s28;
	s26 =	simm.s32 $0xC800  }
0x62: {  	s29 =	sor.u32 s28, s29;
	[tilespmem:s26+$0x0] =	vst v0  }
0x63: {  	v0 =	vld [tilespmem:s29+$0x20]  }
0x64: {  	s28 =	simm.s32 $0x800;
	s29 =	simm.s32 $0x100  }
.LBB2_8:
0x65: {  	s30 =	sand.u32 $0x3E000, s28  }
0x66: {  	p2 =	sne.s32 s28, $0x31C00;
	s28 =	sadd.s32 $0x400, s28;
	s31 =	sand.u32 $0x380, s29  }
.Ltmp3:
0x67: {  	s26 =	sadd.s32 $0x10, s26;
	s30 =	sshrl.u32 s30, $0x2;
	(pc) =	sbr.rel @p2 .LBB2_8-.Ltmp3, $3  }
0x68: {  	s30 =	sor.u32 s31, s30;
	[tilespmem:s26+$0x0] =	vst v0  }
0x69: {  	v0 =	vld [tilespmem:s30+$0x20];
	_ =	sdelay $0x1  }
0x6a: {  	s29 =	sadd.s32 $0x80, s29  }
0x6b: {  	_ = 	snop  }
0x6c: {  	s26 =	sadd.s32 $0x10, s26  }
0x6d: {  	[tilespmem:s26+$0x0] =	vst v0  }
0x6e: {  	[tilespmem:s18], [sflag:$0x1] =	stream.indirect.gather [spmem:s4], $0x1, s17, s16, $0xb8;
	[tilespmem:$0x1F028] =	vst v63  }
0x6f: {  	_ =	swait.ge [sflag:s22], $0xC80  }
0x70: {  	[sflag:s22] =	ssyncset.done $0x0  }
0x71: {  	s28 =	simm.s32 $0xEDA0;
	[sflag:s22] =	ssyncadd.s32 $0xFFFFF380  }
0x72: {  	v1 =	vld [tilespmem:s28+$0xFFFFFFE0];
	_ =	sdelay $0x1  }
0x73: {  	v5 =	vld [tilespmem:s28+$0xFFFFFFF0];
	_ =	sdelay $0x1  }
0x74: {  	v0 =	vld [tilespmem:s28+$0x0]  }
0x75: {  	v3 =	vimm.f32 $0.0e+00;
	v2 =	vshll.u32 v1, $0x10;
	v1 =	vand.u32 $0xFFFF0000, v1  }
0x76: {  	v2 =	vadd.f32 v2, v3;
	v3 =	vadd.f32 v1, v3;
	v1 =	vld [tilespmem:s28+$0x10]  }
0x77: {  	s26 =	simm.s32 $0x0;
	v4 =	vshll.u32 v5, $0x10;
	v5 =	vand.u32 $0xFFFF0000, v5;
	s28 =	simm.s32 $0xEDE0  }
.LBB2_10:
0x78: {  	v6 =	vld [tilespmem:s28+$0xFFFFFFE0];
	s26 =	sadd.s32 $0x4, s26;
	v2 =	vadd.f32 v4, v2;
	v3 =	vadd.f32 v5, v3  }
0x79: {  	p2 =	slt.u32 s26, $0xC4;
	v4 =	vshll.u32 v0, $0x10;
	v0 =	vand.u32 $0xFFFF0000, v0  }
0x7a: {  	v5 =	vld [tilespmem:s28+$0xFFFFFFF0];
	v2 =	vadd.f32 v4, v2;
	v3 =	vadd.f32 v0, v3  }
.Ltmp4:
0x7b: {  	v4 =	vshll.u32 v1, $0x10;
	v1 =	vand.u32 $0xFFFF0000, v1;
	(pc) =	sbr.rel @p2 .LBB2_10-.Ltmp4, $4  }
0x7c: {  	v0 =	vld [tilespmem:s28+$0x0];
	v2 =	vadd.f32 v4, v2;
	v1 =	vadd.f32 v1, v3  }
0x7d: {  	v3 =	vshll.u32 v6, $0x10;
	v4 =	vand.u32 $0xFFFF0000, v6  }
0x7e: {  	v2 =	vadd.f32 v3, v2;
	v3 =	vadd.f32 v4, v1;
	v1 =	vld [tilespmem:s28+$0x10]  }
0x7f: {  	s28 =	sadd.s32 $0x40, s28;
	v4 =	vshll.u32 v5, $0x10;
	v5 =	vand.u32 $0xFFFF0000, v5  }
0x80: {  	v2 =	vadd.f32 v4, v2  }
0x81: {  	v3 =	vadd.f32 v5, v3;
	v63 =	vshll.u32 v0, $0x10  }
0x82: {  	v0 =	vand.u32 $0xFFFF0000, v0;
	v2 =	vadd.f32 v63, v2  }
0x83: {  	v0 =	vadd.f32 v0, v3;
	v3 =	vshll.u32 v1, $0x10  }
0x84: {  	s26 =	simm.s32 $0x0;
	v1 =	vand.u32 $0xFFFF0000, v1;
	v2 =	vadd.f32 v3, v2  }
0x85: {  	s28 =	sand.u32 $0x3E000, s26;
	v0 =	vadd.f32 v1, v0  }
0x86: {  	s26 =	sand.u32 $0x380, s26;
	s28 =	sshrl.u32 s28, $0x2;
	[tilespmem:$0xFA10] =	vst v2  }
0x87: {  	s26 =	sor.u32 s26, s28;
	[tilespmem:$0xFB10] =	vst v0  }
0x88: {  	v0 =	vld [tilespmem:s26+$0x30];
	_ =	sdelay $0x1  }
0x89: {  	s31 =	simm.s32 $0x400  }
0x8a: {  	s29 =	sand.u32 $0x3E000, s31;
	s28 =	simm.s32 $0x80  }
0x8b: {  	s29 =	sshrl.u32 s29, $0x2;
	s28 =	sand.u32 $0x380, s28;
	s26 =	simm.s32 $0xD480  }
0x8c: {  	s29 =	sor.u32 s28, s29;
	[tilespmem:s26+$0x0] =	vst v0  }
0x8d: {  	v0 =	vld [tilespmem:s29+$0x30]  }
0x8e: {  	s28 =	simm.s32 $0x800;
	s29 =	simm.s32 $0x100  }
.LBB2_12:
0x8f: {  	s30 =	sand.u32 $0x3E000, s28  }
0x90: {  	p2 =	sne.s32 s28, $0x31C00;
	s28 =	sadd.s32 $0x400, s28;
	s31 =	sand.u32 $0x380, s29  }
.Ltmp5:
0x91: {  	s26 =	sadd.s32 $0x10, s26;
	s30 =	sshrl.u32 s30, $0x2;
	(pc) =	sbr.rel @p2 .LBB2_12-.Ltmp5, $3  }
0x92: {  	s30 =	sor.u32 s31, s30;
	[tilespmem:s26+$0x0] =	vst v0  }
0x93: {  	v0 =	vld [tilespmem:s30+$0x30];
	_ =	sdelay $0x1  }
0x94: {  	s29 =	sadd.s32 $0x80, s29  }
0x95: {  	_ = 	snop  }
0x96: {  	s26 =	sadd.s32 $0x10, s26  }
0x97: {  	[tilespmem:s26+$0x0] =	vst v0  }
0x98: {  	[tilespmem:s20], [sflag:$0x2] =	stream.indirect.gather [spmem:s4], $0x1, s19, s16, $0xb8;
	[tilespmem:$0x1F028] =	vst v63  }
0x99: {  	_ =	swait.ge [sflag:s21], $0xC80  }
0x9a: {  	[sflag:s21] =	ssyncset.done $0x0  }
0x9b: {  	s28 =	simm.s32 $0xE120;
	[sflag:s21] =	ssyncadd.s32 $0xFFFFF380  }
0x9c: {  	v1 =	vld [tilespmem:s28+$0xFFFFFFE0];
	_ =	sdelay $0x1  }
0x9d: {  	v5 =	vld [tilespmem:s28+$0xFFFFFFF0];
	_ =	sdelay $0x1  }
0x9e: {  	v0 =	vld [tilespmem:s28+$0x0]  }
0x9f: {  	v3 =	vimm.f32 $0.0e+00;
	v2 =	vshll.u32 v1, $0x10;
	v1 =	vand.u32 $0xFFFF0000, v1  }
0xa0: {  	v2 =	vadd.f32 v2, v3;
	v3 =	vadd.f32 v1, v3;
	v1 =	vld [tilespmem:s28+$0x10]  }
0xa1: {  	s26 =	simm.s32 $0x0;
	v4 =	vshll.u32 v5, $0x10;
	v5 =	vand.u32 $0xFFFF0000, v5;
	s28 =	simm.s32 $0xE160  }
.LBB2_14:
0xa2: {  	v6 =	vld [tilespmem:s28+$0xFFFFFFE0];
	s26 =	sadd.s32 $0x4, s26;
	v2 =	vadd.f32 v4, v2;
	v3 =	vadd.f32 v5, v3  }
0xa3: {  	p2 =	slt.u32 s26, $0xC4;
	v4 =	vshll.u32 v0, $0x10;
	v0 =	vand.u32 $0xFFFF0000, v0  }
0xa4: {  	v5 =	vld [tilespmem:s28+$0xFFFFFFF0];
	v2 =	vadd.f32 v4, v2;
	v3 =	vadd.f32 v0, v3  }
.Ltmp6:
0xa5: {  	v4 =	vshll.u32 v1, $0x10;
	v1 =	vand.u32 $0xFFFF0000, v1;
	(pc) =	sbr.rel @p2 .LBB2_14-.Ltmp6, $4  }
0xa6: {  	v0 =	vld [tilespmem:s28+$0x0];
	v2 =	vadd.f32 v4, v2;
	v1 =	vadd.f32 v1, v3  }
0xa7: {  	v3 =	vshll.u32 v6, $0x10;
	v4 =	vand.u32 $0xFFFF0000, v6  }
0xa8: {  	v2 =	vadd.f32 v3, v2;
	v3 =	vadd.f32 v4, v1;
	v1 =	vld [tilespmem:s28+$0x10]  }
0xa9: {  	s28 =	sadd.s32 $0x40, s28;
	v4 =	vshll.u32 v5, $0x10;
	v5 =	vand.u32 $0xFFFF0000, v5  }
0xaa: {  	v2 =	vadd.f32 v4, v2  }
0xab: {  	v3 =	vadd.f32 v5, v3;
	v63 =	vshll.u32 v0, $0x10  }
0xac: {  	v0 =	vand.u32 $0xFFFF0000, v0;
	v2 =	vadd.f32 v63, v2  }
0xad: {  	v0 =	vadd.f32 v0, v3;
	v3 =	vshll.u32 v1, $0x10  }
0xae: {  	s26 =	simm.s32 $0x0;
	v1 =	vand.u32 $0xFFFF0000, v1;
	v2 =	vadd.f32 v3, v2  }
0xaf: {  	s28 =	sand.u32 $0x3E000, s26;
	v0 =	vadd.f32 v1, v0  }
0xb0: {  	s26 =	sand.u32 $0x380, s26;
	s28 =	sshrl.u32 s28, $0x2;
	[tilespmem:$0xFA20] =	vst v2  }
0xb1: {  	s26 =	sor.u32 s26, s28;
	[tilespmem:$0xFB20] =	vst v0  }
0xb2: {  	v0 =	vld [tilespmem:s26+$0x40];
	_ =	sdelay $0x1  }
0xb3: {  	s31 =	simm.s32 $0x400  }
0xb4: {  	s29 =	sand.u32 $0x3E000, s31;
	s28 =	simm.s32 $0x80  }
0xb5: {  	s29 =	sshrl.u32 s29, $0x2;
	s28 =	sand.u32 $0x380, s28;
	s26 =	simm.s32 $0xC800  }
0xb6: {  	s29 =	sor.u32 s28, s29;
	[tilespmem:s26+$0x0] =	vst v0  }
0xb7: {  	v0 =	vld [tilespmem:s29+$0x40]  }
0xb8: {  	s28 =	simm.s32 $0x800;
	s29 =	simm.s32 $0x100  }
.LBB2_16:
0xb9: {  	s30 =	sand.u32 $0x3E000, s28  }
0xba: {  	p2 =	sne.s32 s28, $0x31C00;
	s28 =	sadd.s32 $0x400, s28;
	s31 =	sand.u32 $0x380, s29  }
.Ltmp7:
0xbb: {  	s26 =	sadd.s32 $0x10, s26;
	s30 =	sshrl.u32 s30, $0x2;
	(pc) =	sbr.rel @p2 .LBB2_16-.Ltmp7, $3  }
0xbc: {  	s30 =	sor.u32 s31, s30;
	[tilespmem:s26+$0x0] =	vst v0  }
0xbd: {  	v0 =	vld [tilespmem:s30+$0x40];
	_ =	sdelay $0x1  }
0xbe: {  	s29 =	sadd.s32 $0x80, s29  }
0xbf: {  	_ = 	snop  }
0xc0: {  	s26 =	sadd.s32 $0x10, s26  }
0xc1: {  	[tilespmem:s26+$0x0] =	vst v0  }
0xc2: {  	[tilespmem:s18], [sflag:$0x1] =	stream.indirect.gather [spmem:s4], $0x1, s17, s16, $0xb8;
	[tilespmem:$0x1F028] =	vst v63  }
0xc3: {  	_ =	swait.ge [sflag:s22], $0xC80  }
0xc4: {  	[sflag:s22] =	ssyncset.done $0x0  }
0xc5: {  	s28 =	simm.s32 $0xEDA0;
	[sflag:s22] =	ssyncadd.s32 $0xFFFFF380  }
0xc6: {  	v1 =	vld [tilespmem:s28+$0xFFFFFFE0];
	_ =	sdelay $0x1  }
0xc7: {  	v5 =	vld [tilespmem:s28+$0xFFFFFFF0];
	_ =	sdelay $0x1  }
0xc8: {  	v0 =	vld [tilespmem:s28+$0x0]  }
0xc9: {  	v3 =	vimm.f32 $0.0e+00;
	v2 =	vshll.u32 v1, $0x10;
	v1 =	vand.u32 $0xFFFF0000, v1  }
0xca: {  	v2 =	vadd.f32 v2, v3;
	v3 =	vadd.f32 v1, v3;
	v1 =	vld [tilespmem:s28+$0x10]  }
0xcb: {  	s26 =	simm.s32 $0x0;
	v4 =	vshll.u32 v5, $0x10;
	v5 =	vand.u32 $0xFFFF0000, v5;
	s28 =	simm.s32 $0xEDE0  }
.LBB2_18:
0xcc: {  	v6 =	vld [tilespmem:s28+$0xFFFFFFE0];
	s26 =	sadd.s32 $0x4, s26;
	v2 =	vadd.f32 v4, v2;
	v3 =	vadd.f32 v5, v3  }
0xcd: {  	p2 =	slt.u32 s26, $0xC4;
	v4 =	vshll.u32 v0, $0x10;
	v0 =	vand.u32 $0xFFFF0000, v0  }
0xce: {  	v5 =	vld [tilespmem:s28+$0xFFFFFFF0];
	v2 =	vadd.f32 v4, v2;
	v3 =	vadd.f32 v0, v3  }
.Ltmp8:
0xcf: {  	v4 =	vshll.u32 v1, $0x10;
	v1 =	vand.u32 $0xFFFF0000, v1;
	(pc) =	sbr.rel @p2 .LBB2_18-.Ltmp8, $4  }
0xd0: {  	v0 =	vld [tilespmem:s28+$0x0];
	v2 =	vadd.f32 v4, v2;
	v1 =	vadd.f32 v1, v3  }
0xd1: {  	v3 =	vshll.u32 v6, $0x10;
	v4 =	vand.u32 $0xFFFF0000, v6  }
0xd2: {  	v2 =	vadd.f32 v3, v2;
	v3 =	vadd.f32 v4, v1;
	v1 =	vld [tilespmem:s28+$0x10]  }
0xd3: {  	s28 =	sadd.s32 $0x40, s28;
	v4 =	vshll.u32 v5, $0x10;
	v5 =	vand.u32 $0xFFFF0000, v5  }
0xd4: {  	v2 =	vadd.f32 v4, v2  }
0xd5: {  	v3 =	vadd.f32 v5, v3;
	v63 =	vshll.u32 v0, $0x10  }
0xd6: {  	v0 =	vand.u32 $0xFFFF0000, v0;
	v2 =	vadd.f32 v63, v2  }
0xd7: {  	v0 =	vadd.f32 v0, v3;
	v3 =	vshll.u32 v1, $0x10  }
0xd8: {  	s26 =	simm.s32 $0x0;
	v1 =	vand.u32 $0xFFFF0000, v1;
	v2 =	vadd.f32 v3, v2  }
0xd9: {  	s28 =	sand.u32 $0x3E000, s26;
	v0 =	vadd.f32 v1, v0  }
0xda: {  	s26 =	sand.u32 $0x380, s26;
	s28 =	sshrl.u32 s28, $0x2;
	[tilespmem:$0xFA30] =	vst v2  }
0xdb: {  	s26 =	sor.u32 s26, s28;
	[tilespmem:$0xFB30] =	vst v0  }
0xdc: {  	v0 =	vld [tilespmem:s26+$0x50];
	_ =	sdelay $0x1  }
0xdd: {  	s31 =	simm.s32 $0x400  }
0xde: {  	s29 =	sand.u32 $0x3E000, s31;
	s28 =	simm.s32 $0x80  }
0xdf: {  	s29 =	sshrl.u32 s29, $0x2;
	s28 =	sand.u32 $0x380, s28;
	s26 =	simm.s32 $0xD480  }
0xe0: {  	s29 =	sor.u32 s28, s29;
	[tilespmem:s26+$0x0] =	vst v0  }
0xe1: {  	v0 =	vld [tilespmem:s29+$0x50]  }
0xe2: {  	s28 =	simm.s32 $0x800;
	s29 =	simm.s32 $0x100  }
.LBB2_20:
0xe3: {  	s30 =	sand.u32 $0x3E000, s28  }
0xe4: {  	p2 =	sne.s32 s28, $0x31C00;
	s28 =	sadd.s32 $0x400, s28;
	s31 =	sand.u32 $0x380, s29  }
.Ltmp9:
0xe5: {  	s26 =	sadd.s32 $0x10, s26;
	s30 =	sshrl.u32 s30, $0x2;
	(pc) =	sbr.rel @p2 .LBB2_20-.Ltmp9, $3  }
0xe6: {  	s30 =	sor.u32 s31, s30;
	[tilespmem:s26+$0x0] =	vst v0  }
0xe7: {  	v0 =	vld [tilespmem:s30+$0x50];
	_ =	sdelay $0x1  }
0xe8: {  	s29 =	sadd.s32 $0x80, s29  }
0xe9: {  	_ = 	snop  }
0xea: {  	s26 =	sadd.s32 $0x10, s26  }
0xeb: {  	[tilespmem:s26+$0x0] =	vst v0  }
0xec: {  	[tilespmem:s20], [sflag:$0x2] =	stream.indirect.gather [spmem:s4], $0x1, s19, s16, $0xb8;
	[tilespmem:$0x1F028] =	vst v63  }
0xed: {  	_ =	swait.ge [sflag:s21], $0xC80  }
0xee: {  	[sflag:s21] =	ssyncset.done $0x0  }
0xef: {  	s28 =	simm.s32 $0xE120;
	[sflag:s21] =	ssyncadd.s32 $0xFFFFF380  }
0xf0: {  	v1 =	vld [tilespmem:s28+$0xFFFFFFE0];
	_ =	sdelay $0x1  }
0xf1: {  	v5 =	vld [tilespmem:s28+$0xFFFFFFF0];
	_ =	sdelay $0x1  }
0xf2: {  	v0 =	vld [tilespmem:s28+$0x0]  }
0xf3: {  	v3 =	vimm.f32 $0.0e+00;
	v2 =	vshll.u32 v1, $0x10;
	v1 =	vand.u32 $0xFFFF0000, v1  }
0xf4: {  	v2 =	vadd.f32 v2, v3;
	v3 =	vadd.f32 v1, v3;
	v1 =	vld [tilespmem:s28+$0x10]  }
0xf5: {  	s26 =	simm.s32 $0x0;
	v4 =	vshll.u32 v5, $0x10;
	v5 =	vand.u32 $0xFFFF0000, v5;
	s28 =	simm.s32 $0xE160  }
.LBB2_22:
0xf6: {  	v6 =	vld [tilespmem:s28+$0xFFFFFFE0];
	s26 =	sadd.s32 $0x4, s26;
	v2 =	vadd.f32 v4, v2;
	v3 =	vadd.f32 v5, v3  }
0xf7: {  	p2 =	slt.u32 s26, $0xC4;
	v4 =	vshll.u32 v0, $0x10;
	v0 =	vand.u32 $0xFFFF0000, v0  }
0xf8: {  	v5 =	vld [tilespmem:s28+$0xFFFFFFF0];
	v2 =	vadd.f32 v4, v2;
	v3 =	vadd.f32 v0, v3  }
.Ltmp10:
0xf9: {  	v4 =	vshll.u32 v1, $0x10;
	v1 =	vand.u32 $0xFFFF0000, v1;
	(pc) =	sbr.rel @p2 .LBB2_22-.Ltmp10, $4  }
0xfa: {  	v0 =	vld [tilespmem:s28+$0x0];
	v2 =	vadd.f32 v4, v2;
	v1 =	vadd.f32 v1, v3  }
0xfb: {  	v3 =	vshll.u32 v6, $0x10;
	v4 =	vand.u32 $0xFFFF0000, v6  }
0xfc: {  	v2 =	vadd.f32 v3, v2;
	v3 =	vadd.f32 v4, v1;
	v1 =	vld [tilespmem:s28+$0x10]  }
0xfd: {  	s28 =	sadd.s32 $0x40, s28;
	v4 =	vshll.u32 v5, $0x10;
	v5 =	vand.u32 $0xFFFF0000, v5  }
0xfe: {  	v2 =	vadd.f32 v4, v2  }
0xff: {  	v3 =	vadd.f32 v5, v3;
	v63 =	vshll.u32 v0, $0x10  }
0x100: {  	v0 =	vand.u32 $0xFFFF0000, v0;
	v2 =	vadd.f32 v63, v2  }
0x101: {  	v0 =	vadd.f32 v0, v3;
	v3 =	vshll.u32 v1, $0x10  }
0x102: {  	s26 =	simm.s32 $0x0;
	v1 =	vand.u32 $0xFFFF0000, v1;
	v2 =	vadd.f32 v3, v2  }
0x103: {  	s28 =	sand.u32 $0x3E000, s26;
	v0 =	vadd.f32 v1, v0  }
0x104: {  	s26 =	sand.u32 $0x380, s26;
	s28 =	sshrl.u32 s28, $0x2;
	[tilespmem:$0xFA40] =	vst v2  }
0x105: {  	s26 =	sor.u32 s26, s28;
	[tilespmem:$0xFB40] =	vst v0  }
0x106: {  	v0 =	vld [tilespmem:s26+$0x60];
	_ =	sdelay $0x1  }
0x107: {  	s31 =	simm.s32 $0x400  }
0x108: {  	s29 =	sand.u32 $0x3E000, s31;
	s28 =	simm.s32 $0x80  }
0x109: {  	s29 =	sshrl.u32 s29, $0x2;
	s28 =	sand.u32 $0x380, s28;
	s26 =	simm.s32 $0xC800  }
0x10a: {  	s29 =	sor.u32 s28, s29;
	[tilespmem:s26+$0x0] =	vst v0  }
0x10b: {  	v0 =	vld [tilespmem:s29+$0x60]  }
0x10c: {  	s28 =	simm.s32 $0x800;
	s29 =	simm.s32 $0x100  }
.LBB2_24:
0x10d: {  	s30 =	sand.u32 $0x3E000, s28  }
0x10e: {  	p2 =	sne.s32 s28, $0x31C00;
	s28 =	sadd.s32 $0x400, s28;
	s31 =	sand.u32 $0x380, s29  }
.Ltmp11:
0x10f: {  	s26 =	sadd.s32 $0x10, s26;
	s30 =	sshrl.u32 s30, $0x2;
	(pc) =	sbr.rel @p2 .LBB2_24-.Ltmp11, $3  }
0x110: {  	s30 =	sor.u32 s31, s30;
	[tilespmem:s26+$0x0] =	vst v0  }
0x111: {  	v0 =	vld [tilespmem:s30+$0x60];
	_ =	sdelay $0x1  }
0x112: {  	s29 =	sadd.s32 $0x80, s29  }
0x113: {  	_ = 	snop  }
0x114: {  	s26 =	sadd.s32 $0x10, s26  }
0x115: {  	[tilespmem:s26+$0x0] =	vst v0  }
0x116: {  	[tilespmem:s18], [sflag:$0x1] =	stream.indirect.gather [spmem:s4], $0x1, s17, s16, $0xb8;
	[tilespmem:$0x1F028] =	vst v63  }
0x117: {  	_ =	swait.ge [sflag:s22], $0xC80  }
0x118: {  	[sflag:s22] =	ssyncset.done $0x0  }
0x119: {  	s28 =	simm.s32 $0xEDA0;
	[sflag:s22] =	ssyncadd.s32 $0xFFFFF380  }
0x11a: {  	v1 =	vld [tilespmem:s28+$0xFFFFFFE0];
	_ =	sdelay $0x1  }
0x11b: {  	v5 =	vld [tilespmem:s28+$0xFFFFFFF0];
	_ =	sdelay $0x1  }
0x11c: {  	v0 =	vld [tilespmem:s28+$0x0]  }
0x11d: {  	v3 =	vimm.f32 $0.0e+00;
	v2 =	vshll.u32 v1, $0x10;
	v1 =	vand.u32 $0xFFFF0000, v1  }
0x11e: {  	v2 =	vadd.f32 v2, v3;
	v3 =	vadd.f32 v1, v3;
	v1 =	vld [tilespmem:s28+$0x10]  }
0x11f: {  	s26 =	simm.s32 $0x0;
	v4 =	vshll.u32 v5, $0x10;
	v5 =	vand.u32 $0xFFFF0000, v5;
	s28 =	simm.s32 $0xEDE0  }
.LBB2_26:
0x120: {  	v6 =	vld [tilespmem:s28+$0xFFFFFFE0];
	s26 =	sadd.s32 $0x4, s26;
	v2 =	vadd.f32 v4, v2;
	v3 =	vadd.f32 v5, v3  }
0x121: {  	p2 =	slt.u32 s26, $0xC4;
	v4 =	vshll.u32 v0, $0x10;
	v0 =	vand.u32 $0xFFFF0000, v0  }
0x122: {  	v5 =	vld [tilespmem:s28+$0xFFFFFFF0];
	v2 =	vadd.f32 v4, v2;
	v3 =	vadd.f32 v0, v3  }
.Ltmp12:
0x123: {  	v4 =	vshll.u32 v1, $0x10;
	v1 =	vand.u32 $0xFFFF0000, v1;
	(pc) =	sbr.rel @p2 .LBB2_26-.Ltmp12, $4  }
0x124: {  	v0 =	vld [tilespmem:s28+$0x0];
	v2 =	vadd.f32 v4, v2;
	v1 =	vadd.f32 v1, v3  }
0x125: {  	v3 =	vshll.u32 v6, $0x10;
	v4 =	vand.u32 $0xFFFF0000, v6  }
0x126: {  	v2 =	vadd.f32 v3, v2;
	v3 =	vadd.f32 v4, v1;
	v1 =	vld [tilespmem:s28+$0x10]  }
0x127: {  	s28 =	sadd.s32 $0x40, s28;
	v4 =	vshll.u32 v5, $0x10;
	v5 =	vand.u32 $0xFFFF0000, v5  }
0x128: {  	v2 =	vadd.f32 v4, v2  }
0x129: {  	v3 =	vadd.f32 v5, v3;
	v63 =	vshll.u32 v0, $0x10  }
0x12a: {  	v0 =	vand.u32 $0xFFFF0000, v0;
	v2 =	vadd.f32 v63, v2  }
0x12b: {  	v0 =	vadd.f32 v0, v3;
	v3 =	vshll.u32 v1, $0x10  }
0x12c: {  	s26 =	simm.s32 $0x0;
	v1 =	vand.u32 $0xFFFF0000, v1;
	v2 =	vadd.f32 v3, v2  }
0x12d: {  	s28 =	sand.u32 $0x3E000, s26;
	v0 =	vadd.f32 v1, v0  }
0x12e: {  	s26 =	sand.u32 $0x380, s26;
	s28 =	sshrl.u32 s28, $0x2;
	[tilespmem:$0xFA50] =	vst v2  }
0x12f: {  	s26 =	sor.u32 s26, s28;
	[tilespmem:$0xFB50] =	vst v0  }
0x130: {  	v0 =	vld [tilespmem:s26+$0x70];
	_ =	sdelay $0x1  }
0x131: {  	s31 =	simm.s32 $0x400  }
0x132: {  	s29 =	sand.u32 $0x3E000, s31;
	s28 =	simm.s32 $0x80  }
0x133: {  	s29 =	sshrl.u32 s29, $0x2;
	s28 =	sand.u32 $0x380, s28;
	s26 =	simm.s32 $0xD480  }
0x134: {  	s29 =	sor.u32 s28, s29;
	[tilespmem:s26+$0x0] =	vst v0  }
0x135: {  	v0 =	vld [tilespmem:s29+$0x70]  }
0x136: {  	s28 =	simm.s32 $0x800;
	s29 =	simm.s32 $0x100  }
.LBB2_28:
0x137: {  	s30 =	sand.u32 $0x3E000, s28  }
0x138: {  	p2 =	sne.s32 s28, $0x31C00;
	s28 =	sadd.s32 $0x400, s28;
	s31 =	sand.u32 $0x380, s29  }
.Ltmp13:
0x139: {  	s26 =	sadd.s32 $0x10, s26;
	s30 =	sshrl.u32 s30, $0x2;
	(pc) =	sbr.rel @p2 .LBB2_28-.Ltmp13, $3  }
0x13a: {  	s30 =	sor.u32 s31, s30;
	[tilespmem:s26+$0x0] =	vst v0  }
0x13b: {  	v0 =	vld [tilespmem:s30+$0x70];
	_ =	sdelay $0x1  }
0x13c: {  	s29 =	sadd.s32 $0x80, s29  }
0x13d: {  	_ = 	snop  }
0x13e: {  	s26 =	sadd.s32 $0x10, s26  }
0x13f: {  	[tilespmem:s26+$0x0] =	vst v0  }
0x140: {  	[tilespmem:s20], [sflag:$0x2] =	stream.indirect.gather [spmem:s4], $0x1, s19, s16, $0xb8;
	[tilespmem:$0x1F028] =	vst v63  }
0x141: {  	_ =	swait.ge [sflag:s21], $0xC80  }
0x142: {  	[sflag:s21] =	ssyncset.done $0x0  }
0x143: {  	s28 =	simm.s32 $0xE120;
	[sflag:s21] =	ssyncadd.s32 $0xFFFFF380  }
0x144: {  	v1 =	vld [tilespmem:s28+$0xFFFFFFE0];
	_ =	sdelay $0x1  }
0x145: {  	v5 =	vld [tilespmem:s28+$0xFFFFFFF0];
	_ =	sdelay $0x1  }
0x146: {  	v0 =	vld [tilespmem:s28+$0x0]  }
0x147: {  	v3 =	vimm.f32 $0.0e+00;
	v2 =	vshll.u32 v1, $0x10;
	v1 =	vand.u32 $0xFFFF0000, v1  }
0x148: {  	v2 =	vadd.f32 v2, v3;
	v3 =	vadd.f32 v1, v3;
	v1 =	vld [tilespmem:s28+$0x10]  }
0x149: {  	s26 =	simm.s32 $0x0;
	v4 =	vshll.u32 v5, $0x10;
	v5 =	vand.u32 $0xFFFF0000, v5;
	s28 =	simm.s32 $0xE160  }
.LBB2_30:
0x14a: {  	v6 =	vld [tilespmem:s28+$0xFFFFFFE0];
	s26 =	sadd.s32 $0x4, s26;
	v2 =	vadd.f32 v4, v2;
	v3 =	vadd.f32 v5, v3  }
0x14b: {  	p2 =	slt.u32 s26, $0xC4;
	v4 =	vshll.u32 v0, $0x10;
	v0 =	vand.u32 $0xFFFF0000, v0  }
0x14c: {  	v5 =	vld [tilespmem:s28+$0xFFFFFFF0];
	v2 =	vadd.f32 v4, v2;
	v3 =	vadd.f32 v0, v3  }
.Ltmp14:
0x14d: {  	v4 =	vshll.u32 v1, $0x10;
	v1 =	vand.u32 $0xFFFF0000, v1;
	(pc) =	sbr.rel @p2 .LBB2_30-.Ltmp14, $4  }
0x14e: {  	v0 =	vld [tilespmem:s28+$0x0];
	v2 =	vadd.f32 v4, v2;
	v1 =	vadd.f32 v1, v3  }
0x14f: {  	v3 =	vshll.u32 v6, $0x10;
	v4 =	vand.u32 $0xFFFF0000, v6  }
0x150: {  	v2 =	vadd.f32 v3, v2;
	v3 =	vadd.f32 v4, v1;
	v1 =	vld [tilespmem:s28+$0x10]  }
0x151: {  	s28 =	sadd.s32 $0x40, s28;
	v4 =	vshll.u32 v5, $0x10;
	v5 =	vand.u32 $0xFFFF0000, v5  }
0x152: {  	v2 =	vadd.f32 v4, v2  }
0x153: {  	v3 =	vadd.f32 v5, v3;
	v63 =	vshll.u32 v0, $0x10  }
0x154: {  	v0 =	vand.u32 $0xFFFF0000, v0;
	v2 =	vadd.f32 v63, v2  }
0x155: {  	v0 =	vadd.f32 v0, v3;
	v3 =	vshll.u32 v1, $0x10  }
0x156: {  	s26 =	simm.s32 $0x0;
	v1 =	vand.u32 $0xFFFF0000, v1;
	v2 =	vadd.f32 v3, v2  }
0x157: {  	s28 =	sand.u32 $0x3E000, s26;
	v0 =	vadd.f32 v1, v0  }
0x158: {  	s26 =	sand.u32 $0x380, s26;
	s28 =	sshrl.u32 s28, $0x2;
	[tilespmem:$0xFA60] =	vst v2  }
0x159: {  	s26 =	sor.u32 s26, s28;
	[tilespmem:$0xFB60] =	vst v0  }
0x15a: {  	v0 =	vld [tilespmem:s26+$0x400];
	_ =	sdelay $0x1  }
0x15b: {  	s31 =	simm.s32 $0x400  }
0x15c: {  	s29 =	sand.u32 $0x3E000, s31;
	s28 =	simm.s32 $0x80  }
0x15d: {  	s29 =	sshrl.u32 s29, $0x2;
	s28 =	sand.u32 $0x380, s28;
	s26 =	simm.s32 $0xC800  }
0x15e: {  	s29 =	sor.u32 s28, s29;
	[tilespmem:s26+$0x0] =	vst v0  }
0x15f: {  	v0 =	vld [tilespmem:s29+$0x400]  }
0x160: {  	s28 =	simm.s32 $0x800;
	s29 =	simm.s32 $0x100  }
.LBB2_32:
0x161: {  	s30 =	sand.u32 $0x3E000, s28  }
0x162: {  	p2 =	sne.s32 s28, $0x31C00;
	s28 =	sadd.s32 $0x400, s28;
	s31 =	sand.u32 $0x380, s29  }
.Ltmp15:
0x163: {  	s26 =	sadd.s32 $0x10, s26;
	s30 =	sshrl.u32 s30, $0x2;
	(pc) =	sbr.rel @p2 .LBB2_32-.Ltmp15, $3  }
0x164: {  	s30 =	sor.u32 s31, s30;
	[tilespmem:s26+$0x0] =	vst v0  }
0x165: {  	v0 =	vld [tilespmem:s30+$0x400];
	_ =	sdelay $0x1  }
0x166: {  	s29 =	sadd.s32 $0x80, s29  }
0x167: {  	_ = 	snop  }
0x168: {  	s26 =	sadd.s32 $0x10, s26  }
0x169: {  	[tilespmem:s26+$0x0] =	vst v0  }
0x16a: {  	[tilespmem:s18], [sflag:$0x1] =	stream.indirect.gather [spmem:s4], $0x1, s17, s16, $0xb8;
	[tilespmem:$0x1F028] =	vst v63  }
0x16b: {  	_ =	swait.ge [sflag:s22], $0xC80  }
0x16c: {  	[sflag:s22] =	ssyncset.done $0x0  }
0x16d: {  	s28 =	simm.s32 $0xEDA0;
	[sflag:s22] =	ssyncadd.s32 $0xFFFFF380  }
0x16e: {  	v1 =	vld [tilespmem:s28+$0xFFFFFFE0];
	_ =	sdelay $0x1  }
0x16f: {  	v5 =	vld [tilespmem:s28+$0xFFFFFFF0];
	_ =	sdelay $0x1  }
0x170: {  	v0 =	vld [tilespmem:s28+$0x0]  }
0x171: {  	v3 =	vimm.f32 $0.0e+00;
	v2 =	vshll.u32 v1, $0x10;
	v1 =	vand.u32 $0xFFFF0000, v1  }
0x172: {  	v2 =	vadd.f32 v2, v3;
	v3 =	vadd.f32 v1, v3;
	v1 =	vld [tilespmem:s28+$0x10]  }
0x173: {  	s26 =	simm.s32 $0x0;
	v4 =	vshll.u32 v5, $0x10;
	v5 =	vand.u32 $0xFFFF0000, v5;
	s28 =	simm.s32 $0xEDE0  }
.LBB2_34:
0x174: {  	v6 =	vld [tilespmem:s28+$0xFFFFFFE0];
	s26 =	sadd.s32 $0x4, s26;
	v2 =	vadd.f32 v4, v2;
	v3 =	vadd.f32 v5, v3  }
0x175: {  	p2 =	slt.u32 s26, $0xC4;
	v4 =	vshll.u32 v0, $0x10;
	v0 =	vand.u32 $0xFFFF0000, v0  }
0x176: {  	v5 =	vld [tilespmem:s28+$0xFFFFFFF0];
	v2 =	vadd.f32 v4, v2;
	v3 =	vadd.f32 v0, v3  }
.Ltmp16:
0x177: {  	v4 =	vshll.u32 v1, $0x10;
	v1 =	vand.u32 $0xFFFF0000, v1;
	(pc) =	sbr.rel @p2 .LBB2_34-.Ltmp16, $4  }
0x178: {  	v0 =	vld [tilespmem:s28+$0x0];
	v2 =	vadd.f32 v4, v2;
	v1 =	vadd.f32 v1, v3  }
0x179: {  	v3 =	vshll.u32 v6, $0x10;
	v4 =	vand.u32 $0xFFFF0000, v6  }
0x17a: {  	v2 =	vadd.f32 v3, v2;
	v3 =	vadd.f32 v4, v1;
	v1 =	vld [tilespmem:s28+$0x10]  }
0x17b: {  	s28 =	sadd.s32 $0x40, s28;
	v4 =	vshll.u32 v5, $0x10;
	v5 =	vand.u32 $0xFFFF0000, v5  }
0x17c: {  	v2 =	vadd.f32 v4, v2  }
0x17d: {  	v3 =	vadd.f32 v5, v3;
	v63 =	vshll.u32 v0, $0x10  }
0x17e: {  	v0 =	vand.u32 $0xFFFF0000, v0;
	v2 =	vadd.f32 v63, v2  }
0x17f: {  	v0 =	vadd.f32 v0, v3;
	v3 =	vshll.u32 v1, $0x10  }
0x180: {  	s26 =	simm.s32 $0x0;
	v1 =	vand.u32 $0xFFFF0000, v1;
	v2 =	vadd.f32 v3, v2  }
0x181: {  	s28 =	sand.u32 $0x3E000, s26;
	v0 =	vadd.f32 v1, v0  }
0x182: {  	s26 =	sand.u32 $0x380, s26;
	s28 =	sshrl.u32 s28, $0x2;
	[tilespmem:$0xFA70] =	vst v2  }
0x183: {  	s26 =	sor.u32 s26, s28;
	[tilespmem:$0xFB70] =	vst v0  }
0x184: {  	v0 =	vld [tilespmem:s26+$0x410];
	_ =	sdelay $0x1  }
0x185: {  	s31 =	simm.s32 $0x400  }
0x186: {  	s29 =	sand.u32 $0x3E000, s31;
	s28 =	simm.s32 $0x80  }
0x187: {  	s29 =	sshrl.u32 s29, $0x2;
	s28 =	sand.u32 $0x380, s28;
	s26 =	simm.s32 $0xD480  }
0x188: {  	s29 =	sor.u32 s28, s29;
	[tilespmem:s26+$0x0] =	vst v0  }
0x189: {  	v0 =	vld [tilespmem:s29+$0x410]  }
0x18a: {  	s28 =	simm.s32 $0x800;
	s29 =	simm.s32 $0x100  }
.LBB2_36:
0x18b: {  	s30 =	sand.u32 $0x3E000, s28  }
0x18c: {  	p2 =	sne.s32 s28, $0x31C00;
	s28 =	sadd.s32 $0x400, s28;
	s31 =	sand.u32 $0x380, s29  }
.Ltmp17:
0x18d: {  	s26 =	sadd.s32 $0x10, s26;
	s30 =	sshrl.u32 s30, $0x2;
	(pc) =	sbr.rel @p2 .LBB2_36-.Ltmp17, $3  }
0x18e: {  	s30 =	sor.u32 s31, s30;
	[tilespmem:s26+$0x0] =	vst v0  }
0x18f: {  	v0 =	vld [tilespmem:s30+$0x410];
	_ =	sdelay $0x1  }
0x190: {  	s29 =	sadd.s32 $0x80, s29  }
0x191: {  	_ = 	snop  }
0x192: {  	s26 =	sadd.s32 $0x10, s26  }
0x193: {  	[tilespmem:s26+$0x0] =	vst v0  }
0x194: {  	[tilespmem:s20], [sflag:$0x2] =	stream.indirect.gather [spmem:s4], $0x1, s19, s16, $0xb8;
	[tilespmem:$0x1F028] =	vst v63  }
0x195: {  	_ =	swait.ge [sflag:s21], $0xC80  }
0x196: {  	[sflag:s21] =	ssyncset.done $0x0  }
0x197: {  	s28 =	simm.s32 $0xE120;
	[sflag:s21] =	ssyncadd.s32 $0xFFFFF380  }
0x198: {  	v1 =	vld [tilespmem:s28+$0xFFFFFFE0];
	_ =	sdelay $0x1  }
0x199: {  	v5 =	vld [tilespmem:s28+$0xFFFFFFF0];
	_ =	sdelay $0x1  }
0x19a: {  	v0 =	vld [tilespmem:s28+$0x0]  }
0x19b: {  	v3 =	vimm.f32 $0.0e+00;
	v2 =	vshll.u32 v1, $0x10;
	v1 =	vand.u32 $0xFFFF0000, v1  }
0x19c: {  	v2 =	vadd.f32 v2, v3;
	v3 =	vadd.f32 v1, v3;
	v1 =	vld [tilespmem:s28+$0x10]  }
0x19d: {  	s26 =	simm.s32 $0x0;
	v4 =	vshll.u32 v5, $0x10;
	v5 =	vand.u32 $0xFFFF0000, v5;
	s28 =	simm.s32 $0xE160  }
.LBB2_38:
0x19e: {  	v6 =	vld [tilespmem:s28+$0xFFFFFFE0];
	s26 =	sadd.s32 $0x4, s26;
	v2 =	vadd.f32 v4, v2;
	v3 =	vadd.f32 v5, v3  }
0x19f: {  	p2 =	slt.u32 s26, $0xC4;
	v4 =	vshll.u32 v0, $0x10;
	v0 =	vand.u32 $0xFFFF0000, v0  }
0x1a0: {  	v5 =	vld [tilespmem:s28+$0xFFFFFFF0];
	v2 =	vadd.f32 v4, v2;
	v3 =	vadd.f32 v0, v3  }
.Ltmp18:
0x1a1: {  	v4 =	vshll.u32 v1, $0x10;
	v1 =	vand.u32 $0xFFFF0000, v1;
	(pc) =	sbr.rel @p2 .LBB2_38-.Ltmp18, $4  }
0x1a2: {  	v0 =	vld [tilespmem:s28+$0x0];
	v2 =	vadd.f32 v4, v2;
	v1 =	vadd.f32 v1, v3  }
0x1a3: {  	v3 =	vshll.u32 v6, $0x10;
	v4 =	vand.u32 $0xFFFF0000, v6  }
0x1a4: {  	v2 =	vadd.f32 v3, v2;
	v3 =	vadd.f32 v4, v1;
	v1 =	vld [tilespmem:s28+$0x10]  }
0x1a5: {  	s28 =	sadd.s32 $0x40, s28;
	v4 =	vshll.u32 v5, $0x10;
	v5 =	vand.u32 $0xFFFF0000, v5  }
0x1a6: {  	v2 =	vadd.f32 v4, v2  }
0x1a7: {  	v3 =	vadd.f32 v5, v3;
	v63 =	vshll.u32 v0, $0x10  }
0x1a8: {  	v0 =	vand.u32 $0xFFFF0000, v0;
	v2 =	vadd.f32 v63, v2  }
0x1a9: {  	v0 =	vadd.f32 v0, v3;
	v3 =	vshll.u32 v1, $0x10  }
0x1aa: {  	s26 =	simm.s32 $0x0;
	v1 =	vand.u32 $0xFFFF0000, v1;
	v2 =	vadd.f32 v3, v2  }
0x1ab: {  	s28 =	sand.u32 $0x3E000, s26;
	v0 =	vadd.f32 v1, v0  }
0x1ac: {  	s26 =	sand.u32 $0x380, s26;
	s28 =	sshrl.u32 s28, $0x2;
	[tilespmem:$0xFA80] =	vst v2  }
0x1ad: {  	s26 =	sor.u32 s26, s28;
	[tilespmem:$0xFB80] =	vst v0  }
0x1ae: {  	v0 =	vld [tilespmem:s26+$0x420];
	_ =	sdelay $0x1  }
0x1af: {  	s31 =	simm.s32 $0x400  }
0x1b0: {  	s29 =	sand.u32 $0x3E000, s31;
	s28 =	simm.s32 $0x80  }
0x1b1: {  	s29 =	sshrl.u32 s29, $0x2;
	s28 =	sand.u32 $0x380, s28;
	s26 =	simm.s32 $0xC800  }
0x1b2: {  	s29 =	sor.u32 s28, s29;
	[tilespmem:s26+$0x0] =	vst v0  }
0x1b3: {  	v0 =	vld [tilespmem:s29+$0x420]  }
0x1b4: {  	s28 =	simm.s32 $0x800;
	s29 =	simm.s32 $0x100  }
.LBB2_40:
0x1b5: {  	s30 =	sand.u32 $0x3E000, s28  }
0x1b6: {  	p2 =	sne.s32 s28, $0x31C00;
	s28 =	sadd.s32 $0x400, s28;
	s31 =	sand.u32 $0x380, s29  }
.Ltmp19:
0x1b7: {  	s26 =	sadd.s32 $0x10, s26;
	s30 =	sshrl.u32 s30, $0x2;
	(pc) =	sbr.rel @p2 .LBB2_40-.Ltmp19, $3  }
0x1b8: {  	s30 =	sor.u32 s31, s30;
	[tilespmem:s26+$0x0] =	vst v0  }
0x1b9: {  	v0 =	vld [tilespmem:s30+$0x420];
	_ =	sdelay $0x1  }
0x1ba: {  	s29 =	sadd.s32 $0x80, s29  }
0x1bb: {  	_ = 	snop  }
0x1bc: {  	s26 =	sadd.s32 $0x10, s26  }
0x1bd: {  	[tilespmem:s26+$0x0] =	vst v0  }
0x1be: {  	[tilespmem:s18], [sflag:$0x1] =	stream.indirect.gather [spmem:s4], $0x1, s17, s16, $0xb8;
	[tilespmem:$0x1F028] =	vst v63  }
0x1bf: {  	_ =	swait.ge [sflag:s22], $0xC80  }
0x1c0: {  	[sflag:s22] =	ssyncset.done $0x0  }
0x1c1: {  	s28 =	simm.s32 $0xEDA0;
	[sflag:s22] =	ssyncadd.s32 $0xFFFFF380  }
0x1c2: {  	v1 =	vld [tilespmem:s28+$0xFFFFFFE0];
	_ =	sdelay $0x1  }
0x1c3: {  	v5 =	vld [tilespmem:s28+$0xFFFFFFF0];
	_ =	sdelay $0x1  }
0x1c4: {  	v0 =	vld [tilespmem:s28+$0x0]  }
0x1c5: {  	v3 =	vimm.f32 $0.0e+00;
	v2 =	vshll.u32 v1, $0x10;
	v1 =	vand.u32 $0xFFFF0000, v1  }
0x1c6: {  	v2 =	vadd.f32 v2, v3;
	v3 =	vadd.f32 v1, v3;
	v1 =	vld [tilespmem:s28+$0x10]  }
0x1c7: {  	s26 =	simm.s32 $0x0;
	v4 =	vshll.u32 v5, $0x10;
	v5 =	vand.u32 $0xFFFF0000, v5;
	s28 =	simm.s32 $0xEDE0  }
.LBB2_42:
0x1c8: {  	v6 =	vld [tilespmem:s28+$0xFFFFFFE0];
	s26 =	sadd.s32 $0x4, s26;
	v2 =	vadd.f32 v4, v2;
	v3 =	vadd.f32 v5, v3  }
0x1c9: {  	p2 =	slt.u32 s26, $0xC4;
	v4 =	vshll.u32 v0, $0x10;
	v0 =	vand.u32 $0xFFFF0000, v0  }
0x1ca: {  	v5 =	vld [tilespmem:s28+$0xFFFFFFF0];
	v2 =	vadd.f32 v4, v2;
	v3 =	vadd.f32 v0, v3  }
.Ltmp20:
0x1cb: {  	v4 =	vshll.u32 v1, $0x10;
	v1 =	vand.u32 $0xFFFF0000, v1;
	(pc) =	sbr.rel @p2 .LBB2_42-.Ltmp20, $4  }
0x1cc: {  	v0 =	vld [tilespmem:s28+$0x0];
	v2 =	vadd.f32 v4, v2;
	v1 =	vadd.f32 v1, v3  }
0x1cd: {  	v3 =	vshll.u32 v6, $0x10;
	v4 =	vand.u32 $0xFFFF0000, v6  }
0x1ce: {  	v2 =	vadd.f32 v3, v2;
	v3 =	vadd.f32 v4, v1;
	v1 =	vld [tilespmem:s28+$0x10]  }
0x1cf: {  	s28 =	sadd.s32 $0x40, s28;
	v4 =	vshll.u32 v5, $0x10;
	v5 =	vand.u32 $0xFFFF0000, v5  }
0x1d0: {  	v2 =	vadd.f32 v4, v2  }
0x1d1: {  	v3 =	vadd.f32 v5, v3;
	v63 =	vshll.u32 v0, $0x10  }
0x1d2: {  	v0 =	vand.u32 $0xFFFF0000, v0;
	v2 =	vadd.f32 v63, v2  }
0x1d3: {  	v0 =	vadd.f32 v0, v3;
	v3 =	vshll.u32 v1, $0x10  }
0x1d4: {  	s26 =	simm.s32 $0x0;
	v1 =	vand.u32 $0xFFFF0000, v1;
	v2 =	vadd.f32 v3, v2  }
0x1d5: {  	s28 =	sand.u32 $0x3E000, s26;
	v0 =	vadd.f32 v1, v0  }
0x1d6: {  	s26 =	sand.u32 $0x380, s26;
	s28 =	sshrl.u32 s28, $0x2;
	[tilespmem:$0xFA90] =	vst v2  }
0x1d7: {  	s26 =	sor.u32 s26, s28;
	[tilespmem:$0xFB90] =	vst v0  }
0x1d8: {  	v0 =	vld [tilespmem:s26+$0x430];
	_ =	sdelay $0x1  }
0x1d9: {  	s31 =	simm.s32 $0x400  }
0x1da: {  	s29 =	sand.u32 $0x3E000, s31;
	s28 =	simm.s32 $0x80  }
0x1db: {  	s29 =	sshrl.u32 s29, $0x2;
	s28 =	sand.u32 $0x380, s28;
	s26 =	simm.s32 $0xD480  }
0x1dc: {  	s29 =	sor.u32 s28, s29;
	[tilespmem:s26+$0x0] =	vst v0  }
0x1dd: {  	v0 =	vld [tilespmem:s29+$0x430]  }
0x1de: {  	s28 =	simm.s32 $0x800;
	s29 =	simm.s32 $0x100  }
.LBB2_44:
0x1df: {  	s30 =	sand.u32 $0x3E000, s28  }
0x1e0: {  	p2 =	sne.s32 s28, $0x31C00;
	s28 =	sadd.s32 $0x400, s28;
	s31 =	sand.u32 $0x380, s29  }
.Ltmp21:
0x1e1: {  	s26 =	sadd.s32 $0x10, s26;
	s30 =	sshrl.u32 s30, $0x2;
	(pc) =	sbr.rel @p2 .LBB2_44-.Ltmp21, $3  }
0x1e2: {  	s30 =	sor.u32 s31, s30;
	[tilespmem:s26+$0x0] =	vst v0  }
0x1e3: {  	v0 =	vld [tilespmem:s30+$0x430];
	_ =	sdelay $0x1  }
0x1e4: {  	s29 =	sadd.s32 $0x80, s29  }
0x1e5: {  	_ = 	snop  }
0x1e6: {  	s26 =	sadd.s32 $0x10, s26  }
0x1e7: {  	[tilespmem:s26+$0x0] =	vst v0  }
0x1e8: {  	[tilespmem:s20], [sflag:$0x2] =	stream.indirect.gather [spmem:s4], $0x1, s19, s16, $0xb8;
	[tilespmem:$0x1F028] =	vst v63  }
0x1e9: {  	_ =	swait.ge [sflag:s21], $0xC80  }
0x1ea: {  	[sflag:s21] =	ssyncset.done $0x0  }
0x1eb: {  	s28 =	simm.s32 $0xE120;
	[sflag:s21] =	ssyncadd.s32 $0xFFFFF380  }
0x1ec: {  	v1 =	vld [tilespmem:s28+$0xFFFFFFE0];
	_ =	sdelay $0x1  }
0x1ed: {  	v5 =	vld [tilespmem:s28+$0xFFFFFFF0];
	_ =	sdelay $0x1  }
0x1ee: {  	v0 =	vld [tilespmem:s28+$0x0]  }
0x1ef: {  	v3 =	vimm.f32 $0.0e+00;
	v2 =	vshll.u32 v1, $0x10;
	v1 =	vand.u32 $0xFFFF0000, v1  }
0x1f0: {  	v2 =	vadd.f32 v2, v3;
	v3 =	vadd.f32 v1, v3;
	v1 =	vld [tilespmem:s28+$0x10]  }
0x1f1: {  	s26 =	simm.s32 $0x0;
	v4 =	vshll.u32 v5, $0x10;
	v5 =	vand.u32 $0xFFFF0000, v5;
	s28 =	simm.s32 $0xE160  }
.LBB2_46:
0x1f2: {  	v6 =	vld [tilespmem:s28+$0xFFFFFFE0];
	s26 =	sadd.s32 $0x4, s26;
	v2 =	vadd.f32 v4, v2;
	v3 =	vadd.f32 v5, v3  }
0x1f3: {  	p2 =	slt.u32 s26, $0xC4;
	v4 =	vshll.u32 v0, $0x10;
	v0 =	vand.u32 $0xFFFF0000, v0  }
0x1f4: {  	v5 =	vld [tilespmem:s28+$0xFFFFFFF0];
	v2 =	vadd.f32 v4, v2;
	v3 =	vadd.f32 v0, v3  }
.Ltmp22:
0x1f5: {  	v4 =	vshll.u32 v1, $0x10;
	v1 =	vand.u32 $0xFFFF0000, v1;
	(pc) =	sbr.rel @p2 .LBB2_46-.Ltmp22, $4  }
0x1f6: {  	v0 =	vld [tilespmem:s28+$0x0];
	v2 =	vadd.f32 v4, v2;
	v1 =	vadd.f32 v1, v3  }
0x1f7: {  	v3 =	vshll.u32 v6, $0x10;
	v4 =	vand.u32 $0xFFFF0000, v6  }
0x1f8: {  	v2 =	vadd.f32 v3, v2;
	v3 =	vadd.f32 v4, v1;
	v1 =	vld [tilespmem:s28+$0x10]  }
0x1f9: {  	s28 =	sadd.s32 $0x40, s28;
	v4 =	vshll.u32 v5, $0x10;
	v5 =	vand.u32 $0xFFFF0000, v5  }
0x1fa: {  	v2 =	vadd.f32 v4, v2  }
0x1fb: {  	v3 =	vadd.f32 v5, v3;
	v63 =	vshll.u32 v0, $0x10  }
0x1fc: {  	v0 =	vand.u32 $0xFFFF0000, v0;
	v2 =	vadd.f32 v63, v2  }
0x1fd: {  	v0 =	vadd.f32 v0, v3;
	v3 =	vshll.u32 v1, $0x10  }
0x1fe: {  	s26 =	simm.s32 $0x0;
	v1 =	vand.u32 $0xFFFF0000, v1;
	v2 =	vadd.f32 v3, v2  }
0x1ff: {  	s28 =	sand.u32 $0x3E000, s26;
	v0 =	vadd.f32 v1, v0  }
0x200: {  	s26 =	sand.u32 $0x380, s26;
	s28 =	sshrl.u32 s28, $0x2;
	[tilespmem:$0xFAA0] =	vst v2  }
0x201: {  	s26 =	sor.u32 s26, s28;
	[tilespmem:$0xFBA0] =	vst v0  }
0x202: {  	v0 =	vld [tilespmem:s26+$0x440];
	_ =	sdelay $0x1  }
0x203: {  	s31 =	simm.s32 $0x400  }
0x204: {  	s29 =	sand.u32 $0x3E000, s31;
	s28 =	simm.s32 $0x80  }
0x205: {  	s29 =	sshrl.u32 s29, $0x2;
	s28 =	sand.u32 $0x380, s28;
	s26 =	simm.s32 $0xC800  }
0x206: {  	s29 =	sor.u32 s28, s29;
	[tilespmem:s26+$0x0] =	vst v0  }
0x207: {  	v0 =	vld [tilespmem:s29+$0x440]  }
0x208: {  	s28 =	simm.s32 $0x800;
	s29 =	simm.s32 $0x100  }
.LBB2_48:
0x209: {  	s30 =	sand.u32 $0x3E000, s28  }
0x20a: {  	p2 =	sne.s32 s28, $0x31C00;
	s28 =	sadd.s32 $0x400, s28;
	s31 =	sand.u32 $0x380, s29  }
.Ltmp23:
0x20b: {  	s26 =	sadd.s32 $0x10, s26;
	s30 =	sshrl.u32 s30, $0x2;
	(pc) =	sbr.rel @p2 .LBB2_48-.Ltmp23, $3  }
0x20c: {  	s30 =	sor.u32 s31, s30;
	[tilespmem:s26+$0x0] =	vst v0  }
0x20d: {  	v0 =	vld [tilespmem:s30+$0x440];
	_ =	sdelay $0x1  }
0x20e: {  	s29 =	sadd.s32 $0x80, s29  }
0x20f: {  	_ = 	snop  }
0x210: {  	s26 =	sadd.s32 $0x10, s26  }
0x211: {  	[tilespmem:s26+$0x0] =	vst v0  }
0x212: {  	[tilespmem:s18], [sflag:$0x1] =	stream.indirect.gather [spmem:s4], $0x1, s17, s16, $0xb8;
	[tilespmem:$0x1F028] =	vst v63  }
0x213: {  	_ =	swait.ge [sflag:s22], $0xC80  }
0x214: {  	[sflag:s22] =	ssyncset.done $0x0  }
0x215: {  	s28 =	simm.s32 $0xEDA0;
	[sflag:s22] =	ssyncadd.s32 $0xFFFFF380  }
0x216: {  	v1 =	vld [tilespmem:s28+$0xFFFFFFE0];
	_ =	sdelay $0x1  }
0x217: {  	v5 =	vld [tilespmem:s28+$0xFFFFFFF0];
	_ =	sdelay $0x1  }
0x218: {  	v0 =	vld [tilespmem:s28+$0x0]  }
0x219: {  	v3 =	vimm.f32 $0.0e+00;
	v2 =	vshll.u32 v1, $0x10;
	v1 =	vand.u32 $0xFFFF0000, v1  }
0x21a: {  	v2 =	vadd.f32 v2, v3;
	v3 =	vadd.f32 v1, v3;
	v1 =	vld [tilespmem:s28+$0x10]  }
0x21b: {  	s26 =	simm.s32 $0x0;
	v4 =	vshll.u32 v5, $0x10;
	v5 =	vand.u32 $0xFFFF0000, v5;
	s28 =	simm.s32 $0xEDE0  }
.LBB2_50:
0x21c: {  	v6 =	vld [tilespmem:s28+$0xFFFFFFE0];
	s26 =	sadd.s32 $0x4, s26;
	v2 =	vadd.f32 v4, v2;
	v3 =	vadd.f32 v5, v3  }
0x21d: {  	p2 =	slt.u32 s26, $0xC4;
	v4 =	vshll.u32 v0, $0x10;
	v0 =	vand.u32 $0xFFFF0000, v0  }
0x21e: {  	v5 =	vld [tilespmem:s28+$0xFFFFFFF0];
	v2 =	vadd.f32 v4, v2;
	v3 =	vadd.f32 v0, v3  }
.Ltmp24:
0x21f: {  	v4 =	vshll.u32 v1, $0x10;
	v1 =	vand.u32 $0xFFFF0000, v1;
	(pc) =	sbr.rel @p2 .LBB2_50-.Ltmp24, $4  }
0x220: {  	v0 =	vld [tilespmem:s28+$0x0];
	v2 =	vadd.f32 v4, v2;
	v1 =	vadd.f32 v1, v3  }
0x221: {  	v3 =	vshll.u32 v6, $0x10;
	v4 =	vand.u32 $0xFFFF0000, v6  }
0x222: {  	v2 =	vadd.f32 v3, v2;
	v3 =	vadd.f32 v4, v1;
	v1 =	vld [tilespmem:s28+$0x10]  }
0x223: {  	s28 =	sadd.s32 $0x40, s28;
	v4 =	vshll.u32 v5, $0x10;
	v5 =	vand.u32 $0xFFFF0000, v5  }
0x224: {  	v2 =	vadd.f32 v4, v2  }
0x225: {  	v3 =	vadd.f32 v5, v3;
	v63 =	vshll.u32 v0, $0x10  }
0x226: {  	v0 =	vand.u32 $0xFFFF0000, v0;
	v2 =	vadd.f32 v63, v2  }
0x227: {  	v0 =	vadd.f32 v0, v3;
	v3 =	vshll.u32 v1, $0x10  }
0x228: {  	s26 =	simm.s32 $0x0;
	v1 =	vand.u32 $0xFFFF0000, v1;
	v2 =	vadd.f32 v3, v2  }
0x229: {  	s28 =	sand.u32 $0x3E000, s26;
	v0 =	vadd.f32 v1, v0  }
0x22a: {  	s26 =	sand.u32 $0x380, s26;
	s28 =	sshrl.u32 s28, $0x2;
	[tilespmem:$0xFAB0] =	vst v2  }
0x22b: {  	s26 =	sor.u32 s26, s28;
	[tilespmem:$0xFBB0] =	vst v0  }
0x22c: {  	v0 =	vld [tilespmem:s26+$0x450];
	_ =	sdelay $0x1  }
0x22d: {  	s31 =	simm.s32 $0x400  }
0x22e: {  	s29 =	sand.u32 $0x3E000, s31;
	s28 =	simm.s32 $0x80  }
0x22f: {  	s29 =	sshrl.u32 s29, $0x2;
	s28 =	sand.u32 $0x380, s28;
	s26 =	simm.s32 $0xD480  }
0x230: {  	s29 =	sor.u32 s28, s29;
	[tilespmem:s26+$0x0] =	vst v0  }
0x231: {  	v0 =	vld [tilespmem:s29+$0x450]  }
0x232: {  	s28 =	simm.s32 $0x800;
	s29 =	simm.s32 $0x100  }
.LBB2_52:
0x233: {  	s30 =	sand.u32 $0x3E000, s28  }
0x234: {  	p2 =	sne.s32 s28, $0x31C00;
	s28 =	sadd.s32 $0x400, s28;
	s31 =	sand.u32 $0x380, s29  }
.Ltmp25:
0x235: {  	s26 =	sadd.s32 $0x10, s26;
	s30 =	sshrl.u32 s30, $0x2;
	(pc) =	sbr.rel @p2 .LBB2_52-.Ltmp25, $3  }
0x236: {  	s30 =	sor.u32 s31, s30;
	[tilespmem:s26+$0x0] =	vst v0  }
0x237: {  	v0 =	vld [tilespmem:s30+$0x450];
	_ =	sdelay $0x1  }
0x238: {  	s29 =	sadd.s32 $0x80, s29  }
0x239: {  	_ = 	snop  }
0x23a: {  	s26 =	sadd.s32 $0x10, s26  }
0x23b: {  	[tilespmem:s26+$0x0] =	vst v0  }
0x23c: {  	[tilespmem:s20], [sflag:$0x2] =	stream.indirect.gather [spmem:s4], $0x1, s19, s16, $0xb8;
	[tilespmem:$0x1F028] =	vst v63  }
0x23d: {  	_ =	swait.ge [sflag:s21], $0xC80  }
0x23e: {  	[sflag:s21] =	ssyncset.done $0x0  }
0x23f: {  	s28 =	simm.s32 $0xE120;
	[sflag:s21] =	ssyncadd.s32 $0xFFFFF380  }
0x240: {  	v1 =	vld [tilespmem:s28+$0xFFFFFFE0];
	_ =	sdelay $0x1  }
0x241: {  	v5 =	vld [tilespmem:s28+$0xFFFFFFF0];
	_ =	sdelay $0x1  }
0x242: {  	v0 =	vld [tilespmem:s28+$0x0]  }
0x243: {  	v3 =	vimm.f32 $0.0e+00;
	v2 =	vshll.u32 v1, $0x10;
	v1 =	vand.u32 $0xFFFF0000, v1  }
0x244: {  	v2 =	vadd.f32 v2, v3;
	v3 =	vadd.f32 v1, v3;
	v1 =	vld [tilespmem:s28+$0x10]  }
0x245: {  	s26 =	simm.s32 $0x0;
	v4 =	vshll.u32 v5, $0x10;
	v5 =	vand.u32 $0xFFFF0000, v5;
	s28 =	simm.s32 $0xE160  }
.LBB2_54:
0x246: {  	v6 =	vld [tilespmem:s28+$0xFFFFFFE0];
	s26 =	sadd.s32 $0x4, s26;
	v2 =	vadd.f32 v4, v2;
	v3 =	vadd.f32 v5, v3  }
0x247: {  	p2 =	slt.u32 s26, $0xC4;
	v4 =	vshll.u32 v0, $0x10;
	v0 =	vand.u32 $0xFFFF0000, v0  }
0x248: {  	v5 =	vld [tilespmem:s28+$0xFFFFFFF0];
	v2 =	vadd.f32 v4, v2;
	v3 =	vadd.f32 v0, v3  }
.Ltmp26:
0x249: {  	v4 =	vshll.u32 v1, $0x10;
	v1 =	vand.u32 $0xFFFF0000, v1;
	(pc) =	sbr.rel @p2 .LBB2_54-.Ltmp26, $4  }
0x24a: {  	v0 =	vld [tilespmem:s28+$0x0];
	v2 =	vadd.f32 v4, v2;
	v1 =	vadd.f32 v1, v3  }
0x24b: {  	v3 =	vshll.u32 v6, $0x10;
	v4 =	vand.u32 $0xFFFF0000, v6  }
0x24c: {  	v2 =	vadd.f32 v3, v2;
	v3 =	vadd.f32 v4, v1;
	v1 =	vld [tilespmem:s28+$0x10]  }
0x24d: {  	s28 =	sadd.s32 $0x40, s28;
	v4 =	vshll.u32 v5, $0x10;
	v5 =	vand.u32 $0xFFFF0000, v5  }
0x24e: {  	v2 =	vadd.f32 v4, v2  }
0x24f: {  	v3 =	vadd.f32 v5, v3;
	v63 =	vshll.u32 v0, $0x10  }
0x250: {  	v0 =	vand.u32 $0xFFFF0000, v0;
	v2 =	vadd.f32 v63, v2  }
0x251: {  	v0 =	vadd.f32 v0, v3;
	v3 =	vshll.u32 v1, $0x10  }
0x252: {  	s26 =	simm.s32 $0x0;
	v1 =	vand.u32 $0xFFFF0000, v1;
	v2 =	vadd.f32 v3, v2  }
0x253: {  	s28 =	sand.u32 $0x3E000, s26;
	v0 =	vadd.f32 v1, v0  }
0x254: {  	s26 =	sand.u32 $0x380, s26;
	s28 =	sshrl.u32 s28, $0x2;
	[tilespmem:$0xFAC0] =	vst v2  }
0x255: {  	s26 =	sor.u32 s26, s28;
	[tilespmem:$0xFBC0] =	vst v0  }
0x256: {  	v0 =	vld [tilespmem:s26+$0x460];
	_ =	sdelay $0x1  }
0x257: {  	s31 =	simm.s32 $0x400  }
0x258: {  	s29 =	sand.u32 $0x3E000, s31;
	s28 =	simm.s32 $0x80  }
0x259: {  	s29 =	sshrl.u32 s29, $0x2;
	s28 =	sand.u32 $0x380, s28;
	s26 =	simm.s32 $0xC800  }
0x25a: {  	s29 =	sor.u32 s28, s29;
	[tilespmem:s26+$0x0] =	vst v0  }
0x25b: {  	v0 =	vld [tilespmem:s29+$0x460]  }
0x25c: {  	s28 =	simm.s32 $0x800;
	s29 =	simm.s32 $0x100  }
.LBB2_56:
0x25d: {  	s30 =	sand.u32 $0x3E000, s28  }
0x25e: {  	p2 =	sne.s32 s28, $0x31C00;
	s28 =	sadd.s32 $0x400, s28;
	s31 =	sand.u32 $0x380, s29  }
.Ltmp27:
0x25f: {  	s26 =	sadd.s32 $0x10, s26;
	s30 =	sshrl.u32 s30, $0x2;
	(pc) =	sbr.rel @p2 .LBB2_56-.Ltmp27, $3  }
0x260: {  	s30 =	sor.u32 s31, s30;
	[tilespmem:s26+$0x0] =	vst v0  }
0x261: {  	v0 =	vld [tilespmem:s30+$0x460];
	_ =	sdelay $0x1  }
0x262: {  	s29 =	sadd.s32 $0x80, s29  }
0x263: {  	_ = 	snop  }
0x264: {  	s26 =	sadd.s32 $0x10, s26  }
0x265: {  	[tilespmem:s26+$0x0] =	vst v0  }
0x266: {  	[tilespmem:s18], [sflag:$0x1] =	stream.indirect.gather [spmem:s4], $0x1, s17, s16, $0xb8;
	[tilespmem:$0x1F028] =	vst v63  }
0x267: {  	_ =	swait.ge [sflag:s22], $0xC80  }
0x268: {  	[sflag:s22] =	ssyncset.done $0x0  }
0x269: {  	s28 =	simm.s32 $0xEDA0;
	[sflag:s22] =	ssyncadd.s32 $0xFFFFF380  }
0x26a: {  	v1 =	vld [tilespmem:s28+$0xFFFFFFE0];
	_ =	sdelay $0x1  }
0x26b: {  	v5 =	vld [tilespmem:s28+$0xFFFFFFF0];
	_ =	sdelay $0x1  }
0x26c: {  	v0 =	vld [tilespmem:s28+$0x0]  }
0x26d: {  	v3 =	vimm.f32 $0.0e+00;
	v2 =	vshll.u32 v1, $0x10;
	v1 =	vand.u32 $0xFFFF0000, v1  }
0x26e: {  	v2 =	vadd.f32 v2, v3;
	v3 =	vadd.f32 v1, v3;
	v1 =	vld [tilespmem:s28+$0x10]  }
0x26f: {  	s26 =	simm.s32 $0x0;
	v4 =	vshll.u32 v5, $0x10;
	v5 =	vand.u32 $0xFFFF0000, v5;
	s28 =	simm.s32 $0xEDE0  }
.LBB2_58:
0x270: {  	v6 =	vld [tilespmem:s28+$0xFFFFFFE0];
	s26 =	sadd.s32 $0x4, s26;
	v2 =	vadd.f32 v4, v2;
	v3 =	vadd.f32 v5, v3  }
0x271: {  	p2 =	slt.u32 s26, $0xC4;
	v4 =	vshll.u32 v0, $0x10;
	v0 =	vand.u32 $0xFFFF0000, v0  }
0x272: {  	v5 =	vld [tilespmem:s28+$0xFFFFFFF0];
	v2 =	vadd.f32 v4, v2;
	v3 =	vadd.f32 v0, v3  }
.Ltmp28:
0x273: {  	v4 =	vshll.u32 v1, $0x10;
	v1 =	vand.u32 $0xFFFF0000, v1;
	(pc) =	sbr.rel @p2 .LBB2_58-.Ltmp28, $4  }
0x274: {  	v0 =	vld [tilespmem:s28+$0x0];
	v2 =	vadd.f32 v4, v2;
	v1 =	vadd.f32 v1, v3  }
0x275: {  	v3 =	vshll.u32 v6, $0x10;
	v4 =	vand.u32 $0xFFFF0000, v6  }
0x276: {  	v2 =	vadd.f32 v3, v2;
	v3 =	vadd.f32 v4, v1;
	v1 =	vld [tilespmem:s28+$0x10]  }
0x277: {  	s28 =	sadd.s32 $0x40, s28;
	v4 =	vshll.u32 v5, $0x10;
	v5 =	vand.u32 $0xFFFF0000, v5  }
0x278: {  	v2 =	vadd.f32 v4, v2  }
0x279: {  	v3 =	vadd.f32 v5, v3;
	v63 =	vshll.u32 v0, $0x10  }
0x27a: {  	v0 =	vand.u32 $0xFFFF0000, v0;
	v2 =	vadd.f32 v63, v2  }
0x27b: {  	v0 =	vadd.f32 v0, v3;
	v3 =	vshll.u32 v1, $0x10  }
0x27c: {  	s26 =	simm.s32 $0x0;
	v1 =	vand.u32 $0xFFFF0000, v1;
	v2 =	vadd.f32 v3, v2  }
0x27d: {  	s28 =	sand.u32 $0x3E000, s26;
	v0 =	vadd.f32 v1, v0  }
0x27e: {  	s26 =	sand.u32 $0x380, s26;
	s28 =	sshrl.u32 s28, $0x2;
	[tilespmem:$0xFAD0] =	vst v2  }
0x27f: {  	s26 =	sor.u32 s26, s28;
	[tilespmem:$0xFBD0] =	vst v0  }
0x280: {  	v0 =	vld [tilespmem:s26+$0x470];
	_ =	sdelay $0x1  }
0x281: {  	s31 =	simm.s32 $0x400  }
0x282: {  	s29 =	sand.u32 $0x3E000, s31;
	s28 =	simm.s32 $0x80  }
0x283: {  	s29 =	sshrl.u32 s29, $0x2;
	s28 =	sand.u32 $0x380, s28;
	s26 =	simm.s32 $0xD480  }
0x284: {  	s29 =	sor.u32 s28, s29;
	[tilespmem:s26+$0x0] =	vst v0  }
0x285: {  	v0 =	vld [tilespmem:s29+$0x470]  }
0x286: {  	s28 =	simm.s32 $0x800;
	s29 =	simm.s32 $0x100  }
.LBB2_60:
0x287: {  	s30 =	sand.u32 $0x3E000, s28  }
0x288: {  	p2 =	sne.s32 s28, $0x31C00;
	s28 =	sadd.s32 $0x400, s28;
	s31 =	sand.u32 $0x380, s29  }
.Ltmp29:
0x289: {  	s26 =	sadd.s32 $0x10, s26;
	s30 =	sshrl.u32 s30, $0x2;
	(pc) =	sbr.rel @p2 .LBB2_60-.Ltmp29, $3  }
0x28a: {  	s30 =	sor.u32 s31, s30;
	[tilespmem:s26+$0x0] =	vst v0  }
0x28b: {  	v0 =	vld [tilespmem:s30+$0x470];
	_ =	sdelay $0x1  }
0x28c: {  	s29 =	sadd.s32 $0x80, s29  }
0x28d: {  	_ = 	snop  }
0x28e: {  	s26 =	sadd.s32 $0x10, s26  }
0x28f: {  	[tilespmem:s26+$0x0] =	vst v0  }
0x290: {  	[tilespmem:s20], [sflag:$0x2] =	stream.indirect.gather [spmem:s4], $0x1, s19, s16, $0xb8;
	[tilespmem:$0x1F028] =	vst v63  }
0x291: {  	_ =	swait.ge [sflag:s21], $0xC80  }
0x292: {  	[sflag:s21] =	ssyncset.done $0x0  }
0x293: {  	s28 =	simm.s32 $0xE120;
	[sflag:s21] =	ssyncadd.s32 $0xFFFFF380  }
0x294: {  	v1 =	vld [tilespmem:s28+$0xFFFFFFE0];
	_ =	sdelay $0x1  }
0x295: {  	v5 =	vld [tilespmem:s28+$0xFFFFFFF0];
	_ =	sdelay $0x1  }
0x296: {  	v0 =	vld [tilespmem:s28+$0x0]  }
0x297: {  	v3 =	vimm.f32 $0.0e+00;
	v2 =	vshll.u32 v1, $0x10;
	v1 =	vand.u32 $0xFFFF0000, v1  }
0x298: {  	v2 =	vadd.f32 v2, v3;
	v3 =	vadd.f32 v1, v3;
	v1 =	vld [tilespmem:s28+$0x10]  }
0x299: {  	s26 =	simm.s32 $0x0;
	v4 =	vshll.u32 v5, $0x10;
	v5 =	vand.u32 $0xFFFF0000, v5;
	s28 =	simm.s32 $0xE160  }
.LBB2_62:
0x29a: {  	v6 =	vld [tilespmem:s28+$0xFFFFFFE0];
	s26 =	sadd.s32 $0x4, s26;
	v2 =	vadd.f32 v4, v2;
	v3 =	vadd.f32 v5, v3  }
0x29b: {  	p2 =	slt.u32 s26, $0xC4;
	v4 =	vshll.u32 v0, $0x10;
	v0 =	vand.u32 $0xFFFF0000, v0  }
0x29c: {  	v5 =	vld [tilespmem:s28+$0xFFFFFFF0];
	v2 =	vadd.f32 v4, v2;
	v3 =	vadd.f32 v0, v3  }
.Ltmp30:
0x29d: {  	v4 =	vshll.u32 v1, $0x10;
	v1 =	vand.u32 $0xFFFF0000, v1;
	(pc) =	sbr.rel @p2 .LBB2_62-.Ltmp30, $4  }
0x29e: {  	v0 =	vld [tilespmem:s28+$0x0];
	v2 =	vadd.f32 v4, v2;
	v1 =	vadd.f32 v1, v3  }
0x29f: {  	v3 =	vshll.u32 v6, $0x10;
	v4 =	vand.u32 $0xFFFF0000, v6  }
0x2a0: {  	v2 =	vadd.f32 v3, v2;
	v3 =	vadd.f32 v4, v1;
	v1 =	vld [tilespmem:s28+$0x10]  }
0x2a1: {  	s28 =	sadd.s32 $0x40, s28;
	v4 =	vshll.u32 v5, $0x10;
	v5 =	vand.u32 $0xFFFF0000, v5  }
0x2a2: {  	v2 =	vadd.f32 v4, v2  }
0x2a3: {  	v3 =	vadd.f32 v5, v3;
	v4 =	vshll.u32 v0, $0x10  }
0x2a4: {  	v0 =	vand.u32 $0xFFFF0000, v0;
	v2 =	vadd.f32 v4, v2  }
0x2a5: {  	v0 =	vadd.f32 v0, v3;
	v3 =	vshll.u32 v1, $0x10  }
0x2a6: {  	v1 =	vand.u32 $0xFFFF0000, v1;
	v2 =	vadd.f32 v3, v2  }
0x2a7: {  	v0 =	vadd.f32 v1, v0  }
0x2a8: {  	[tilespmem:$0xFAE0] =	vst v2  }
0x2a9: {  	[tilespmem:$0xFBE0] =	vst v0  }
0x2aa: {  	_ =	swait.ge [sflag:s22], $0xC80  }
0x2ab: {  	[sflag:s22] =	ssyncset.done $0x0  }
0x2ac: {  	s28 =	simm.s32 $0xEDA0;
	[sflag:s22] =	ssyncadd.s32 $0xFFFFF380  }
0x2ad: {  	v1 =	vld [tilespmem:s28+$0xFFFFFFE0];
	_ =	sdelay $0x1  }
0x2ae: {  	v5 =	vld [tilespmem:s28+$0xFFFFFFF0];
	_ =	sdelay $0x1  }
0x2af: {  	v0 =	vld [tilespmem:s28+$0x0]  }
0x2b0: {  	v3 =	vimm.f32 $0.0e+00;
	v2 =	vshll.u32 v1, $0x10;
	v1 =	vand.u32 $0xFFFF0000, v1  }
0x2b1: {  	v2 =	vadd.f32 v2, v3;
	v3 =	vadd.f32 v1, v3;
	v1 =	vld [tilespmem:s28+$0x10]  }
0x2b2: {  	s26 =	simm.s32 $0x0;
	v4 =	vshll.u32 v5, $0x10;
	v5 =	vand.u32 $0xFFFF0000, v5;
	s28 =	simm.s32 $0xEDE0  }
.LBB2_64:
0x2b3: {  	v6 =	vld [tilespmem:s28+$0xFFFFFFE0];
	s26 =	sadd.s32 $0x4, s26;
	v2 =	vadd.f32 v4, v2;
	v3 =	vadd.f32 v5, v3  }
0x2b4: {  	p2 =	slt.u32 s26, $0xC4;
	v4 =	vshll.u32 v0, $0x10;
	v0 =	vand.u32 $0xFFFF0000, v0  }
0x2b5: {  	v5 =	vld [tilespmem:s28+$0xFFFFFFF0];
	v2 =	vadd.f32 v4, v2;
	v3 =	vadd.f32 v0, v3  }
.Ltmp31:
0x2b6: {  	v4 =	vshll.u32 v1, $0x10;
	v1 =	vand.u32 $0xFFFF0000, v1;
	(pc) =	sbr.rel @p2 .LBB2_64-.Ltmp31, $4  }
0x2b7: {  	v0 =	vld [tilespmem:s28+$0x0];
	v2 =	vadd.f32 v4, v2;
	v1 =	vadd.f32 v1, v3  }
0x2b8: {  	v3 =	vshll.u32 v6, $0x10;
	v4 =	vand.u32 $0xFFFF0000, v6  }
0x2b9: {  	v2 =	vadd.f32 v3, v2;
	v3 =	vadd.f32 v4, v1;
	v1 =	vld [tilespmem:s28+$0x10]  }
0x2ba: {  	s28 =	sadd.s32 $0x40, s28;
	v4 =	vshll.u32 v5, $0x10;
	v5 =	vand.u32 $0xFFFF0000, v5  }
0x2bb: {  	v2 =	vadd.f32 v4, v2  }
0x2bc: {  	v3 =	vadd.f32 v5, v3;
	v60 =	vshll.u32 v0, $0x10  }
0x2bd: {  	v61 =	vand.u32 $0xFFFF0000, v0;
	v2 =	vadd.f32 v60, v2  }
0x2be: {  	v0 =	vadd.f32 v61, v3;
	v62 =	vshll.u32 v1, $0x10  }
0x2bf: {  	v63 =	vand.u32 $0xFFFF0000, v1;
	v2 =	vadd.f32 v62, v2  }
0x2c0: {  	v0 =	vadd.f32 v63, v0  }
0x2c1: {  	[tilespmem:$0xFAF0] =	vst v2  }
0x2c2: {  	[tilespmem:$0xFBF0] =	vst v0  }
0x2c3: {  	[hbm4b:s7+s5] =	stream.linear.scatter [tilespmem:s23], [sflag:$0x3], $0x100, $0x38;
	[tilespmem:$0x1F028] =	vst v63  }
0x2c4: {  	s25 =	sadd.s32 $0x1, s25;
	_ =	swait.ge [sflag:s12], $0x100  }
0x2c5: {  	p2 =	sne.s32 s25, s9;
	[sflag:s12] =	ssyncset.done $0x0  }
.Ltmp32:
0x2c6: {  	[sflag:s12] =	ssyncadd.s32 $0xFFFFFF00;
	(pc) =	sbr.rel @p2 .LBB2_1-.Ltmp32, $4  }
0x2c7: {  	[hbm4b:s8+s5] =	stream.linear.scatter [tilespmem:s24], [sflag:$0x3], $0x100, $0x38;
	[tilespmem:$0x1F028] =	vst v63  }
0x2c8: {  	_ =	swait.ge [sflag:s12], $0x100  }
0x2c9: {  	[sflag:s12] =	ssyncset.done $0x0  }
0x2ca: {  	[sflag:s12] =	ssyncadd.s32 $0xFFFFFF00  }
0x2cb: {  	_ =	sfence.sel $0x180000  }
0x2cc: {  	[bflag:$0x0] =	sbarrier.arrive $0xFFFF  }
0x2cd: {  	p0 =	sne.s32 s3, $0x0;
	_ =	strace $0x90000047  }
0x2ce: {  	s0 =	sadd.s32 @!p0 $0x100000, s0;
	[bflag:$0x2] =	sbarrier.arrive $0xFFFF  }
0x2cf: {  	[sflag:s0] =	ssyncadd.tile.s32 @!p0 $0x1;
	_ =	shalt  }
.Lfunc_end2:
_tile_overlayer_lowered:
.L_overlay_start_2:
0x2d0: {  	(tag) =	ssettag $0x2  }
0x2d1: {  	s0 =	rddreg [dreg:$0x0];
	s2 =	stileid.u32  }
0x2d2: {  	s1 =	rddreg [dreg:$0x1];
	p0 =	sne.s32 s2, $0x0  }
0x2d3: {  	s3 =	rddreg [dreg:$0x2];
	[bflag:$0x3] =	sbarrier.arrive $0xFFFF;
	s2 =	simm.s32 @!p0 $0x1C03  }
0x2d4: {  	[timem:s3], [sflag:s2] =	dma.local @!p0 [hbm:s0], s1  }
0x2d5: {  	s0 =	simm.s32 @!p0 $0x3  }
0x2d6: {  	_ =	swait.ge @!p0 [sflag:s0], s1  }
0x2d7: {  	s1 =	ssub.s32 @!p0 $0x0, s1;
	[sflag:s0] =	ssyncset.done @!p0 $0x0  }
0x2d8: {  	[sflag:s0] =	ssyncadd.s32 @!p0 s1  }
0x2d9: {  	[bflag:$0x3] =	sbarrier.arrive $0xFFFF  }
0x2da: {  	_ =	shalt  }

</sc_bundles>
